<compile_context>
chip_gen: v7x
topology: tpu7x:2x2x1
jax: 0.10.2.dev20260603
libtpu: 0.0.44.dev20260713+nightly
codegen_flags: <defaults>
</compile_context>

<pallas_src>
import dataclasses
import functools

import jax
import jax.numpy as jnp
from jax import lax
from jax.experimental import pallas as pl
from jax.experimental.pallas import tpu as pltpu
from jax.experimental.pallas import tpu_sc as plsc

N = 10000
E = 320000
D = 128
B = 128
NC, NS = 2, 16
NW = NC * NS
ROWS = (E + B - 1) // B
BPW = (-(-ROWS // NW) + 7) // 8 * 8
ROWS_PAD = BPW * NW
NPAD = -(-(N + 1) // (NS * 8)) * NS * 8
RPT = NPAD // NS
HW = NPAD // 2
RB = 8
CHUNKS = BPW // RB
ROWS_ALL = ROWS_PAD + RB


def _sc_scatter(feat, edges3d, z128):
  mesh = plsc.VectorSubcoreMesh(
      core_axis_name="c", subcore_axis_name="s", num_cores=NC, num_subcores=NS)
  cp = pltpu.CompilerParams()
  if "needs_layout_passes" in pltpu.CompilerParams.__dataclass_fields__:
    cp = dataclasses.replace(cp, needs_layout_passes=False)

  @functools.partial(
      pl.kernel,
      compiler_params=cp,
      out_type=[
          jax.ShapeDtypeStruct((NC, NPAD, D), jnp.float32),
          jax.ShapeDtypeStruct((NC, NS, HW), jnp.int32),
      ],
      mesh=mesh,
      scratch_types=[
          pltpu.VMEM((RB, B), jnp.int32),
          pltpu.VMEM((RB, B), jnp.int32),
          pltpu.VMEM((B, D), jnp.float32),
          pltpu.VMEM((B, D), jnp.float32),
          pltpu.VMEM((HW,), jnp.int32),
          pltpu.VMEM_SHARED((NPAD, D), jnp.float32),
          pltpu.SemaphoreType.DMA,
          pltpu.SemaphoreType.DMA,
          pltpu.SemaphoreType.DMA,
      ],
  )
  def k(feat_hbm, e_hbm, z128_hbm,
        psum_hbm, pdeg_hbm, src_v, dst_v, gb0, gb1, hist_v, ssum,
        gsem, scsem, rsem):
    c = lax.axis_index("c")
    s = lax.axis_index("s")
    wid = c * NS + s
    row0 = wid * BPW
    srow = s * RPT
    lane = lax.iota(jnp.int32, 16)
    gb = (gb0, gb1)

    pltpu.async_copy(e_hbm.at[0, pl.ds(row0, RB)], src_v, rsem)

    pltpu.sync_copy(z128_hbm, ssum.at[pl.ds(srow, RPT)])

    def zro(i, carry):
      hist_v[pl.ds(i * 16, 16)] = jnp.zeros((16,), jnp.int32)
      return carry

    lax.fori_loop(0, HW // 16, zro, 0)
    plsc.subcore_barrier()

    def hist_batch(j):
      def hst(g, carry2):
        dvec = dst_v[j, pl.ds(g * 16, 16)]
        lo = dvec < HW
        wvec = jnp.where(lo, dvec, dvec - HW)
        for half, addshift in ((lo, 0), (jnp.logical_not(lo), 16)):
          cnt, last = plsc.scan_count(dvec, mask=half)
          cur = plsc.load_gather(hist_v, [wvec])
          upd = cur + lax.shift_left(cnt, addshift)
          plsc.store_scatter(hist_v, [wvec], upd, mask=last)
        return carry2

      lax.fori_loop(0, B // 16, hst, 0)

    def gather(j, buf):
      return pltpu.async_copy(feat_hbm.at[src_v.at[j]], buf, gsem)

    def scatter(j, buf):
      return pltpu.async_copy(buf, ssum.at[dst_v.at[j]], scsem, add=True)

    def wait_sc():
      pltpu.make_async_copy(gb1, ssum.at[dst_v.at[RB - 1]], scsem).wait()

    def wait_src_prefetch():
      pltpu.make_async_copy(e_hbm.at[0, pl.ds(0, RB)], src_v, rsem).wait()

    def chunk_body(ci, first):
      wait_src_prefetch()
      g0 = gather(0, gb0)
      if not first:
        wait_sc()
      pltpu.sync_copy(e_hbm.at[1, pl.ds(row0 + ci * RB, RB)], dst_v)
      g0.wait()
      gnext = gather(1, gb1)
      sc = scatter(0, gb0)
      hist_batch(0)
      for j in range(1, RB):
        gnext.wait()
        sc.wait()
        if j < RB - 1:
          gnext = gather(j + 1, gb[(j + 1) % 2])
        else:
          pltpu.async_copy(
              e_hbm.at[0, pl.ds(row0 + (ci + 1) * RB, RB)], src_v, rsem)
        sc = scatter(j, gb[j % 2])
        hist_batch(j)

    chunk_body(0, True)

    def chunk(ci, carry):
      chunk_body(ci, False)
      return carry

    lax.fori_loop(1, CHUNKS, chunk, 0)
    wait_sc()
    wait_src_prefetch()
    plsc.subcore_barrier()

    pltpu.sync_copy(ssum.at[pl.ds(srow, RPT)], psum_hbm.at[c, pl.ds(srow, RPT)])
    pltpu.sync_copy(hist_v, pdeg_hbm.at[c, s])

  return k(feat, edges3d, z128)


def _combine_body(ps_ref, pd_ref, o_ref):
  ssum = ps_ref[0] + ps_ref[1]
  pd = pd_ref[...]
  dlow = jnp.sum(jnp.bitwise_and(pd, 0xFFFF), axis=(0, 1)).astype(jnp.float32)
  dhigh = jnp.sum(lax.shift_right_logical(pd, 16), axis=(0, 1)).astype(jnp.float32)
  rlow = 1.0 / jnp.maximum(dlow, 1.0)
  rhigh = 1.0 / jnp.maximum(dhigh, 1.0)
  rdeg = jnp.concatenate([rlow, rhigh])
  o_ref[...] = (ssum * rdeg[:, None])[:N]


def _combine(psum, pdeg):
  return pl.pallas_call(
      _combine_body,
      out_shape=jax.ShapeDtypeStruct((N, D), jnp.float32),
  )(psum, pdeg)


@jax.jit
def kernel(feat, edge_index):
  e3 = edge_index.astype(jnp.int32).reshape(2, ROWS, B)
  pad = ROWS_ALL * B - E
  pad_src = (jnp.arange(pad, dtype=jnp.int32) % 16).reshape(-1, B)
  pad_dst = (N + jnp.arange(pad, dtype=jnp.int32) % (NPAD - N)).reshape(-1, B)
  edges3d = jnp.concatenate([e3, jnp.stack([pad_src, pad_dst])], axis=1)
  z128 = jnp.zeros((RPT, D), jnp.float32)
  psum, pdeg = _sc_scatter(feat, edges3d, z128)
  return _combine(psum, pdeg)

# --- scband reference (transcript-rebuilt; emitter-appended) ---
"""Pipeline reference for scband-pooling-84928683311564 (READ-ONLY COPY).

The authoritative reference and input builder live on the scoring server;
editing this copy changes nothing except your own understanding.
"""

import jax, jax.numpy as jnp
import numpy as np

N_NODES = 10000
N_EDGES = 320000
D_FEAT = 128

def setup_inputs(seed: int = 0) -> dict:
    key = jax.random.key(seed)
    k1, k2 = jax.random.split(key, 2)
    feat = jax.random.normal(k1, (N_NODES, D_FEAT), dtype=jnp.float32)
    edge_index = jax.random.randint(k2, (2, N_EDGES), 0, N_NODES, dtype=jnp.int64)
    return {"feat": feat, "edge_index": edge_index}

def reference(feat, edge_index):
    # GraphSAGE 'mean' aggregator (DGL Pooling.forward with aggregator_type='mean'):
    #   graph.update_all(copy_src('h','m'), mean('m','neigh'))
    # i.e. for each dst node, mean over incoming source features.
    # feat_drop with p=0.0 is identity. pooling_residual is None -> return h_neigh.
    src = edge_index[0]
    dst = edge_index[1]
    msgs = jnp.take(feat, src, axis=0)                      # gather: [E, D]
    summed = jax.ops.segment_sum(msgs, dst, num_segments=N_NODES)  # scatter-add: [N, D]
    deg = jax.ops.segment_sum(jnp.ones((src.shape[0],), dtype=feat.dtype), dst,
                              num_segments=N_NODES)          # in-degrees: [N]
    # DGL mean reducer yields 0 for zero in-degree nodes; clamp deg to avoid div-by-zero
    h_neigh = summed / jnp.maximum(deg, 1.0)[:, None]
    return h_neigh

if __name__ == "__main__":
    import jax
    _d = setup_inputs()
    print(jax.jit(kernel)(*tuple(_d.values())))

</pallas_src>

<mosaic_0001>
#map = affine_map<(d0, d1) -> (0, 0)>
#map1 = affine_map<(d0, d1) -> (0, 0, 0)>
module attributes {stable_mosaic.version = 14 : i64} {
  func.func @k(%arg0: i32, %arg1: i32, %arg2: memref<10000x128xf32, #tpu.memory_space<hbm>>, %arg3: memref<2x2568x128xi32, #tpu.memory_space<hbm>>, %arg4: memref<632x128xf32, #tpu.memory_space<hbm>>, %arg5: memref<2x10112x128xf32, #tpu.memory_space<hbm>>, %arg6: memref<2x16x5056xi32, #tpu.memory_space<hbm>>, %arg7: memref<8x128xi32, #tpu.memory_space<vmem>>, %arg8: memref<8x128xi32, #tpu.memory_space<vmem>>, %arg9: memref<128x128xf32, #tpu.memory_space<vmem>>, %arg10: memref<128x128xf32, #tpu.memory_space<vmem>>, %arg11: memref<5056xi32, #tpu.memory_space<vmem>>, %arg12: memref<10112x128xf32, #tpu.memory_space<vmem_shared>>, %arg13: memref<!tpu.dma_semaphore, #tpu.memory_space<semaphore_mem>>, %arg14: memref<!tpu.dma_semaphore, #tpu.memory_space<semaphore_mem>>, %arg15: memref<!tpu.dma_semaphore, #tpu.memory_space<semaphore_mem>>) attributes {dimension_semantics = [#tpu.dimension_semantics<core_parallel>, #tpu.dimension_semantics<subcore_parallel>], iteration_bounds = array<i64: 2, 16>, scalar_prefetch = 0 : i64, scratch_operands = 9 : i64, tpu.core_type = #tpu.core_type<sc_vector_subcore>, window_params = [{transform_indices = #map}, {transform_indices = #map1}, {transform_indices = #map}, {transform_indices = #map1}, {transform_indices = #map1}]} {
    %mul3A = arith.constant 16 : i32
    %mul3A_0 = arith.muli %arg0, %mul3A : i32
    %add3A = arith.addi %mul3A_0, %arg1 : i32
    %mul3A_1 = arith.constant 80 : i32
    %mul3A_2 = arith.muli %add3A, %mul3A_1 : i32
    %mul3A_3 = arith.constant 632 : i32
    %mul3A_4 = arith.muli %arg1, %mul3A_3 : i32
    %iota3A = tpu.iota {dimensions = array<i32: 0>} : vector<16xi32>
    %dma_start3A = arith.constant 0 : i32
    %dma_start3A_5 = arith.constant 0 : i32
    %dma_start3A_6 = tpu.memref_slice %arg3[%dma_start3A, %mul3A_2, %dma_start3A_5] : memref<2x2568x128xi32, #tpu.memory_space<hbm>> -> memref<1x8x128xi32, #tpu.memory_space<hbm>>
    %dma_start3A_7 = tpu.memref_squeeze %dma_start3A_6 : memref<1x8x128xi32, #tpu.memory_space<hbm>> -> memref<8x128xi32, #tpu.memory_space<hbm>>
    %dma_start3A_8 = arith.constant 0 : i32
    %dma_start3A_9 = tpu.memref_slice %arg3[%dma_start3A, %mul3A_2, %dma_start3A_8] : memref<2x2568x128xi32, #tpu.memory_space<hbm>> -> memref<1x8x128xi32, #tpu.memory_space<hbm>>
    %dma_start3A_10 = tpu.memref_squeeze %dma_start3A_9 : memref<1x8x128xi32, #tpu.memory_space<hbm>> -> memref<8x128xi32, #tpu.memory_space<hbm>>
    tpu.enqueue_dma source(%dma_start3A_10 : memref<8x128xi32, #tpu.memory_space<hbm>>) target(%arg7 : memref<8x128xi32, #tpu.memory_space<vmem>>) target_semaphore(%arg15 : memref<!tpu.dma_semaphore, #tpu.memory_space<semaphore_mem>>)
    "tpu.region"() ({
      %run_scoped3A_323 = tpu.sem_alloc : memref<!tpu.dma_semaphore, #tpu.memory_space<semaphore_mem>>
      %dma_start3A_324 = arith.constant 0 : i32
      %dma_start3A_325 = tpu.memref_slice %arg12[%mul3A_4, %dma_start3A_324] : memref<10112x128xf32, #tpu.memory_space<vmem_shared>> -> memref<632x128xf32, #tpu.memory_space<vmem_shared>>
      tpu.enqueue_dma source(%arg4 : memref<632x128xf32, #tpu.memory_space<hbm>>) target(%dma_start3A_325 : memref<632x128xf32, #tpu.memory_space<vmem_shared>>) target_semaphore(%run_scoped3A_323 : memref<!tpu.dma_semaphore, #tpu.memory_space<semaphore_mem>>)
      %dma_wait3A_326 = arith.constant 0 : i32
      %dma_wait3A_327 = tpu.memref_slice %arg12[%mul3A_4, %dma_wait3A_326] : memref<10112x128xf32, #tpu.memory_space<vmem_shared>> -> memref<632x128xf32, #tpu.memory_space<vmem_shared>>
      tpu.wait_dma2 semaphore(%run_scoped3A_323 : memref<!tpu.dma_semaphore, #tpu.memory_space<semaphore_mem>>) src(%arg4 : memref<632x128xf32, #tpu.memory_space<hbm>>) dst(%dma_wait3A_327 : memref<632x128xf32, #tpu.memory_space<vmem_shared>>)
      tpu.yield
    }) : () -> ()
    %scan3A = arith.constant 0 : i32
    %scan3A_11 = arith.constant 0 : i32
    %scan3A_12 = arith.constant 316 : i32
    %scan3A_13 = arith.addi %scan3A_11, %scan3A_12 : i32
    %scan3A_14 = arith.constant 1 : i32
    scf.for %scan3A_323 = %scan3A_11 to %scan3A_13 step %scan3A_14  : i32 {
      %broadcast_in_dim3A = arith.constant 0 : i32
      %broadcast_in_dim3A_324 = vector.broadcast %broadcast_in_dim3A : i32 to vector<16xi32>
      %mul3A_325 = arith.constant 16 : i32
      %mul3A_326 = arith.muli %scan3A_323, %mul3A_325 : i32
      %swap3A = arith.index_cast %mul3A_326 : i32 to index
      %swap3A_327 = tpu.vector_load %arg11[%swap3A] {strides = array<i32>} : memref<5056xi32, #tpu.memory_space<vmem>>, vector<16xi32>,
      tpu.vector_store %arg11[%swap3A], %broadcast_in_dim3A_324 {strides = array<i32>} : memref<5056xi32, #tpu.memory_space<vmem>>, vector<16xi32>,
    }
    %scan3A_15 = arith.constant 316 : i32
    %barrier3A = arith.constant 0 : index
    tpu.barrier barrier_id(%barrier3A)
    %dma_wait3A = arith.constant 0 : i32
    %dma_wait3A_16 = arith.constant 0 : i32
    %dma_wait3A_17 = arith.constant 0 : i32
    %dma_wait3A_18 = tpu.memref_slice %arg3[%dma_wait3A, %dma_wait3A_16, %dma_wait3A_17] : memref<2x2568x128xi32, #tpu.memory_space<hbm>> -> memref<1x8x128xi32, #tpu.memory_space<hbm>>
    %dma_wait3A_19 = tpu.memref_squeeze %dma_wait3A_18 : memref<1x8x128xi32, #tpu.memory_space<hbm>> -> memref<8x128xi32, #tpu.memory_space<hbm>>
    %dma_wait3A_20 = arith.constant 0 : i32
    %dma_wait3A_21 = arith.constant 0 : i32
    %dma_wait3A_22 = tpu.memref_slice %arg3[%dma_wait3A, %dma_wait3A_20, %dma_wait3A_21] : memref<2x2568x128xi32, #tpu.memory_space<hbm>> -> memref<1x8x128xi32, #tpu.memory_space<hbm>>
    %dma_wait3A_23 = tpu.memref_squeeze %dma_wait3A_22 : memref<1x8x128xi32, #tpu.memory_space<hbm>> -> memref<8x128xi32, #tpu.memory_space<hbm>>
    tpu.wait_dma2 semaphore(%arg15 : memref<!tpu.dma_semaphore, #tpu.memory_space<semaphore_mem>>) src(%dma_wait3A_23 : memref<8x128xi32, #tpu.memory_space<hbm>>) dst(%arg7 : memref<8x128xi32, #tpu.memory_space<vmem>>)
    %dma_start3A_24 = arith.constant 0 : i32
    %dma_start3A_25 = arith.constant 0 : i32
    %dma_start3A_26 = tpu.memref_slice %arg7[%dma_start3A_24, %dma_start3A_25] : memref<8x128xi32, #tpu.memory_space<vmem>> -> memref<1x128xi32, #tpu.memory_space<vmem>>
    %dma_start3A_27 = tpu.memref_squeeze %dma_start3A_26 : memref<1x128xi32, #tpu.memory_space<vmem>> -> memref<128xi32, #tpu.memory_space<vmem>>
    %dma_start3A_28 = arith.constant 0 : i32
    %dma_start3A_29 = arith.constant 0 : i32
    %dma_start3A_30 = tpu.memref_slice %arg2[%dma_start3A_28, %dma_start3A_29] : memref<10000x128xf32, #tpu.memory_space<hbm>> -> memref<10000x128xf32, #tpu.memory_space<hbm>>
    tpu.enqueue_indirect_dma source(%dma_start3A_30 : memref<10000x128xf32, #tpu.memory_space<hbm>>) target(%arg9 : memref<128x128xf32, #tpu.memory_space<vmem>>) offsets(%dma_start3A_27 : memref<128xi32, #tpu.memory_space<vmem>>) semaphore(%arg13 : memref<!tpu.dma_semaphore, #tpu.memory_space<semaphore_mem>>)
    %add3A_31 = arith.constant 0 : i32
    %add3A_32 = arith.addi %mul3A_2, %add3A_31 : i32
    %run_scoped3A = arith.constant 1 : i32
    "tpu.region"() ({
      %run_scoped3A_323 = tpu.sem_alloc : memref<!tpu.dma_semaphore, #tpu.memory_space<semaphore_mem>>
      %dma_start3A_324 = arith.constant 0 : i32
      %dma_start3A_325 = tpu.memref_slice %arg3[%run_scoped3A, %add3A_32, %dma_start3A_324] : memref<2x2568x128xi32, #tpu.memory_space<hbm>> -> memref<1x8x128xi32, #tpu.memory_space<hbm>>
      %dma_start3A_326 = tpu.memref_squeeze %dma_start3A_325 : memref<1x8x128xi32, #tpu.memory_space<hbm>> -> memref<8x128xi32, #tpu.memory_space<hbm>>
      %dma_start3A_327 = arith.constant 0 : i32
      %dma_start3A_328 = tpu.memref_slice %arg3[%run_scoped3A, %add3A_32, %dma_start3A_327] : memref<2x2568x128xi32, #tpu.memory_space<hbm>> -> memref<1x8x128xi32, #tpu.memory_space<hbm>>
      %dma_start3A_329 = tpu.memref_squeeze %dma_start3A_328 : memref<1x8x128xi32, #tpu.memory_space<hbm>> -> memref<8x128xi32, #tpu.memory_space<hbm>>
      tpu.enqueue_dma source(%dma_start3A_329 : memref<8x128xi32, #tpu.memory_space<hbm>>) target(%arg8 : memref<8x128xi32, #tpu.memory_space<vmem>>) target_semaphore(%run_scoped3A_323 : memref<!tpu.dma_semaphore, #tpu.memory_space<semaphore_mem>>)
      %dma_wait3A_330 = arith.constant 0 : i32
      %dma_wait3A_331 = tpu.memref_slice %arg3[%run_scoped3A, %add3A_32, %dma_wait3A_330] : memref<2x2568x128xi32, #tpu.memory_space<hbm>> -> memref<1x8x128xi32, #tpu.memory_space<hbm>>
      %dma_wait3A_332 = tpu.memref_squeeze %dma_wait3A_331 : memref<1x8x128xi32, #tpu.memory_space<hbm>> -> memref<8x128xi32, #tpu.memory_space<hbm>>
      %dma_wait3A_333 = arith.constant 0 : i32
      %dma_wait3A_334 = tpu.memref_slice %arg3[%run_scoped3A, %add3A_32, %dma_wait3A_333] : memref<2x2568x128xi32, #tpu.memory_space<hbm>> -> memref<1x8x128xi32, #tpu.memory_space<hbm>>
      %dma_wait3A_335 = tpu.memref_squeeze %dma_wait3A_334 : memref<1x8x128xi32, #tpu.memory_space<hbm>> -> memref<8x128xi32, #tpu.memory_space<hbm>>
      tpu.wait_dma2 semaphore(%run_scoped3A_323 : memref<!tpu.dma_semaphore, #tpu.memory_space<semaphore_mem>>) src(%dma_wait3A_335 : memref<8x128xi32, #tpu.memory_space<hbm>>) dst(%arg8 : memref<8x128xi32, #tpu.memory_space<vmem>>)
      tpu.yield
    }) : () -> ()
    %dma_wait3A_33 = arith.constant 0 : i32
    %dma_wait3A_34 = arith.constant 0 : i32
    %dma_wait3A_35 = tpu.memref_slice %arg7[%dma_wait3A_33, %dma_wait3A_34] : memref<8x128xi32, #tpu.memory_space<vmem>> -> memref<1x128xi32, #tpu.memory_space<vmem>>
    %dma_wait3A_36 = tpu.memref_squeeze %dma_wait3A_35 : memref<1x128xi32, #tpu.memory_space<vmem>> -> memref<128xi32, #tpu.memory_space<vmem>>
    %dma_wait3A_37 = arith.constant 0 : i32
    %dma_wait3A_38 = arith.constant 0 : i32
    %dma_wait3A_39 = tpu.memref_slice %arg2[%dma_wait3A_37, %dma_wait3A_38] : memref<10000x128xf32, #tpu.memory_space<hbm>> -> memref<10000x128xf32, #tpu.memory_space<hbm>>
    tpu.wait_indirect_dma semaphore(%arg13 : memref<!tpu.dma_semaphore, #tpu.memory_space<semaphore_mem>>) src(%dma_wait3A_39 : memref<10000x128xf32, #tpu.memory_space<hbm>>) dst(%arg9 : memref<128x128xf32, #tpu.memory_space<vmem>>)
    %dma_start3A_40 = arith.constant 1 : i32
    %dma_start3A_41 = arith.constant 0 : i32
    %dma_start3A_42 = tpu.memref_slice %arg7[%dma_start3A_40, %dma_start3A_41] : memref<8x128xi32, #tpu.memory_space<vmem>> -> memref<1x128xi32, #tpu.memory_space<vmem>>
    %dma_start3A_43 = tpu.memref_squeeze %dma_start3A_42 : memref<1x128xi32, #tpu.memory_space<vmem>> -> memref<128xi32, #tpu.memory_space<vmem>>
    %dma_start3A_44 = arith.constant 0 : i32
    %dma_start3A_45 = arith.constant 0 : i32
    %dma_start3A_46 = tpu.memref_slice %arg2[%dma_start3A_44, %dma_start3A_45] : memref<10000x128xf32, #tpu.memory_space<hbm>> -> memref<10000x128xf32, #tpu.memory_space<hbm>>
    tpu.enqueue_indirect_dma source(%dma_start3A_46 : memref<10000x128xf32, #tpu.memory_space<hbm>>) target(%arg10 : memref<128x128xf32, #tpu.memory_space<vmem>>) offsets(%dma_start3A_43 : memref<128xi32, #tpu.memory_space<vmem>>) semaphore(%arg13 : memref<!tpu.dma_semaphore, #tpu.memory_space<semaphore_mem>>)
    %dma_start3A_47 = arith.constant 0 : i32
    %dma_start3A_48 = arith.constant 0 : i32
    %dma_start3A_49 = tpu.memref_slice %arg8[%dma_start3A_47, %dma_start3A_48] : memref<8x128xi32, #tpu.memory_space<vmem>> -> memref<1x128xi32, #tpu.memory_space<vmem>>
    %dma_start3A_50 = tpu.memref_squeeze %dma_start3A_49 : memref<1x128xi32, #tpu.memory_space<vmem>> -> memref<128xi32, #tpu.memory_space<vmem>>
    %dma_start3A_51 = arith.constant 0 : i32
    %dma_start3A_52 = arith.constant 0 : i32
    %dma_start3A_53 = tpu.memref_slice %arg12[%dma_start3A_51, %dma_start3A_52] : memref<10112x128xf32, #tpu.memory_space<vmem_shared>> -> memref<10112x128xf32, #tpu.memory_space<vmem_shared>>
    tpu.enqueue_indirect_dma source(%arg9 : memref<128x128xf32, #tpu.memory_space<vmem>>) target(%dma_start3A_53 : memref<10112x128xf32, #tpu.memory_space<vmem_shared>>) offsets(%dma_start3A_50 : memref<128xi32, #tpu.memory_space<vmem>>) semaphore(%arg14 : memref<!tpu.dma_semaphore, #tpu.memory_space<semaphore_mem>>) {add = true}
    %scan3A_54 = arith.constant 0 : i32
    %scan3A_55 = arith.constant 0 : i32
    %scan3A_56 = arith.constant 8 : i32
    %scan3A_57 = arith.addi %scan3A_55, %scan3A_56 : i32
    %scan3A_58 = arith.constant 1 : i32
    scf.for %scan3A_323 = %scan3A_55 to %scan3A_57 step %scan3A_58  : i32 {
      %mul3A_324 = arith.constant 16 : i32
      %mul3A_325 = arith.muli %scan3A_323, %mul3A_324 : i32
      %get3A = arith.constant 0 : i32
      %get3A_326 = arith.index_cast %get3A : i32 to index
      %get3A_327 = arith.index_cast %mul3A_325 : i32 to index
      %get3A_328 = tpu.vector_load %arg8[%get3A_326, %get3A_327] {strides = array<i32>} : memref<8x128xi32, #tpu.memory_space<vmem>>, vector<16xi32>,
      %lt3A = arith.constant 5056 : i32
      %lt3A_329 = vector.broadcast %lt3A : i32 to vector<16xi32>
      %lt3A_330 = arith.cmpi slt, %get3A_328, %lt3A_329 : vector<16xi32>
      %sub3A = arith.constant 5056 : i32
      %sub3A_331 = vector.broadcast %sub3A : i32 to vector<16xi32>
      %sub3A_332 = arith.subi %get3A_328, %sub3A_331 : vector<16xi32>
      %select_n3A = arith.select %lt3A_330, %get3A_328, %sub3A_332 : vector<16xi1>, vector<16xi32>
      %not3A = arith.constant dense<true> : vector<16xi1>
      %not3A_333 = arith.xori %lt3A_330, %not3A : vector<16xi1>
      %unique3A, %unique3A_334 = tpu.scan_count mask(%lt3A_330 : vector<16xi1>) value(%get3A_328 : vector<16xi32>) : vector<16xi1>, vector<16xi32>
      %gather3A = tpu.vector_load_idx %arg11[%select_n3A] : memref<5056xi32, #tpu.memory_space<vmem>>[vector<16xi32>], vector<16xi32>,
      %shift_left3A = arith.constant 0 : i32
      %shift_left3A_335 = vector.broadcast %shift_left3A : i32 to vector<16xi32>
      %shift_left3A_336 = arith.shli %unique3A_334, %shift_left3A_335 : vector<16xi32>
      %add3A_337 = arith.addi %gather3A, %shift_left3A_336 : vector<16xi32>
      tpu.vector_store_idx %arg11[%select_n3A], %add3A_337 masked %unique3A : memref<5056xi32, #tpu.memory_space<vmem>>[vector<16xi32>], vector<16xi32>, vector<16xi1>
      %unique3A_338, %unique3A_339 = tpu.scan_count mask(%not3A_333 : vector<16xi1>) value(%get3A_328 : vector<16xi32>) : vector<16xi1>, vector<16xi32>
      %gather3A_340 = tpu.vector_load_idx %arg11[%select_n3A] : memref<5056xi32, #tpu.memory_space<vmem>>[vector<16xi32>], vector<16xi32>,
      %shift_left3A_341 = arith.constant 16 : i32
      %shift_left3A_342 = vector.broadcast %shift_left3A_341 : i32 to vector<16xi32>
      %shift_left3A_343 = arith.shli %unique3A_339, %shift_left3A_342 : vector<16xi32>
      %add3A_344 = arith.addi %gather3A_340, %shift_left3A_343 : vector<16xi32>
      tpu.vector_store_idx %arg11[%select_n3A], %add3A_344 masked %unique3A_338 : memref<5056xi32, #tpu.memory_space<vmem>>[vector<16xi32>], vector<16xi32>, vector<16xi1>
    }
    %scan3A_59 = arith.constant 8 : i32
    %dma_wait3A_60 = arith.constant 1 : i32
    %dma_wait3A_61 = arith.constant 0 : i32
    %dma_wait3A_62 = tpu.memref_slice %arg7[%dma_wait3A_60, %dma_wait3A_61] : memref<8x128xi32, #tpu.memory_space<vmem>> -> memref<1x128xi32, #tpu.memory_space<vmem>>
    %dma_wait3A_63 = tpu.memref_squeeze %dma_wait3A_62 : memref<1x128xi32, #tpu.memory_space<vmem>> -> memref<128xi32, #tpu.memory_space<vmem>>
    %dma_wait3A_64 = arith.constant 0 : i32
    %dma_wait3A_65 = arith.constant 0 : i32
    %dma_wait3A_66 = tpu.memref_slice %arg2[%dma_wait3A_64, %dma_wait3A_65] : memref<10000x128xf32, #tpu.memory_space<hbm>> -> memref<10000x128xf32, #tpu.memory_space<hbm>>
    tpu.wait_indirect_dma semaphore(%arg13 : memref<!tpu.dma_semaphore, #tpu.memory_space<semaphore_mem>>) src(%dma_wait3A_66 : memref<10000x128xf32, #tpu.memory_space<hbm>>) dst(%arg10 : memref<128x128xf32, #tpu.memory_space<vmem>>)
    %dma_wait3A_67 = arith.constant 0 : i32
    %dma_wait3A_68 = arith.constant 0 : i32
    %dma_wait3A_69 = tpu.memref_slice %arg8[%dma_wait3A_67, %dma_wait3A_68] : memref<8x128xi32, #tpu.memory_space<vmem>> -> memref<1x128xi32, #tpu.memory_space<vmem>>
    %dma_wait3A_70 = tpu.memref_squeeze %dma_wait3A_69 : memref<1x128xi32, #tpu.memory_space<vmem>> -> memref<128xi32, #tpu.memory_space<vmem>>
    %dma_wait3A_71 = arith.constant 0 : i32
    %dma_wait3A_72 = arith.constant 0 : i32
    %dma_wait3A_73 = tpu.memref_slice %arg12[%dma_wait3A_71, %dma_wait3A_72] : memref<10112x128xf32, #tpu.memory_space<vmem_shared>> -> memref<10112x128xf32, #tpu.memory_space<vmem_shared>>
    tpu.wait_indirect_dma semaphore(%arg14 : memref<!tpu.dma_semaphore, #tpu.memory_space<semaphore_mem>>) src(%arg9 : memref<128x128xf32, #tpu.memory_space<vmem>>) dst(%dma_wait3A_73 : memref<10112x128xf32, #tpu.memory_space<vmem_shared>>)
    %dma_start3A_74 = arith.constant 2 : i32
    %dma_start3A_75 = arith.constant 0 : i32
    %dma_start3A_76 = tpu.memref_slice %arg7[%dma_start3A_74, %dma_start3A_75] : memref<8x128xi32, #tpu.memory_space<vmem>> -> memref<1x128xi32, #tpu.memory_space<vmem>>
    %dma_start3A_77 = tpu.memref_squeeze %dma_start3A_76 : memref<1x128xi32, #tpu.memory_space<vmem>> -> memref<128xi32, #tpu.memory_space<vmem>>
    %dma_start3A_78 = arith.constant 0 : i32
    %dma_start3A_79 = arith.constant 0 : i32
    %dma_start3A_80 = tpu.memref_slice %arg2[%dma_start3A_78, %dma_start3A_79] : memref<10000x128xf32, #tpu.memory_space<hbm>> -> memref<10000x128xf32, #tpu.memory_space<hbm>>
    tpu.enqueue_indirect_dma source(%dma_start3A_80 : memref<10000x128xf32, #tpu.memory_space<hbm>>) target(%arg9 : memref<128x128xf32, #tpu.memory_space<vmem>>) offsets(%dma_start3A_77 : memref<128xi32, #tpu.memory_space<vmem>>) semaphore(%arg13 : memref<!tpu.dma_semaphore, #tpu.memory_space<semaphore_mem>>)
    %dma_start3A_81 = arith.constant 1 : i32
    %dma_start3A_82 = arith.constant 0 : i32
    %dma_start3A_83 = tpu.memref_slice %arg8[%dma_start3A_81, %dma_start3A_82] : memref<8x128xi32, #tpu.memory_space<vmem>> -> memref<1x128xi32, #tpu.memory_space<vmem>>
    %dma_start3A_84 = tpu.memref_squeeze %dma_start3A_83 : memref<1x128xi32, #tpu.memory_space<vmem>> -> memref<128xi32, #tpu.memory_space<vmem>>
    %dma_start3A_85 = arith.constant 0 : i32
    %dma_start3A_86 = arith.constant 0 : i32
    %dma_start3A_87 = tpu.memref_slice %arg12[%dma_start3A_85, %dma_start3A_86] : memref<10112x128xf32, #tpu.memory_space<vmem_shared>> -> memref<10112x128xf32, #tpu.memory_space<vmem_shared>>
    tpu.enqueue_indirect_dma source(%arg10 : memref<128x128xf32, #tpu.memory_space<vmem>>) target(%dma_start3A_87 : memref<10112x128xf32, #tpu.memory_space<vmem_shared>>) offsets(%dma_start3A_84 : memref<128xi32, #tpu.memory_space<vmem>>) semaphore(%arg14 : memref<!tpu.dma_semaphore, #tpu.memory_space<semaphore_mem>>) {add = true}
    %scan3A_88 = arith.constant 0 : i32
    %scan3A_89 = arith.constant 0 : i32
    %scan3A_90 = arith.constant 8 : i32
    %scan3A_91 = arith.addi %scan3A_89, %scan3A_90 : i32
    %scan3A_92 = arith.constant 1 : i32
    scf.for %scan3A_323 = %scan3A_89 to %scan3A_91 step %scan3A_92  : i32 {
      %mul3A_324 = arith.constant 16 : i32
      %mul3A_325 = arith.muli %scan3A_323, %mul3A_324 : i32
      %get3A = arith.constant 1 : i32
      %get3A_326 = arith.index_cast %get3A : i32 to index
      %get3A_327 = arith.index_cast %mul3A_325 : i32 to index
      %get3A_328 = tpu.vector_load %arg8[%get3A_326, %get3A_327] {strides = array<i32>} : memref<8x128xi32, #tpu.memory_space<vmem>>, vector<16xi32>,
      %lt3A = arith.constant 5056 : i32
      %lt3A_329 = vector.broadcast %lt3A : i32 to vector<16xi32>
      %lt3A_330 = arith.cmpi slt, %get3A_328, %lt3A_329 : vector<16xi32>
      %sub3A = arith.constant 5056 : i32
      %sub3A_331 = vector.broadcast %sub3A : i32 to vector<16xi32>
      %sub3A_332 = arith.subi %get3A_328, %sub3A_331 : vector<16xi32>
      %select_n3A = arith.select %lt3A_330, %get3A_328, %sub3A_332 : vector<16xi1>, vector<16xi32>
      %not3A = arith.constant dense<true> : vector<16xi1>
      %not3A_333 = arith.xori %lt3A_330, %not3A : vector<16xi1>
      %unique3A, %unique3A_334 = tpu.scan_count mask(%lt3A_330 : vector<16xi1>) value(%get3A_328 : vector<16xi32>) : vector<16xi1>, vector<16xi32>
      %gather3A = tpu.vector_load_idx %arg11[%select_n3A] : memref<5056xi32, #tpu.memory_space<vmem>>[vector<16xi32>], vector<16xi32>,
      %shift_left3A = arith.constant 0 : i32
      %shift_left3A_335 = vector.broadcast %shift_left3A : i32 to vector<16xi32>
      %shift_left3A_336 = arith.shli %unique3A_334, %shift_left3A_335 : vector<16xi32>
      %add3A_337 = arith.addi %gather3A, %shift_left3A_336 : vector<16xi32>
      tpu.vector_store_idx %arg11[%select_n3A], %add3A_337 masked %unique3A : memref<5056xi32, #tpu.memory_space<vmem>>[vector<16xi32>], vector<16xi32>, vector<16xi1>
      %unique3A_338, %unique3A_339 = tpu.scan_count mask(%not3A_333 : vector<16xi1>) value(%get3A_328 : vector<16xi32>) : vector<16xi1>, vector<16xi32>
      %gather3A_340 = tpu.vector_load_idx %arg11[%select_n3A] : memref<5056xi32, #tpu.memory_space<vmem>>[vector<16xi32>], vector<16xi32>,
      %shift_left3A_341 = arith.constant 16 : i32
      %shift_left3A_342 = vector.broadcast %shift_left3A_341 : i32 to vector<16xi32>
      %shift_left3A_343 = arith.shli %unique3A_339, %shift_left3A_342 : vector<16xi32>
      %add3A_344 = arith.addi %gather3A_340, %shift_left3A_343 : vector<16xi32>
      tpu.vector_store_idx %arg11[%select_n3A], %add3A_344 masked %unique3A_338 : memref<5056xi32, #tpu.memory_space<vmem>>[vector<16xi32>], vector<16xi32>, vector<16xi1>
    }
    %scan3A_93 = arith.constant 8 : i32
    %dma_wait3A_94 = arith.constant 2 : i32
    %dma_wait3A_95 = arith.constant 0 : i32
    %dma_wait3A_96 = tpu.memref_slice %arg7[%dma_wait3A_94, %dma_wait3A_95] : memref<8x128xi32, #tpu.memory_space<vmem>> -> memref<1x128xi32, #tpu.memory_space<vmem>>
    %dma_wait3A_97 = tpu.memref_squeeze %dma_wait3A_96 : memref<1x128xi32, #tpu.memory_space<vmem>> -> memref<128xi32, #tpu.memory_space<vmem>>
    %dma_wait3A_98 = arith.constant 0 : i32
    %dma_wait3A_99 = arith.constant 0 : i32
    %dma_wait3A_100 = tpu.memref_slice %arg2[%dma_wait3A_98, %dma_wait3A_99] : memref<10000x128xf32, #tpu.memory_space<hbm>> -> memref<10000x128xf32, #tpu.memory_space<hbm>>
    tpu.wait_indirect_dma semaphore(%arg13 : memref<!tpu.dma_semaphore, #tpu.memory_space<semaphore_mem>>) src(%dma_wait3A_100 : memref<10000x128xf32, #tpu.memory_space<hbm>>) dst(%arg9 : memref<128x128xf32, #tpu.memory_space<vmem>>)
    %dma_wait3A_101 = arith.constant 1 : i32
    %dma_wait3A_102 = arith.constant 0 : i32
    %dma_wait3A_103 = tpu.memref_slice %arg8[%dma_wait3A_101, %dma_wait3A_102] : memref<8x128xi32, #tpu.memory_space<vmem>> -> memref<1x128xi32, #tpu.memory_space<vmem>>
    %dma_wait3A_104 = tpu.memref_squeeze %dma_wait3A_103 : memref<1x128xi32, #tpu.memory_space<vmem>> -> memref<128xi32, #tpu.memory_space<vmem>>
    %dma_wait3A_105 = arith.constant 0 : i32
    %dma_wait3A_106 = arith.constant 0 : i32
    %dma_wait3A_107 = tpu.memref_slice %arg12[%dma_wait3A_105, %dma_wait3A_106] : memref<10112x128xf32, #tpu.memory_space<vmem_shared>> -> memref<10112x128xf32, #tpu.memory_space<vmem_shared>>
    tpu.wait_indirect_dma semaphore(%arg14 : memref<!tpu.dma_semaphore, #tpu.memory_space<semaphore_mem>>) src(%arg10 : memref<128x128xf32, #tpu.memory_space<vmem>>) dst(%dma_wait3A_107 : memref<10112x128xf32, #tpu.memory_space<vmem_shared>>)
    %dma_start3A_108 = arith.constant 3 : i32
    %dma_start3A_109 = arith.constant 0 : i32
    %dma_start3A_110 = tpu.memref_slice %arg7[%dma_start3A_108, %dma_start3A_109] : memref<8x128xi32, #tpu.memory_space<vmem>> -> memref<1x128xi32, #tpu.memory_space<vmem>>
    %dma_start3A_111 = tpu.memref_squeeze %dma_start3A_110 : memref<1x128xi32, #tpu.memory_space<vmem>> -> memref<128xi32, #tpu.memory_space<vmem>>
    %dma_start3A_112 = arith.constant 0 : i32
    %dma_start3A_113 = arith.constant 0 : i32
    %dma_start3A_114 = tpu.memref_slice %arg2[%dma_start3A_112, %dma_start3A_113] : memref<10000x128xf32, #tpu.memory_space<hbm>> -> memref<10000x128xf32, #tpu.memory_space<hbm>>
    tpu.enqueue_indirect_dma source(%dma_start3A_114 : memref<10000x128xf32, #tpu.memory_space<hbm>>) target(%arg10 : memref<128x128xf32, #tpu.memory_space<vmem>>) offsets(%dma_start3A_111 : memref<128xi32, #tpu.memory_space<vmem>>) semaphore(%arg13 : memref<!tpu.dma_semaphore, #tpu.memory_space<semaphore_mem>>)
    %dma_start3A_115 = arith.constant 2 : i32
    %dma_start3A_116 = arith.constant 0 : i32
    %dma_start3A_117 = tpu.memref_slice %arg8[%dma_start3A_115, %dma_start3A_116] : memref<8x128xi32, #tpu.memory_space<vmem>> -> memref<1x128xi32, #tpu.memory_space<vmem>>
    %dma_start3A_118 = tpu.memref_squeeze %dma_start3A_117 : memref<1x128xi32, #tpu.memory_space<vmem>> -> memref<128xi32, #tpu.memory_space<vmem>>
    %dma_start3A_119 = arith.constant 0 : i32
    %dma_start3A_120 = arith.constant 0 : i32
    %dma_start3A_121 = tpu.memref_slice %arg12[%dma_start3A_119, %dma_start3A_120] : memref<10112x128xf32, #tpu.memory_space<vmem_shared>> -> memref<10112x128xf32, #tpu.memory_space<vmem_shared>>
    tpu.enqueue_indirect_dma source(%arg9 : memref<128x128xf32, #tpu.memory_space<vmem>>) target(%dma_start3A_121 : memref<10112x128xf32, #tpu.memory_space<vmem_shared>>) offsets(%dma_start3A_118 : memref<128xi32, #tpu.memory_space<vmem>>) semaphore(%arg14 : memref<!tpu.dma_semaphore, #tpu.memory_space<semaphore_mem>>) {add = true}
    %scan3A_122 = arith.constant 0 : i32
    %scan3A_123 = arith.constant 0 : i32
    %scan3A_124 = arith.constant 8 : i32
    %scan3A_125 = arith.addi %scan3A_123, %scan3A_124 : i32
    %scan3A_126 = arith.constant 1 : i32
    scf.for %scan3A_323 = %scan3A_123 to %scan3A_125 step %scan3A_126  : i32 {
      %mul3A_324 = arith.constant 16 : i32
      %mul3A_325 = arith.muli %scan3A_323, %mul3A_324 : i32
      %get3A = arith.constant 2 : i32
      %get3A_326 = arith.index_cast %get3A : i32 to index
      %get3A_327 = arith.index_cast %mul3A_325 : i32 to index
      %get3A_328 = tpu.vector_load %arg8[%get3A_326, %get3A_327] {strides = array<i32>} : memref<8x128xi32, #tpu.memory_space<vmem>>, vector<16xi32>,
      %lt3A = arith.constant 5056 : i32
      %lt3A_329 = vector.broadcast %lt3A : i32 to vector<16xi32>
      %lt3A_330 = arith.cmpi slt, %get3A_328, %lt3A_329 : vector<16xi32>
      %sub3A = arith.constant 5056 : i32
      %sub3A_331 = vector.broadcast %sub3A : i32 to vector<16xi32>
      %sub3A_332 = arith.subi %get3A_328, %sub3A_331 : vector<16xi32>
      %select_n3A = arith.select %lt3A_330, %get3A_328, %sub3A_332 : vector<16xi1>, vector<16xi32>
      %not3A = arith.constant dense<true> : vector<16xi1>
      %not3A_333 = arith.xori %lt3A_330, %not3A : vector<16xi1>
      %unique3A, %unique3A_334 = tpu.scan_count mask(%lt3A_330 : vector<16xi1>) value(%get3A_328 : vector<16xi32>) : vector<16xi1>, vector<16xi32>
      %gather3A = tpu.vector_load_idx %arg11[%select_n3A] : memref<5056xi32, #tpu.memory_space<vmem>>[vector<16xi32>], vector<16xi32>,
      %shift_left3A = arith.constant 0 : i32
      %shift_left3A_335 = vector.broadcast %shift_left3A : i32 to vector<16xi32>
      %shift_left3A_336 = arith.shli %unique3A_334, %shift_left3A_335 : vector<16xi32>
      %add3A_337 = arith.addi %gather3A, %shift_left3A_336 : vector<16xi32>
      tpu.vector_store_idx %arg11[%select_n3A], %add3A_337 masked %unique3A : memref<5056xi32, #tpu.memory_space<vmem>>[vector<16xi32>], vector<16xi32>, vector<16xi1>
      %unique3A_338, %unique3A_339 = tpu.scan_count mask(%not3A_333 : vector<16xi1>) value(%get3A_328 : vector<16xi32>) : vector<16xi1>, vector<16xi32>
      %gather3A_340 = tpu.vector_load_idx %arg11[%select_n3A] : memref<5056xi32, #tpu.memory_space<vmem>>[vector<16xi32>], vector<16xi32>,
      %shift_left3A_341 = arith.constant 16 : i32
      %shift_left3A_342 = vector.broadcast %shift_left3A_341 : i32 to vector<16xi32>
      %shift_left3A_343 = arith.shli %unique3A_339, %shift_left3A_342 : vector<16xi32>
      %add3A_344 = arith.addi %gather3A_340, %shift_left3A_343 : vector<16xi32>
      tpu.vector_store_idx %arg11[%select_n3A], %add3A_344 masked %unique3A_338 : memref<5056xi32, #tpu.memory_space<vmem>>[vector<16xi32>], vector<16xi32>, vector<16xi1>
    }
    %scan3A_127 = arith.constant 8 : i32
    %dma_wait3A_128 = arith.constant 3 : i32
    %dma_wait3A_129 = arith.constant 0 : i32
    %dma_wait3A_130 = tpu.memref_slice %arg7[%dma_wait3A_128, %dma_wait3A_129] : memref<8x128xi32, #tpu.memory_space<vmem>> -> memref<1x128xi32, #tpu.memory_space<vmem>>
    %dma_wait3A_131 = tpu.memref_squeeze %dma_wait3A_130 : memref<1x128xi32, #tpu.memory_space<vmem>> -> memref<128xi32, #tpu.memory_space<vmem>>
    %dma_wait3A_132 = arith.constant 0 : i32
    %dma_wait3A_133 = arith.constant 0 : i32
    %dma_wait3A_134 = tpu.memref_slice %arg2[%dma_wait3A_132, %dma_wait3A_133] : memref<10000x128xf32, #tpu.memory_space<hbm>> -> memref<10000x128xf32, #tpu.memory_space<hbm>>
    tpu.wait_indirect_dma semaphore(%arg13 : memref<!tpu.dma_semaphore, #tpu.memory_space<semaphore_mem>>) src(%dma_wait3A_134 : memref<10000x128xf32, #tpu.memory_space<hbm>>) dst(%arg10 : memref<128x128xf32, #tpu.memory_space<vmem>>)
    %dma_wait3A_135 = arith.constant 2 : i32
    %dma_wait3A_136 = arith.constant 0 : i32
    %dma_wait3A_137 = tpu.memref_slice %arg8[%dma_wait3A_135, %dma_wait3A_136] : memref<8x128xi32, #tpu.memory_space<vmem>> -> memref<1x128xi32, #tpu.memory_space<vmem>>
    %dma_wait3A_138 = tpu.memref_squeeze %dma_wait3A_137 : memref<1x128xi32, #tpu.memory_space<vmem>> -> memref<128xi32, #tpu.memory_space<vmem>>
    %dma_wait3A_139 = arith.constant 0 : i32
    %dma_wait3A_140 = arith.constant 0 : i32
    %dma_wait3A_141 = tpu.memref_slice %arg12[%dma_wait3A_139, %dma_wait3A_140] : memref<10112x128xf32, #tpu.memory_space<vmem_shared>> -> memref<10112x128xf32, #tpu.memory_space<vmem_shared>>
    tpu.wait_indirect_dma semaphore(%arg14 : memref<!tpu.dma_semaphore, #tpu.memory_space<semaphore_mem>>) src(%arg9 : memref<128x128xf32, #tpu.memory_space<vmem>>) dst(%dma_wait3A_141 : memref<10112x128xf32, #tpu.memory_space<vmem_shared>>)
    %dma_start3A_142 = arith.constant 4 : i32
    %dma_start3A_143 = arith.constant 0 : i32
    %dma_start3A_144 = tpu.memref_slice %arg7[%dma_start3A_142, %dma_start3A_143] : memref<8x128xi32, #tpu.memory_space<vmem>> -> memref<1x128xi32, #tpu.memory_space<vmem>>
    %dma_start3A_145 = tpu.memref_squeeze %dma_start3A_144 : memref<1x128xi32, #tpu.memory_space<vmem>> -> memref<128xi32, #tpu.memory_space<vmem>>
    %dma_start3A_146 = arith.constant 0 : i32
    %dma_start3A_147 = arith.constant 0 : i32
    %dma_start3A_148 = tpu.memref_slice %arg2[%dma_start3A_146, %dma_start3A_147] : memref<10000x128xf32, #tpu.memory_space<hbm>> -> memref<10000x128xf32, #tpu.memory_space<hbm>>
    tpu.enqueue_indirect_dma source(%dma_start3A_148 : memref<10000x128xf32, #tpu.memory_space<hbm>>) target(%arg9 : memref<128x128xf32, #tpu.memory_space<vmem>>) offsets(%dma_start3A_145 : memref<128xi32, #tpu.memory_space<vmem>>) semaphore(%arg13 : memref<!tpu.dma_semaphore, #tpu.memory_space<semaphore_mem>>)
    %dma_start3A_149 = arith.constant 3 : i32
    %dma_start3A_150 = arith.constant 0 : i32
    %dma_start3A_151 = tpu.memref_slice %arg8[%dma_start3A_149, %dma_start3A_150] : memref<8x128xi32, #tpu.memory_space<vmem>> -> memref<1x128xi32, #tpu.memory_space<vmem>>
    %dma_start3A_152 = tpu.memref_squeeze %dma_start3A_151 : memref<1x128xi32, #tpu.memory_space<vmem>> -> memref<128xi32, #tpu.memory_space<vmem>>
    %dma_start3A_153 = arith.constant 0 : i32
    %dma_start3A_154 = arith.constant 0 : i32
    %dma_start3A_155 = tpu.memref_slice %arg12[%dma_start3A_153, %dma_start3A_154] : memref<10112x128xf32, #tpu.memory_space<vmem_shared>> -> memref<10112x128xf32, #tpu.memory_space<vmem_shared>>
    tpu.enqueue_indirect_dma source(%arg10 : memref<128x128xf32, #tpu.memory_space<vmem>>) target(%dma_start3A_155 : memref<10112x128xf32, #tpu.memory_space<vmem_shared>>) offsets(%dma_start3A_152 : memref<128xi32, #tpu.memory_space<vmem>>) semaphore(%arg14 : memref<!tpu.dma_semaphore, #tpu.memory_space<semaphore_mem>>) {add = true}
    %scan3A_156 = arith.constant 0 : i32
    %scan3A_157 = arith.constant 0 : i32
    %scan3A_158 = arith.constant 8 : i32
    %scan3A_159 = arith.addi %scan3A_157, %scan3A_158 : i32
    %scan3A_160 = arith.constant 1 : i32
    scf.for %scan3A_323 = %scan3A_157 to %scan3A_159 step %scan3A_160  : i32 {
      %mul3A_324 = arith.constant 16 : i32
      %mul3A_325 = arith.muli %scan3A_323, %mul3A_324 : i32
      %get3A = arith.constant 3 : i32
      %get3A_326 = arith.index_cast %get3A : i32 to index
      %get3A_327 = arith.index_cast %mul3A_325 : i32 to index
      %get3A_328 = tpu.vector_load %arg8[%get3A_326, %get3A_327] {strides = array<i32>} : memref<8x128xi32, #tpu.memory_space<vmem>>, vector<16xi32>,
      %lt3A = arith.constant 5056 : i32
      %lt3A_329 = vector.broadcast %lt3A : i32 to vector<16xi32>
      %lt3A_330 = arith.cmpi slt, %get3A_328, %lt3A_329 : vector<16xi32>
      %sub3A = arith.constant 5056 : i32
      %sub3A_331 = vector.broadcast %sub3A : i32 to vector<16xi32>
      %sub3A_332 = arith.subi %get3A_328, %sub3A_331 : vector<16xi32>
      %select_n3A = arith.select %lt3A_330, %get3A_328, %sub3A_332 : vector<16xi1>, vector<16xi32>
      %not3A = arith.constant dense<true> : vector<16xi1>
      %not3A_333 = arith.xori %lt3A_330, %not3A : vector<16xi1>
      %unique3A, %unique3A_334 = tpu.scan_count mask(%lt3A_330 : vector<16xi1>) value(%get3A_328 : vector<16xi32>) : vector<16xi1>, vector<16xi32>
      %gather3A = tpu.vector_load_idx %arg11[%select_n3A] : memref<5056xi32, #tpu.memory_space<vmem>>[vector<16xi32>], vector<16xi32>,
      %shift_left3A = arith.constant 0 : i32
      %shift_left3A_335 = vector.broadcast %shift_left3A : i32 to vector<16xi32>
      %shift_left3A_336 = arith.shli %unique3A_334, %shift_left3A_335 : vector<16xi32>
      %add3A_337 = arith.addi %gather3A, %shift_left3A_336 : vector<16xi32>
      tpu.vector_store_idx %arg11[%select_n3A], %add3A_337 masked %unique3A : memref<5056xi32, #tpu.memory_space<vmem>>[vector<16xi32>], vector<16xi32>, vector<16xi1>
      %unique3A_338, %unique3A_339 = tpu.scan_count mask(%not3A_333 : vector<16xi1>) value(%get3A_328 : vector<16xi32>) : vector<16xi1>, vector<16xi32>
      %gather3A_340 = tpu.vector_load_idx %arg11[%select_n3A] : memref<5056xi32, #tpu.memory_space<vmem>>[vector<16xi32>], vector<16xi32>,
      %shift_left3A_341 = arith.constant 16 : i32
      %shift_left3A_342 = vector.broadcast %shift_left3A_341 : i32 to vector<16xi32>
      %shift_left3A_343 = arith.shli %unique3A_339, %shift_left3A_342 : vector<16xi32>
      %add3A_344 = arith.addi %gather3A_340, %shift_left3A_343 : vector<16xi32>
      tpu.vector_store_idx %arg11[%select_n3A], %add3A_344 masked %unique3A_338 : memref<5056xi32, #tpu.memory_space<vmem>>[vector<16xi32>], vector<16xi32>, vector<16xi1>
    }
    %scan3A_161 = arith.constant 8 : i32
    %dma_wait3A_162 = arith.constant 4 : i32
    %dma_wait3A_163 = arith.constant 0 : i32
    %dma_wait3A_164 = tpu.memref_slice %arg7[%dma_wait3A_162, %dma_wait3A_163] : memref<8x128xi32, #tpu.memory_space<vmem>> -> memref<1x128xi32, #tpu.memory_space<vmem>>
    %dma_wait3A_165 = tpu.memref_squeeze %dma_wait3A_164 : memref<1x128xi32, #tpu.memory_space<vmem>> -> memref<128xi32, #tpu.memory_space<vmem>>
    %dma_wait3A_166 = arith.constant 0 : i32
    %dma_wait3A_167 = arith.constant 0 : i32
    %dma_wait3A_168 = tpu.memref_slice %arg2[%dma_wait3A_166, %dma_wait3A_167] : memref<10000x128xf32, #tpu.memory_space<hbm>> -> memref<10000x128xf32, #tpu.memory_space<hbm>>
    tpu.wait_indirect_dma semaphore(%arg13 : memref<!tpu.dma_semaphore, #tpu.memory_space<semaphore_mem>>) src(%dma_wait3A_168 : memref<10000x128xf32, #tpu.memory_space<hbm>>) dst(%arg9 : memref<128x128xf32, #tpu.memory_space<vmem>>)
    %dma_wait3A_169 = arith.constant 3 : i32
    %dma_wait3A_170 = arith.constant 0 : i32
    %dma_wait3A_171 = tpu.memref_slice %arg8[%dma_wait3A_169, %dma_wait3A_170] : memref<8x128xi32, #tpu.memory_space<vmem>> -> memref<1x128xi32, #tpu.memory_space<vmem>>
    %dma_wait3A_172 = tpu.memref_squeeze %dma_wait3A_171 : memref<1x128xi32, #tpu.memory_space<vmem>> -> memref<128xi32, #tpu.memory_space<vmem>>
    %dma_wait3A_173 = arith.constant 0 : i32
    %dma_wait3A_174 = arith.constant 0 : i32
    %dma_wait3A_175 = tpu.memref_slice %arg12[%dma_wait3A_173, %dma_wait3A_174] : memref<10112x128xf32, #tpu.memory_space<vmem_shared>> -> memref<10112x128xf32, #tpu.memory_space<vmem_shared>>
    tpu.wait_indirect_dma semaphore(%arg14 : memref<!tpu.dma_semaphore, #tpu.memory_space<semaphore_mem>>) src(%arg10 : memref<128x128xf32, #tpu.memory_space<vmem>>) dst(%dma_wait3A_175 : memref<10112x128xf32, #tpu.memory_space<vmem_shared>>)
    %dma_start3A_176 = arith.constant 5 : i32
    %dma_start3A_177 = arith.constant 0 : i32
    %dma_start3A_178 = tpu.memref_slice %arg7[%dma_start3A_176, %dma_start3A_177] : memref<8x128xi32, #tpu.memory_space<vmem>> -> memref<1x128xi32, #tpu.memory_space<vmem>>
    %dma_start3A_179 = tpu.memref_squeeze %dma_start3A_178 : memref<1x128xi32, #tpu.memory_space<vmem>> -> memref<128xi32, #tpu.memory_space<vmem>>
    %dma_start3A_180 = arith.constant 0 : i32
    %dma_start3A_181 = arith.constant 0 : i32
    %dma_start3A_182 = tpu.memref_slice %arg2[%dma_start3A_180, %dma_start3A_181] : memref<10000x128xf32, #tpu.memory_space<hbm>> -> memref<10000x128xf32, #tpu.memory_space<hbm>>
    tpu.enqueue_indirect_dma source(%dma_start3A_182 : memref<10000x128xf32, #tpu.memory_space<hbm>>) target(%arg10 : memref<128x128xf32, #tpu.memory_space<vmem>>) offsets(%dma_start3A_179 : memref<128xi32, #tpu.memory_space<vmem>>) semaphore(%arg13 : memref<!tpu.dma_semaphore, #tpu.memory_space<semaphore_mem>>)
    %dma_start3A_183 = arith.constant 4 : i32
    %dma_start3A_184 = arith.constant 0 : i32
    %dma_start3A_185 = tpu.memref_slice %arg8[%dma_start3A_183, %dma_start3A_184] : memref<8x128xi32, #tpu.memory_space<vmem>> -> memref<1x128xi32, #tpu.memory_space<vmem>>
    %dma_start3A_186 = tpu.memref_squeeze %dma_start3A_185 : memref<1x128xi32, #tpu.memory_space<vmem>> -> memref<128xi32, #tpu.memory_space<vmem>>
    %dma_start3A_187 = arith.constant 0 : i32
    %dma_start3A_188 = arith.constant 0 : i32
    %dma_start3A_189 = tpu.memref_slice %arg12[%dma_start3A_187, %dma_start3A_188] : memref<10112x128xf32, #tpu.memory_space<vmem_shared>> -> memref<10112x128xf32, #tpu.memory_space<vmem_shared>>
    tpu.enqueue_indirect_dma source(%arg9 : memref<128x128xf32, #tpu.memory_space<vmem>>) target(%dma_start3A_189 : memref<10112x128xf32, #tpu.memory_space<vmem_shared>>) offsets(%dma_start3A_186 : memref<128xi32, #tpu.memory_space<vmem>>) semaphore(%arg14 : memref<!tpu.dma_semaphore, #tpu.memory_space<semaphore_mem>>) {add = true}
    %scan3A_190 = arith.constant 0 : i32
    %scan3A_191 = arith.constant 0 : i32
    %scan3A_192 = arith.constant 8 : i32
    %scan3A_193 = arith.addi %scan3A_191, %scan3A_192 : i32
    %scan3A_194 = arith.constant 1 : i32
    scf.for %scan3A_323 = %scan3A_191 to %scan3A_193 step %scan3A_194  : i32 {
      %mul3A_324 = arith.constant 16 : i32
      %mul3A_325 = arith.muli %scan3A_323, %mul3A_324 : i32
      %get3A = arith.constant 4 : i32
      %get3A_326 = arith.index_cast %get3A : i32 to index
      %get3A_327 = arith.index_cast %mul3A_325 : i32 to index
      %get3A_328 = tpu.vector_load %arg8[%get3A_326, %get3A_327] {strides = array<i32>} : memref<8x128xi32, #tpu.memory_space<vmem>>, vector<16xi32>,
      %lt3A = arith.constant 5056 : i32
      %lt3A_329 = vector.broadcast %lt3A : i32 to vector<16xi32>
      %lt3A_330 = arith.cmpi slt, %get3A_328, %lt3A_329 : vector<16xi32>
      %sub3A = arith.constant 5056 : i32
      %sub3A_331 = vector.broadcast %sub3A : i32 to vector<16xi32>
      %sub3A_332 = arith.subi %get3A_328, %sub3A_331 : vector<16xi32>
      %select_n3A = arith.select %lt3A_330, %get3A_328, %sub3A_332 : vector<16xi1>, vector<16xi32>
      %not3A = arith.constant dense<true> : vector<16xi1>
      %not3A_333 = arith.xori %lt3A_330, %not3A : vector<16xi1>
      %unique3A, %unique3A_334 = tpu.scan_count mask(%lt3A_330 : vector<16xi1>) value(%get3A_328 : vector<16xi32>) : vector<16xi1>, vector<16xi32>
      %gather3A = tpu.vector_load_idx %arg11[%select_n3A] : memref<5056xi32, #tpu.memory_space<vmem>>[vector<16xi32>], vector<16xi32>,
      %shift_left3A = arith.constant 0 : i32
      %shift_left3A_335 = vector.broadcast %shift_left3A : i32 to vector<16xi32>
      %shift_left3A_336 = arith.shli %unique3A_334, %shift_left3A_335 : vector<16xi32>
      %add3A_337 = arith.addi %gather3A, %shift_left3A_336 : vector<16xi32>
      tpu.vector_store_idx %arg11[%select_n3A], %add3A_337 masked %unique3A : memref<5056xi32, #tpu.memory_space<vmem>>[vector<16xi32>], vector<16xi32>, vector<16xi1>
      %unique3A_338, %unique3A_339 = tpu.scan_count mask(%not3A_333 : vector<16xi1>) value(%get3A_328 : vector<16xi32>) : vector<16xi1>, vector<16xi32>
      %gather3A_340 = tpu.vector_load_idx %arg11[%select_n3A] : memref<5056xi32, #tpu.memory_space<vmem>>[vector<16xi32>], vector<16xi32>,
      %shift_left3A_341 = arith.constant 16 : i32
      %shift_left3A_342 = vector.broadcast %shift_left3A_341 : i32 to vector<16xi32>
      %shift_left3A_343 = arith.shli %unique3A_339, %shift_left3A_342 : vector<16xi32>
      %add3A_344 = arith.addi %gather3A_340, %shift_left3A_343 : vector<16xi32>
      tpu.vector_store_idx %arg11[%select_n3A], %add3A_344 masked %unique3A_338 : memref<5056xi32, #tpu.memory_space<vmem>>[vector<16xi32>], vector<16xi32>, vector<16xi1>
    }
    %scan3A_195 = arith.constant 8 : i32
    %dma_wait3A_196 = arith.constant 5 : i32
    %dma_wait3A_197 = arith.constant 0 : i32
    %dma_wait3A_198 = tpu.memref_slice %arg7[%dma_wait3A_196, %dma_wait3A_197] : memref<8x128xi32, #tpu.memory_space<vmem>> -> memref<1x128xi32, #tpu.memory_space<vmem>>
    %dma_wait3A_199 = tpu.memref_squeeze %dma_wait3A_198 : memref<1x128xi32, #tpu.memory_space<vmem>> -> memref<128xi32, #tpu.memory_space<vmem>>
    %dma_wait3A_200 = arith.constant 0 : i32
    %dma_wait3A_201 = arith.constant 0 : i32
    %dma_wait3A_202 = tpu.memref_slice %arg2[%dma_wait3A_200, %dma_wait3A_201] : memref<10000x128xf32, #tpu.memory_space<hbm>> -> memref<10000x128xf32, #tpu.memory_space<hbm>>
    tpu.wait_indirect_dma semaphore(%arg13 : memref<!tpu.dma_semaphore, #tpu.memory_space<semaphore_mem>>) src(%dma_wait3A_202 : memref<10000x128xf32, #tpu.memory_space<hbm>>) dst(%arg10 : memref<128x128xf32, #tpu.memory_space<vmem>>)
    %dma_wait3A_203 = arith.constant 4 : i32
    %dma_wait3A_204 = arith.constant 0 : i32
    %dma_wait3A_205 = tpu.memref_slice %arg8[%dma_wait3A_203, %dma_wait3A_204] : memref<8x128xi32, #tpu.memory_space<vmem>> -> memref<1x128xi32, #tpu.memory_space<vmem>>
    %dma_wait3A_206 = tpu.memref_squeeze %dma_wait3A_205 : memref<1x128xi32, #tpu.memory_space<vmem>> -> memref<128xi32, #tpu.memory_space<vmem>>
    %dma_wait3A_207 = arith.constant 0 : i32
    %dma_wait3A_208 = arith.constant 0 : i32
    %dma_wait3A_209 = tpu.memref_slice %arg12[%dma_wait3A_207, %dma_wait3A_208] : memref<10112x128xf32, #tpu.memory_space<vmem_shared>> -> memref<10112x128xf32, #tpu.memory_space<vmem_shared>>
    tpu.wait_indirect_dma semaphore(%arg14 : memref<!tpu.dma_semaphore, #tpu.memory_space<semaphore_mem>>) src(%arg9 : memref<128x128xf32, #tpu.memory_space<vmem>>) dst(%dma_wait3A_209 : memref<10112x128xf32, #tpu.memory_space<vmem_shared>>)
    %dma_start3A_210 = arith.constant 6 : i32
    %dma_start3A_211 = arith.constant 0 : i32
    %dma_start3A_212 = tpu.memref_slice %arg7[%dma_start3A_210, %dma_start3A_211] : memref<8x128xi32, #tpu.memory_space<vmem>> -> memref<1x128xi32, #tpu.memory_space<vmem>>
    %dma_start3A_213 = tpu.memref_squeeze %dma_start3A_212 : memref<1x128xi32, #tpu.memory_space<vmem>> -> memref<128xi32, #tpu.memory_space<vmem>>
    %dma_start3A_214 = arith.constant 0 : i32
    %dma_start3A_215 = arith.constant 0 : i32
    %dma_start3A_216 = tpu.memref_slice %arg2[%dma_start3A_214, %dma_start3A_215] : memref<10000x128xf32, #tpu.memory_space<hbm>> -> memref<10000x128xf32, #tpu.memory_space<hbm>>
    tpu.enqueue_indirect_dma source(%dma_start3A_216 : memref<10000x128xf32, #tpu.memory_space<hbm>>) target(%arg9 : memref<128x128xf32, #tpu.memory_space<vmem>>) offsets(%dma_start3A_213 : memref<128xi32, #tpu.memory_space<vmem>>) semaphore(%arg13 : memref<!tpu.dma_semaphore, #tpu.memory_space<semaphore_mem>>)
    %dma_start3A_217 = arith.constant 5 : i32
    %dma_start3A_218 = arith.constant 0 : i32
    %dma_start3A_219 = tpu.memref_slice %arg8[%dma_start3A_217, %dma_start3A_218] : memref<8x128xi32, #tpu.memory_space<vmem>> -> memref<1x128xi32, #tpu.memory_space<vmem>>
    %dma_start3A_220 = tpu.memref_squeeze %dma_start3A_219 : memref<1x128xi32, #tpu.memory_space<vmem>> -> memref<128xi32, #tpu.memory_space<vmem>>
    %dma_start3A_221 = arith.constant 0 : i32
    %dma_start3A_222 = arith.constant 0 : i32
    %dma_start3A_223 = tpu.memref_slice %arg12[%dma_start3A_221, %dma_start3A_222] : memref<10112x128xf32, #tpu.memory_space<vmem_shared>> -> memref<10112x128xf32, #tpu.memory_space<vmem_shared>>
    tpu.enqueue_indirect_dma source(%arg10 : memref<128x128xf32, #tpu.memory_space<vmem>>) target(%dma_start3A_223 : memref<10112x128xf32, #tpu.memory_space<vmem_shared>>) offsets(%dma_start3A_220 : memref<128xi32, #tpu.memory_space<vmem>>) semaphore(%arg14 : memref<!tpu.dma_semaphore, #tpu.memory_space<semaphore_mem>>) {add = true}
    %scan3A_224 = arith.constant 0 : i32
    %scan3A_225 = arith.constant 0 : i32
    %scan3A_226 = arith.constant 8 : i32
    %scan3A_227 = arith.addi %scan3A_225, %scan3A_226 : i32
    %scan3A_228 = arith.constant 1 : i32
    scf.for %scan3A_323 = %scan3A_225 to %scan3A_227 step %scan3A_228  : i32 {
      %mul3A_324 = arith.constant 16 : i32
      %mul3A_325 = arith.muli %scan3A_323, %mul3A_324 : i32
      %get3A = arith.constant 5 : i32
      %get3A_326 = arith.index_cast %get3A : i32 to index
      %get3A_327 = arith.index_cast %mul3A_325 : i32 to index
      %get3A_328 = tpu.vector_load %arg8[%get3A_326, %get3A_327] {strides = array<i32>} : memref<8x128xi32, #tpu.memory_space<vmem>>, vector<16xi32>,
      %lt3A = arith.constant 5056 : i32
      %lt3A_329 = vector.broadcast %lt3A : i32 to vector<16xi32>
      %lt3A_330 = arith.cmpi slt, %get3A_328, %lt3A_329 : vector<16xi32>
      %sub3A = arith.constant 5056 : i32
      %sub3A_331 = vector.broadcast %sub3A : i32 to vector<16xi32>
      %sub3A_332 = arith.subi %get3A_328, %sub3A_331 : vector<16xi32>
      %select_n3A = arith.select %lt3A_330, %get3A_328, %sub3A_332 : vector<16xi1>, vector<16xi32>
      %not3A = arith.constant dense<true> : vector<16xi1>
      %not3A_333 = arith.xori %lt3A_330, %not3A : vector<16xi1>
      %unique3A, %unique3A_334 = tpu.scan_count mask(%lt3A_330 : vector<16xi1>) value(%get3A_328 : vector<16xi32>) : vector<16xi1>, vector<16xi32>
      %gather3A = tpu.vector_load_idx %arg11[%select_n3A] : memref<5056xi32, #tpu.memory_space<vmem>>[vector<16xi32>], vector<16xi32>,
      %shift_left3A = arith.constant 0 : i32
      %shift_left3A_335 = vector.broadcast %shift_left3A : i32 to vector<16xi32>
      %shift_left3A_336 = arith.shli %unique3A_334, %shift_left3A_335 : vector<16xi32>
      %add3A_337 = arith.addi %gather3A, %shift_left3A_336 : vector<16xi32>
      tpu.vector_store_idx %arg11[%select_n3A], %add3A_337 masked %unique3A : memref<5056xi32, #tpu.memory_space<vmem>>[vector<16xi32>], vector<16xi32>, vector<16xi1>
      %unique3A_338, %unique3A_339 = tpu.scan_count mask(%not3A_333 : vector<16xi1>) value(%get3A_328 : vector<16xi32>) : vector<16xi1>, vector<16xi32>
      %gather3A_340 = tpu.vector_load_idx %arg11[%select_n3A] : memref<5056xi32, #tpu.memory_space<vmem>>[vector<16xi32>], vector<16xi32>,
      %shift_left3A_341 = arith.constant 16 : i32
      %shift_left3A_342 = vector.broadcast %shift_left3A_341 : i32 to vector<16xi32>
      %shift_left3A_343 = arith.shli %unique3A_339, %shift_left3A_342 : vector<16xi32>
      %add3A_344 = arith.addi %gather3A_340, %shift_left3A_343 : vector<16xi32>
      tpu.vector_store_idx %arg11[%select_n3A], %add3A_344 masked %unique3A_338 : memref<5056xi32, #tpu.memory_space<vmem>>[vector<16xi32>], vector<16xi32>, vector<16xi1>
    }
    %scan3A_229 = arith.constant 8 : i32
    %dma_wait3A_230 = arith.constant 6 : i32
    %dma_wait3A_231 = arith.constant 0 : i32
    %dma_wait3A_232 = tpu.memref_slice %arg7[%dma_wait3A_230, %dma_wait3A_231] : memref<8x128xi32, #tpu.memory_space<vmem>> -> memref<1x128xi32, #tpu.memory_space<vmem>>
    %dma_wait3A_233 = tpu.memref_squeeze %dma_wait3A_232 : memref<1x128xi32, #tpu.memory_space<vmem>> -> memref<128xi32, #tpu.memory_space<vmem>>
    %dma_wait3A_234 = arith.constant 0 : i32
    %dma_wait3A_235 = arith.constant 0 : i32
    %dma_wait3A_236 = tpu.memref_slice %arg2[%dma_wait3A_234, %dma_wait3A_235] : memref<10000x128xf32, #tpu.memory_space<hbm>> -> memref<10000x128xf32, #tpu.memory_space<hbm>>
    tpu.wait_indirect_dma semaphore(%arg13 : memref<!tpu.dma_semaphore, #tpu.memory_space<semaphore_mem>>) src(%dma_wait3A_236 : memref<10000x128xf32, #tpu.memory_space<hbm>>) dst(%arg9 : memref<128x128xf32, #tpu.memory_space<vmem>>)
    %dma_wait3A_237 = arith.constant 5 : i32
    %dma_wait3A_238 = arith.constant 0 : i32
    %dma_wait3A_239 = tpu.memref_slice %arg8[%dma_wait3A_237, %dma_wait3A_238] : memref<8x128xi32, #tpu.memory_space<vmem>> -> memref<1x128xi32, #tpu.memory_space<vmem>>
    %dma_wait3A_240 = tpu.memref_squeeze %dma_wait3A_239 : memref<1x128xi32, #tpu.memory_space<vmem>> -> memref<128xi32, #tpu.memory_space<vmem>>
    %dma_wait3A_241 = arith.constant 0 : i32
    %dma_wait3A_242 = arith.constant 0 : i32
    %dma_wait3A_243 = tpu.memref_slice %arg12[%dma_wait3A_241, %dma_wait3A_242] : memref<10112x128xf32, #tpu.memory_space<vmem_shared>> -> memref<10112x128xf32, #tpu.memory_space<vmem_shared>>
    tpu.wait_indirect_dma semaphore(%arg14 : memref<!tpu.dma_semaphore, #tpu.memory_space<semaphore_mem>>) src(%arg10 : memref<128x128xf32, #tpu.memory_space<vmem>>) dst(%dma_wait3A_243 : memref<10112x128xf32, #tpu.memory_space<vmem_shared>>)
    %dma_start3A_244 = arith.constant 7 : i32
    %dma_start3A_245 = arith.constant 0 : i32
    %dma_start3A_246 = tpu.memref_slice %arg7[%dma_start3A_244, %dma_start3A_245] : memref<8x128xi32, #tpu.memory_space<vmem>> -> memref<1x128xi32, #tpu.memory_space<vmem>>
    %dma_start3A_247 = tpu.memref_squeeze %dma_start3A_246 : memref<1x128xi32, #tpu.memory_space<vmem>> -> memref<128xi32, #tpu.memory_space<vmem>>
    %dma_start3A_248 = arith.constant 0 : i32
    %dma_start3A_249 = arith.constant 0 : i32
    %dma_start3A_250 = tpu.memref_slice %arg2[%dma_start3A_248, %dma_start3A_249] : memref<10000x128xf32, #tpu.memory_space<hbm>> -> memref<10000x128xf32, #tpu.memory_space<hbm>>
    tpu.enqueue_indirect_dma source(%dma_start3A_250 : memref<10000x128xf32, #tpu.memory_space<hbm>>) target(%arg10 : memref<128x128xf32, #tpu.memory_space<vmem>>) offsets(%dma_start3A_247 : memref<128xi32, #tpu.memory_space<vmem>>) semaphore(%arg13 : memref<!tpu.dma_semaphore, #tpu.memory_space<semaphore_mem>>)
    %dma_start3A_251 = arith.constant 6 : i32
    %dma_start3A_252 = arith.constant 0 : i32
    %dma_start3A_253 = tpu.memref_slice %arg8[%dma_start3A_251, %dma_start3A_252] : memref<8x128xi32, #tpu.memory_space<vmem>> -> memref<1x128xi32, #tpu.memory_space<vmem>>
    %dma_start3A_254 = tpu.memref_squeeze %dma_start3A_253 : memref<1x128xi32, #tpu.memory_space<vmem>> -> memref<128xi32, #tpu.memory_space<vmem>>
    %dma_start3A_255 = arith.constant 0 : i32
    %dma_start3A_256 = arith.constant 0 : i32
    %dma_start3A_257 = tpu.memref_slice %arg12[%dma_start3A_255, %dma_start3A_256] : memref<10112x128xf32, #tpu.memory_space<vmem_shared>> -> memref<10112x128xf32, #tpu.memory_space<vmem_shared>>
    tpu.enqueue_indirect_dma source(%arg9 : memref<128x128xf32, #tpu.memory_space<vmem>>) target(%dma_start3A_257 : memref<10112x128xf32, #tpu.memory_space<vmem_shared>>) offsets(%dma_start3A_254 : memref<128xi32, #tpu.memory_space<vmem>>) semaphore(%arg14 : memref<!tpu.dma_semaphore, #tpu.memory_space<semaphore_mem>>) {add = true}
    %scan3A_258 = arith.constant 0 : i32
    %scan3A_259 = arith.constant 0 : i32
    %scan3A_260 = arith.constant 8 : i32
    %scan3A_261 = arith.addi %scan3A_259, %scan3A_260 : i32
    %scan3A_262 = arith.constant 1 : i32
    scf.for %scan3A_323 = %scan3A_259 to %scan3A_261 step %scan3A_262  : i32 {
      %mul3A_324 = arith.constant 16 : i32
      %mul3A_325 = arith.muli %scan3A_323, %mul3A_324 : i32
      %get3A = arith.constant 6 : i32
      %get3A_326 = arith.index_cast %get3A : i32 to index
      %get3A_327 = arith.index_cast %mul3A_325 : i32 to index
      %get3A_328 = tpu.vector_load %arg8[%get3A_326, %get3A_327] {strides = array<i32>} : memref<8x128xi32, #tpu.memory_space<vmem>>, vector<16xi32>,
      %lt3A = arith.constant 5056 : i32
      %lt3A_329 = vector.broadcast %lt3A : i32 to vector<16xi32>
      %lt3A_330 = arith.cmpi slt, %get3A_328, %lt3A_329 : vector<16xi32>
      %sub3A = arith.constant 5056 : i32
      %sub3A_331 = vector.broadcast %sub3A : i32 to vector<16xi32>
      %sub3A_332 = arith.subi %get3A_328, %sub3A_331 : vector<16xi32>
      %select_n3A = arith.select %lt3A_330, %get3A_328, %sub3A_332 : vector<16xi1>, vector<16xi32>
      %not3A = arith.constant dense<true> : vector<16xi1>
      %not3A_333 = arith.xori %lt3A_330, %not3A : vector<16xi1>
      %unique3A, %unique3A_334 = tpu.scan_count mask(%lt3A_330 : vector<16xi1>) value(%get3A_328 : vector<16xi32>) : vector<16xi1>, vector<16xi32>
      %gather3A = tpu.vector_load_idx %arg11[%select_n3A] : memref<5056xi32, #tpu.memory_space<vmem>>[vector<16xi32>], vector<16xi32>,
      %shift_left3A = arith.constant 0 : i32
      %shift_left3A_335 = vector.broadcast %shift_left3A : i32 to vector<16xi32>
      %shift_left3A_336 = arith.shli %unique3A_334, %shift_left3A_335 : vector<16xi32>
      %add3A_337 = arith.addi %gather3A, %shift_left3A_336 : vector<16xi32>
      tpu.vector_store_idx %arg11[%select_n3A], %add3A_337 masked %unique3A : memref<5056xi32, #tpu.memory_space<vmem>>[vector<16xi32>], vector<16xi32>, vector<16xi1>
      %unique3A_338, %unique3A_339 = tpu.scan_count mask(%not3A_333 : vector<16xi1>) value(%get3A_328 : vector<16xi32>) : vector<16xi1>, vector<16xi32>
      %gather3A_340 = tpu.vector_load_idx %arg11[%select_n3A] : memref<5056xi32, #tpu.memory_space<vmem>>[vector<16xi32>], vector<16xi32>,
      %shift_left3A_341 = arith.constant 16 : i32
      %shift_left3A_342 = vector.broadcast %shift_left3A_341 : i32 to vector<16xi32>
      %shift_left3A_343 = arith.shli %unique3A_339, %shift_left3A_342 : vector<16xi32>
      %add3A_344 = arith.addi %gather3A_340, %shift_left3A_343 : vector<16xi32>
      tpu.vector_store_idx %arg11[%select_n3A], %add3A_344 masked %unique3A_338 : memref<5056xi32, #tpu.memory_space<vmem>>[vector<16xi32>], vector<16xi32>, vector<16xi1>
    }
    %scan3A_263 = arith.constant 8 : i32
    %dma_wait3A_264 = arith.constant 7 : i32
    %dma_wait3A_265 = arith.constant 0 : i32
    %dma_wait3A_266 = tpu.memref_slice %arg7[%dma_wait3A_264, %dma_wait3A_265] : memref<8x128xi32, #tpu.memory_space<vmem>> -> memref<1x128xi32, #tpu.memory_space<vmem>>
    %dma_wait3A_267 = tpu.memref_squeeze %dma_wait3A_266 : memref<1x128xi32, #tpu.memory_space<vmem>> -> memref<128xi32, #tpu.memory_space<vmem>>
    %dma_wait3A_268 = arith.constant 0 : i32
    %dma_wait3A_269 = arith.constant 0 : i32
    %dma_wait3A_270 = tpu.memref_slice %arg2[%dma_wait3A_268, %dma_wait3A_269] : memref<10000x128xf32, #tpu.memory_space<hbm>> -> memref<10000x128xf32, #tpu.memory_space<hbm>>
    tpu.wait_indirect_dma semaphore(%arg13 : memref<!tpu.dma_semaphore, #tpu.memory_space<semaphore_mem>>) src(%dma_wait3A_270 : memref<10000x128xf32, #tpu.memory_space<hbm>>) dst(%arg10 : memref<128x128xf32, #tpu.memory_space<vmem>>)
    %dma_wait3A_271 = arith.constant 6 : i32
    %dma_wait3A_272 = arith.constant 0 : i32
    %dma_wait3A_273 = tpu.memref_slice %arg8[%dma_wait3A_271, %dma_wait3A_272] : memref<8x128xi32, #tpu.memory_space<vmem>> -> memref<1x128xi32, #tpu.memory_space<vmem>>
    %dma_wait3A_274 = tpu.memref_squeeze %dma_wait3A_273 : memref<1x128xi32, #tpu.memory_space<vmem>> -> memref<128xi32, #tpu.memory_space<vmem>>
    %dma_wait3A_275 = arith.constant 0 : i32
    %dma_wait3A_276 = arith.constant 0 : i32
    %dma_wait3A_277 = tpu.memref_slice %arg12[%dma_wait3A_275, %dma_wait3A_276] : memref<10112x128xf32, #tpu.memory_space<vmem_shared>> -> memref<10112x128xf32, #tpu.memory_space<vmem_shared>>
    tpu.wait_indirect_dma semaphore(%arg14 : memref<!tpu.dma_semaphore, #tpu.memory_space<semaphore_mem>>) src(%arg9 : memref<128x128xf32, #tpu.memory_space<vmem>>) dst(%dma_wait3A_277 : memref<10112x128xf32, #tpu.memory_space<vmem_shared>>)
    %add3A_278 = arith.constant 8 : i32
    %add3A_279 = arith.addi %mul3A_2, %add3A_278 : i32
    %dma_start3A_280 = arith.constant 0 : i32
    %dma_start3A_281 = arith.constant 0 : i32
    %dma_start3A_282 = tpu.memref_slice %arg3[%dma_start3A_280, %add3A_279, %dma_start3A_281] : memref<2x2568x128xi32, #tpu.memory_space<hbm>> -> memref<1x8x128xi32, #tpu.memory_space<hbm>>
    %dma_start3A_283 = tpu.memref_squeeze %dma_start3A_282 : memref<1x8x128xi32, #tpu.memory_space<hbm>> -> memref<8x128xi32, #tpu.memory_space<hbm>>
    %dma_start3A_284 = arith.constant 0 : i32
    %dma_start3A_285 = tpu.memref_slice %arg3[%dma_start3A_280, %add3A_279, %dma_start3A_284] : memref<2x2568x128xi32, #tpu.memory_space<hbm>> -> memref<1x8x128xi32, #tpu.memory_space<hbm>>
    %dma_start3A_286 = tpu.memref_squeeze %dma_start3A_285 : memref<1x8x128xi32, #tpu.memory_space<hbm>> -> memref<8x128xi32, #tpu.memory_space<hbm>>
    tpu.enqueue_dma source(%dma_start3A_286 : memref<8x128xi32, #tpu.memory_space<hbm>>) target(%arg7 : memref<8x128xi32, #tpu.memory_space<vmem>>) target_semaphore(%arg15 : memref<!tpu.dma_semaphore, #tpu.memory_space<semaphore_mem>>)
    %dma_start3A_287 = arith.constant 7 : i32
    %dma_start3A_288 = arith.constant 0 : i32
    %dma_start3A_289 = tpu.memref_slice %arg8[%dma_start3A_287, %dma_start3A_288] : memref<8x128xi32, #tpu.memory_space<vmem>> -> memref<1x128xi32, #tpu.memory_space<vmem>>
    %dma_start3A_290 = tpu.memref_squeeze %dma_start3A_289 : memref<1x128xi32, #tpu.memory_space<vmem>> -> memref<128xi32, #tpu.memory_space<vmem>>
    %dma_start3A_291 = arith.constant 0 : i32
    %dma_start3A_292 = arith.constant 0 : i32
    %dma_start3A_293 = tpu.memref_slice %arg12[%dma_start3A_291, %dma_start3A_292] : memref<10112x128xf32, #tpu.memory_space<vmem_shared>> -> memref<10112x128xf32, #tpu.memory_space<vmem_shared>>
    tpu.enqueue_indirect_dma source(%arg10 : memref<128x128xf32, #tpu.memory_space<vmem>>) target(%dma_start3A_293 : memref<10112x128xf32, #tpu.memory_space<vmem_shared>>) offsets(%dma_start3A_290 : memref<128xi32, #tpu.memory_space<vmem>>) semaphore(%arg14 : memref<!tpu.dma_semaphore, #tpu.memory_space<semaphore_mem>>) {add = true}
    %scan3A_294 = arith.constant 0 : i32
    %scan3A_295 = arith.constant 0 : i32
    %scan3A_296 = arith.constant 8 : i32
    %scan3A_297 = arith.addi %scan3A_295, %scan3A_296 : i32
    %scan3A_298 = arith.constant 1 : i32
    scf.for %scan3A_323 = %scan3A_295 to %scan3A_297 step %scan3A_298  : i32 {
      %mul3A_324 = arith.constant 16 : i32
      %mul3A_325 = arith.muli %scan3A_323, %mul3A_324 : i32
      %get3A = arith.constant 7 : i32
      %get3A_326 = arith.index_cast %get3A : i32 to index
      %get3A_327 = arith.index_cast %mul3A_325 : i32 to index
      %get3A_328 = tpu.vector_load %arg8[%get3A_326, %get3A_327] {strides = array<i32>} : memref<8x128xi32, #tpu.memory_space<vmem>>, vector<16xi32>,
      %lt3A = arith.constant 5056 : i32
      %lt3A_329 = vector.broadcast %lt3A : i32 to vector<16xi32>
      %lt3A_330 = arith.cmpi slt, %get3A_328, %lt3A_329 : vector<16xi32>
      %sub3A = arith.constant 5056 : i32
      %sub3A_331 = vector.broadcast %sub3A : i32 to vector<16xi32>
      %sub3A_332 = arith.subi %get3A_328, %sub3A_331 : vector<16xi32>
      %select_n3A = arith.select %lt3A_330, %get3A_328, %sub3A_332 : vector<16xi1>, vector<16xi32>
      %not3A = arith.constant dense<true> : vector<16xi1>
      %not3A_333 = arith.xori %lt3A_330, %not3A : vector<16xi1>
      %unique3A, %unique3A_334 = tpu.scan_count mask(%lt3A_330 : vector<16xi1>) value(%get3A_328 : vector<16xi32>) : vector<16xi1>, vector<16xi32>
      %gather3A = tpu.vector_load_idx %arg11[%select_n3A] : memref<5056xi32, #tpu.memory_space<vmem>>[vector<16xi32>], vector<16xi32>,
      %shift_left3A = arith.constant 0 : i32
      %shift_left3A_335 = vector.broadcast %shift_left3A : i32 to vector<16xi32>
      %shift_left3A_336 = arith.shli %unique3A_334, %shift_left3A_335 : vector<16xi32>
      %add3A_337 = arith.addi %gather3A, %shift_left3A_336 : vector<16xi32>
      tpu.vector_store_idx %arg11[%select_n3A], %add3A_337 masked %unique3A : memref<5056xi32, #tpu.memory_space<vmem>>[vector<16xi32>], vector<16xi32>, vector<16xi1>
      %unique3A_338, %unique3A_339 = tpu.scan_count mask(%not3A_333 : vector<16xi1>) value(%get3A_328 : vector<16xi32>) : vector<16xi1>, vector<16xi32>
      %gather3A_340 = tpu.vector_load_idx %arg11[%select_n3A] : memref<5056xi32, #tpu.memory_space<vmem>>[vector<16xi32>], vector<16xi32>,
      %shift_left3A_341 = arith.constant 16 : i32
      %shift_left3A_342 = vector.broadcast %shift_left3A_341 : i32 to vector<16xi32>
      %shift_left3A_343 = arith.shli %unique3A_339, %shift_left3A_342 : vector<16xi32>
      %add3A_344 = arith.addi %gather3A_340, %shift_left3A_343 : vector<16xi32>
      tpu.vector_store_idx %arg11[%select_n3A], %add3A_344 masked %unique3A_338 : memref<5056xi32, #tpu.memory_space<vmem>>[vector<16xi32>], vector<16xi32>, vector<16xi1>
    }
    %scan3A_299 = arith.constant 8 : i32
    %scan3A_300 = arith.constant 0 : i32
    %scan3A_301 = arith.constant 1 : i32
    %scan3A_302 = arith.constant 9 : i32
    %scan3A_303 = arith.addi %scan3A_301, %scan3A_302 : i32
    %scan3A_304 = arith.constant 1 : i32
    scf.for %scan3A_323 = %scan3A_301 to %scan3A_303 step %scan3A_304  : i32 {
      %dma_wait3A_324 = arith.constant 0 : i32
      %dma_wait3A_325 = arith.constant 0 : i32
      %dma_wait3A_326 = arith.constant 0 : i32
      %dma_wait3A_327 = tpu.memref_slice %arg3[%dma_wait3A_324, %dma_wait3A_325, %dma_wait3A_326] : memref<2x2568x128xi32, #tpu.memory_space<hbm>> -> memref<1x8x128xi32, #tpu.memory_space<hbm>>
      %dma_wait3A_328 = tpu.memref_squeeze %dma_wait3A_327 : memref<1x8x128xi32, #tpu.memory_space<hbm>> -> memref<8x128xi32, #tpu.memory_space<hbm>>
      %dma_wait3A_329 = arith.constant 0 : i32
      %dma_wait3A_330 = arith.constant 0 : i32
      %dma_wait3A_331 = tpu.memref_slice %arg3[%dma_wait3A_324, %dma_wait3A_329, %dma_wait3A_330] : memref<2x2568x128xi32, #tpu.memory_space<hbm>> -> memref<1x8x128xi32, #tpu.memory_space<hbm>>
      %dma_wait3A_332 = tpu.memref_squeeze %dma_wait3A_331 : memref<1x8x128xi32, #tpu.memory_space<hbm>> -> memref<8x128xi32, #tpu.memory_space<hbm>>
      tpu.wait_dma2 semaphore(%arg15 : memref<!tpu.dma_semaphore, #tpu.memory_space<semaphore_mem>>) src(%dma_wait3A_332 : memref<8x128xi32, #tpu.memory_space<hbm>>) dst(%arg7 : memref<8x128xi32, #tpu.memory_space<vmem>>)
      %dma_start3A_333 = arith.constant 0 : i32
      %dma_start3A_334 = arith.constant 0 : i32
      %dma_start3A_335 = tpu.memref_slice %arg7[%dma_start3A_333, %dma_start3A_334] : memref<8x128xi32, #tpu.memory_space<vmem>> -> memref<1x128xi32, #tpu.memory_space<vmem>>
      %dma_start3A_336 = tpu.memref_squeeze %dma_start3A_335 : memref<1x128xi32, #tpu.memory_space<vmem>> -> memref<128xi32, #tpu.memory_space<vmem>>
      %dma_start3A_337 = arith.constant 0 : i32
      %dma_start3A_338 = arith.constant 0 : i32
      %dma_start3A_339 = tpu.memref_slice %arg2[%dma_start3A_337, %dma_start3A_338] : memref<10000x128xf32, #tpu.memory_space<hbm>> -> memref<10000x128xf32, #tpu.memory_space<hbm>>
      tpu.enqueue_indirect_dma source(%dma_start3A_339 : memref<10000x128xf32, #tpu.memory_space<hbm>>) target(%arg9 : memref<128x128xf32, #tpu.memory_space<vmem>>) offsets(%dma_start3A_336 : memref<128xi32, #tpu.memory_space<vmem>>) semaphore(%arg13 : memref<!tpu.dma_semaphore, #tpu.memory_space<semaphore_mem>>)
      %dma_wait3A_340 = arith.constant 7 : i32
      %dma_wait3A_341 = arith.constant 0 : i32
      %dma_wait3A_342 = tpu.memref_slice %arg8[%dma_wait3A_340, %dma_wait3A_341] : memref<8x128xi32, #tpu.memory_space<vmem>> -> memref<1x128xi32, #tpu.memory_space<vmem>>
      %dma_wait3A_343 = tpu.memref_squeeze %dma_wait3A_342 : memref<1x128xi32, #tpu.memory_space<vmem>> -> memref<128xi32, #tpu.memory_space<vmem>>
      %dma_wait3A_344 = arith.constant 0 : i32
      %dma_wait3A_345 = arith.constant 0 : i32
      %dma_wait3A_346 = tpu.memref_slice %arg12[%dma_wait3A_344, %dma_wait3A_345] : memref<10112x128xf32, #tpu.memory_space<vmem_shared>> -> memref<10112x128xf32, #tpu.memory_space<vmem_shared>>
      tpu.wait_indirect_dma semaphore(%arg14 : memref<!tpu.dma_semaphore, #tpu.memory_space<semaphore_mem>>) src(%arg10 : memref<128x128xf32, #tpu.memory_space<vmem>>) dst(%dma_wait3A_346 : memref<10112x128xf32, #tpu.memory_space<vmem_shared>>)
      %mul3A_347 = arith.constant 8 : i32
      %mul3A_348 = arith.muli %scan3A_323, %mul3A_347 : i32
      %add3A_349 = arith.addi %mul3A_2, %mul3A_348 : i32
      %run_scoped3A_350 = arith.constant 1 : i32
      "tpu.region"() ({
        %run_scoped3A_621 = tpu.sem_alloc : memref<!tpu.dma_semaphore, #tpu.memory_space<semaphore_mem>>
        %dma_start3A_622 = arith.constant 0 : i32
        %dma_start3A_623 = tpu.memref_slice %arg3[%run_scoped3A_350, %add3A_349, %dma_start3A_622] : memref<2x2568x128xi32, #tpu.memory_space<hbm>> -> memref<1x8x128xi32, #tpu.memory_space<hbm>>
        %dma_start3A_624 = tpu.memref_squeeze %dma_start3A_623 : memref<1x8x128xi32, #tpu.memory_space<hbm>> -> memref<8x128xi32, #tpu.memory_space<hbm>>
        %dma_start3A_625 = arith.constant 0 : i32
        %dma_start3A_626 = tpu.memref_slice %arg3[%run_scoped3A_350, %add3A_349, %dma_start3A_625] : memref<2x2568x128xi32, #tpu.memory_space<hbm>> -> memref<1x8x128xi32, #tpu.memory_space<hbm>>
        %dma_start3A_627 = tpu.memref_squeeze %dma_start3A_626 : memref<1x8x128xi32, #tpu.memory_space<hbm>> -> memref<8x128xi32, #tpu.memory_space<hbm>>
        tpu.enqueue_dma source(%dma_start3A_627 : memref<8x128xi32, #tpu.memory_space<hbm>>) target(%arg8 : memref<8x128xi32, #tpu.memory_space<vmem>>) target_semaphore(%run_scoped3A_621 : memref<!tpu.dma_semaphore, #tpu.memory_space<semaphore_mem>>)
        %dma_wait3A_628 = arith.constant 0 : i32
        %dma_wait3A_629 = tpu.memref_slice %arg3[%run_scoped3A_350, %add3A_349, %dma_wait3A_628] : memref<2x2568x128xi32, #tpu.memory_space<hbm>> -> memref<1x8x128xi32, #tpu.memory_space<hbm>>
        %dma_wait3A_630 = tpu.memref_squeeze %dma_wait3A_629 : memref<1x8x128xi32, #tpu.memory_space<hbm>> -> memref<8x128xi32, #tpu.memory_space<hbm>>
        %dma_wait3A_631 = arith.constant 0 : i32
        %dma_wait3A_632 = tpu.memref_slice %arg3[%run_scoped3A_350, %add3A_349, %dma_wait3A_631] : memref<2x2568x128xi32, #tpu.memory_space<hbm>> -> memref<1x8x128xi32, #tpu.memory_space<hbm>>
        %dma_wait3A_633 = tpu.memref_squeeze %dma_wait3A_632 : memref<1x8x128xi32, #tpu.memory_space<hbm>> -> memref<8x128xi32, #tpu.memory_space<hbm>>
        tpu.wait_dma2 semaphore(%run_scoped3A_621 : memref<!tpu.dma_semaphore, #tpu.memory_space<semaphore_mem>>) src(%dma_wait3A_633 : memref<8x128xi32, #tpu.memory_space<hbm>>) dst(%arg8 : memref<8x128xi32, #tpu.memory_space<vmem>>)
        tpu.yield
      }) : () -> ()
      %dma_wait3A_351 = arith.constant 0 : i32
      %dma_wait3A_352 = arith.constant 0 : i32
      %dma_wait3A_353 = tpu.memref_slice %arg7[%dma_wait3A_351, %dma_wait3A_352] : memref<8x128xi32, #tpu.memory_space<vmem>> -> memref<1x128xi32, #tpu.memory_space<vmem>>
      %dma_wait3A_354 = tpu.memref_squeeze %dma_wait3A_353 : memref<1x128xi32, #tpu.memory_space<vmem>> -> memref<128xi32, #tpu.memory_space<vmem>>
      %dma_wait3A_355 = arith.constant 0 : i32
      %dma_wait3A_356 = arith.constant 0 : i32
      %dma_wait3A_357 = tpu.memref_slice %arg2[%dma_wait3A_355, %dma_wait3A_356] : memref<10000x128xf32, #tpu.memory_space<hbm>> -> memref<10000x128xf32, #tpu.memory_space<hbm>>
      tpu.wait_indirect_dma semaphore(%arg13 : memref<!tpu.dma_semaphore, #tpu.memory_space<semaphore_mem>>) src(%dma_wait3A_357 : memref<10000x128xf32, #tpu.memory_space<hbm>>) dst(%arg9 : memref<128x128xf32, #tpu.memory_space<vmem>>)
      %dma_start3A_358 = arith.constant 1 : i32
      %dma_start3A_359 = arith.constant 0 : i32
      %dma_start3A_360 = tpu.memref_slice %arg7[%dma_start3A_358, %dma_start3A_359] : memref<8x128xi32, #tpu.memory_space<vmem>> -> memref<1x128xi32, #tpu.memory_space<vmem>>
      %dma_start3A_361 = tpu.memref_squeeze %dma_start3A_360 : memref<1x128xi32, #tpu.memory_space<vmem>> -> memref<128xi32, #tpu.memory_space<vmem>>
      %dma_start3A_362 = arith.constant 0 : i32
      %dma_start3A_363 = arith.constant 0 : i32
      %dma_start3A_364 = tpu.memref_slice %arg2[%dma_start3A_362, %dma_start3A_363] : memref<10000x128xf32, #tpu.memory_space<hbm>> -> memref<10000x128xf32, #tpu.memory_space<hbm>>
      tpu.enqueue_indirect_dma source(%dma_start3A_364 : memref<10000x128xf32, #tpu.memory_space<hbm>>) target(%arg10 : memref<128x128xf32, #tpu.memory_space<vmem>>) offsets(%dma_start3A_361 : memref<128xi32, #tpu.memory_space<vmem>>) semaphore(%arg13 : memref<!tpu.dma_semaphore, #tpu.memory_space<semaphore_mem>>)
      %dma_start3A_365 = arith.constant 0 : i32
      %dma_start3A_366 = arith.constant 0 : i32
      %dma_start3A_367 = tpu.memref_slice %arg8[%dma_start3A_365, %dma_start3A_366] : memref<8x128xi32, #tpu.memory_space<vmem>> -> memref<1x128xi32, #tpu.memory_space<vmem>>
      %dma_start3A_368 = tpu.memref_squeeze %dma_start3A_367 : memref<1x128xi32, #tpu.memory_space<vmem>> -> memref<128xi32, #tpu.memory_space<vmem>>
      %dma_start3A_369 = arith.constant 0 : i32
      %dma_start3A_370 = arith.constant 0 : i32
      %dma_start3A_371 = tpu.memref_slice %arg12[%dma_start3A_369, %dma_start3A_370] : memref<10112x128xf32, #tpu.memory_space<vmem_shared>> -> memref<10112x128xf32, #tpu.memory_space<vmem_shared>>
      tpu.enqueue_indirect_dma source(%arg9 : memref<128x128xf32, #tpu.memory_space<vmem>>) target(%dma_start3A_371 : memref<10112x128xf32, #tpu.memory_space<vmem_shared>>) offsets(%dma_start3A_368 : memref<128xi32, #tpu.memory_space<vmem>>) semaphore(%arg14 : memref<!tpu.dma_semaphore, #tpu.memory_space<semaphore_mem>>) {add = true}
      %scan3A_372 = arith.constant 0 : i32
      %scan3A_373 = arith.constant 0 : i32
      %scan3A_374 = arith.constant 8 : i32
      %scan3A_375 = arith.addi %scan3A_373, %scan3A_374 : i32
      %scan3A_376 = arith.constant 1 : i32
      scf.for %scan3A_621 = %scan3A_373 to %scan3A_375 step %scan3A_376  : i32 {
        %mul3A_622 = arith.constant 16 : i32
        %mul3A_623 = arith.muli %scan3A_621, %mul3A_622 : i32
        %get3A = arith.constant 0 : i32
        %get3A_624 = arith.index_cast %get3A : i32 to index
        %get3A_625 = arith.index_cast %mul3A_623 : i32 to index
        %get3A_626 = tpu.vector_load %arg8[%get3A_624, %get3A_625] {strides = array<i32>} : memref<8x128xi32, #tpu.memory_space<vmem>>, vector<16xi32>,
        %lt3A = arith.constant 5056 : i32
        %lt3A_627 = vector.broadcast %lt3A : i32 to vector<16xi32>
        %lt3A_628 = arith.cmpi slt, %get3A_626, %lt3A_627 : vector<16xi32>
        %sub3A = arith.constant 5056 : i32
        %sub3A_629 = vector.broadcast %sub3A : i32 to vector<16xi32>
        %sub3A_630 = arith.subi %get3A_626, %sub3A_629 : vector<16xi32>
        %select_n3A = arith.select %lt3A_628, %get3A_626, %sub3A_630 : vector<16xi1>, vector<16xi32>
        %not3A = arith.constant dense<true> : vector<16xi1>
        %not3A_631 = arith.xori %lt3A_628, %not3A : vector<16xi1>
        %unique3A, %unique3A_632 = tpu.scan_count mask(%lt3A_628 : vector<16xi1>) value(%get3A_626 : vector<16xi32>) : vector<16xi1>, vector<16xi32>
        %gather3A = tpu.vector_load_idx %arg11[%select_n3A] : memref<5056xi32, #tpu.memory_space<vmem>>[vector<16xi32>], vector<16xi32>,
        %shift_left3A = arith.constant 0 : i32
        %shift_left3A_633 = vector.broadcast %shift_left3A : i32 to vector<16xi32>
        %shift_left3A_634 = arith.shli %unique3A_632, %shift_left3A_633 : vector<16xi32>
        %add3A_635 = arith.addi %gather3A, %shift_left3A_634 : vector<16xi32>
        tpu.vector_store_idx %arg11[%select_n3A], %add3A_635 masked %unique3A : memref<5056xi32, #tpu.memory_space<vmem>>[vector<16xi32>], vector<16xi32>, vector<16xi1>
        %unique3A_636, %unique3A_637 = tpu.scan_count mask(%not3A_631 : vector<16xi1>) value(%get3A_626 : vector<16xi32>) : vector<16xi1>, vector<16xi32>
        %gather3A_638 = tpu.vector_load_idx %arg11[%select_n3A] : memref<5056xi32, #tpu.memory_space<vmem>>[vector<16xi32>], vector<16xi32>,
        %shift_left3A_639 = arith.constant 16 : i32
        %shift_left3A_640 = vector.broadcast %shift_left3A_639 : i32 to vector<16xi32>
        %shift_left3A_641 = arith.shli %unique3A_637, %shift_left3A_640 : vector<16xi32>
        %add3A_642 = arith.addi %gather3A_638, %shift_left3A_641 : vector<16xi32>
        tpu.vector_store_idx %arg11[%select_n3A], %add3A_642 masked %unique3A_636 : memref<5056xi32, #tpu.memory_space<vmem>>[vector<16xi32>], vector<16xi32>, vector<16xi1>
      }
      %scan3A_377 = arith.constant 8 : i32
      %dma_wait3A_378 = arith.constant 1 : i32
      %dma_wait3A_379 = arith.constant 0 : i32
      %dma_wait3A_380 = tpu.memref_slice %arg7[%dma_wait3A_378, %dma_wait3A_379] : memref<8x128xi32, #tpu.memory_space<vmem>> -> memref<1x128xi32, #tpu.memory_space<vmem>>
      %dma_wait3A_381 = tpu.memref_squeeze %dma_wait3A_380 : memref<1x128xi32, #tpu.memory_space<vmem>> -> memref<128xi32, #tpu.memory_space<vmem>>
      %dma_wait3A_382 = arith.constant 0 : i32
      %dma_wait3A_383 = arith.constant 0 : i32
      %dma_wait3A_384 = tpu.memref_slice %arg2[%dma_wait3A_382, %dma_wait3A_383] : memref<10000x128xf32, #tpu.memory_space<hbm>> -> memref<10000x128xf32, #tpu.memory_space<hbm>>
      tpu.wait_indirect_dma semaphore(%arg13 : memref<!tpu.dma_semaphore, #tpu.memory_space<semaphore_mem>>) src(%dma_wait3A_384 : memref<10000x128xf32, #tpu.memory_space<hbm>>) dst(%arg10 : memref<128x128xf32, #tpu.memory_space<vmem>>)
      %dma_wait3A_385 = arith.constant 0 : i32
      %dma_wait3A_386 = arith.constant 0 : i32
      %dma_wait3A_387 = tpu.memref_slice %arg8[%dma_wait3A_385, %dma_wait3A_386] : memref<8x128xi32, #tpu.memory_space<vmem>> -> memref<1x128xi32, #tpu.memory_space<vmem>>
      %dma_wait3A_388 = tpu.memref_squeeze %dma_wait3A_387 : memref<1x128xi32, #tpu.memory_space<vmem>> -> memref<128xi32, #tpu.memory_space<vmem>>
      %dma_wait3A_389 = arith.constant 0 : i32
      %dma_wait3A_390 = arith.constant 0 : i32
      %dma_wait3A_391 = tpu.memref_slice %arg12[%dma_wait3A_389, %dma_wait3A_390] : memref<10112x128xf32, #tpu.memory_space<vmem_shared>> -> memref<10112x128xf32, #tpu.memory_space<vmem_shared>>
      tpu.wait_indirect_dma semaphore(%arg14 : memref<!tpu.dma_semaphore, #tpu.memory_space<semaphore_mem>>) src(%arg9 : memref<128x128xf32, #tpu.memory_space<vmem>>) dst(%dma_wait3A_391 : memref<10112x128xf32, #tpu.memory_space<vmem_shared>>)
      %dma_start3A_392 = arith.constant 2 : i32
      %dma_start3A_393 = arith.constant 0 : i32
      %dma_start3A_394 = tpu.memref_slice %arg7[%dma_start3A_392, %dma_start3A_393] : memref<8x128xi32, #tpu.memory_space<vmem>> -> memref<1x128xi32, #tpu.memory_space<vmem>>
      %dma_start3A_395 = tpu.memref_squeeze %dma_start3A_394 : memref<1x128xi32, #tpu.memory_space<vmem>> -> memref<128xi32, #tpu.memory_space<vmem>>
      %dma_start3A_396 = arith.constant 0 : i32
      %dma_start3A_397 = arith.constant 0 : i32
      %dma_start3A_398 = tpu.memref_slice %arg2[%dma_start3A_396, %dma_start3A_397] : memref<10000x128xf32, #tpu.memory_space<hbm>> -> memref<10000x128xf32, #tpu.memory_space<hbm>>
      tpu.enqueue_indirect_dma source(%dma_start3A_398 : memref<10000x128xf32, #tpu.memory_space<hbm>>) target(%arg9 : memref<128x128xf32, #tpu.memory_space<vmem>>) offsets(%dma_start3A_395 : memref<128xi32, #tpu.memory_space<vmem>>) semaphore(%arg13 : memref<!tpu.dma_semaphore, #tpu.memory_space<semaphore_mem>>)
      %dma_start3A_399 = arith.constant 1 : i32
      %dma_start3A_400 = arith.constant 0 : i32
      %dma_start3A_401 = tpu.memref_slice %arg8[%dma_start3A_399, %dma_start3A_400] : memref<8x128xi32, #tpu.memory_space<vmem>> -> memref<1x128xi32, #tpu.memory_space<vmem>>
      %dma_start3A_402 = tpu.memref_squeeze %dma_start3A_401 : memref<1x128xi32, #tpu.memory_space<vmem>> -> memref<128xi32, #tpu.memory_space<vmem>>
      %dma_start3A_403 = arith.constant 0 : i32
      %dma_start3A_404 = arith.constant 0 : i32
      %dma_start3A_405 = tpu.memref_slice %arg12[%dma_start3A_403, %dma_start3A_404] : memref<10112x128xf32, #tpu.memory_space<vmem_shared>> -> memref<10112x128xf32, #tpu.memory_space<vmem_shared>>
      tpu.enqueue_indirect_dma source(%arg10 : memref<128x128xf32, #tpu.memory_space<vmem>>) target(%dma_start3A_405 : memref<10112x128xf32, #tpu.memory_space<vmem_shared>>) offsets(%dma_start3A_402 : memref<128xi32, #tpu.memory_space<vmem>>) semaphore(%arg14 : memref<!tpu.dma_semaphore, #tpu.memory_space<semaphore_mem>>) {add = true}
      %scan3A_406 = arith.constant 0 : i32
      %scan3A_407 = arith.constant 0 : i32
      %scan3A_408 = arith.constant 8 : i32
      %scan3A_409 = arith.addi %scan3A_407, %scan3A_408 : i32
      %scan3A_410 = arith.constant 1 : i32
      scf.for %scan3A_621 = %scan3A_407 to %scan3A_409 step %scan3A_410  : i32 {
        %mul3A_622 = arith.constant 16 : i32
        %mul3A_623 = arith.muli %scan3A_621, %mul3A_622 : i32
        %get3A = arith.constant 1 : i32
        %get3A_624 = arith.index_cast %get3A : i32 to index
        %get3A_625 = arith.index_cast %mul3A_623 : i32 to index
        %get3A_626 = tpu.vector_load %arg8[%get3A_624, %get3A_625] {strides = array<i32>} : memref<8x128xi32, #tpu.memory_space<vmem>>, vector<16xi32>,
        %lt3A = arith.constant 5056 : i32
        %lt3A_627 = vector.broadcast %lt3A : i32 to vector<16xi32>
        %lt3A_628 = arith.cmpi slt, %get3A_626, %lt3A_627 : vector<16xi32>
        %sub3A = arith.constant 5056 : i32
        %sub3A_629 = vector.broadcast %sub3A : i32 to vector<16xi32>
        %sub3A_630 = arith.subi %get3A_626, %sub3A_629 : vector<16xi32>
        %select_n3A = arith.select %lt3A_628, %get3A_626, %sub3A_630 : vector<16xi1>, vector<16xi32>
        %not3A = arith.constant dense<true> : vector<16xi1>
        %not3A_631 = arith.xori %lt3A_628, %not3A : vector<16xi1>
        %unique3A, %unique3A_632 = tpu.scan_count mask(%lt3A_628 : vector<16xi1>) value(%get3A_626 : vector<16xi32>) : vector<16xi1>, vector<16xi32>
        %gather3A = tpu.vector_load_idx %arg11[%select_n3A] : memref<5056xi32, #tpu.memory_space<vmem>>[vector<16xi32>], vector<16xi32>,
        %shift_left3A = arith.constant 0 : i32
        %shift_left3A_633 = vector.broadcast %shift_left3A : i32 to vector<16xi32>
        %shift_left3A_634 = arith.shli %unique3A_632, %shift_left3A_633 : vector<16xi32>
        %add3A_635 = arith.addi %gather3A, %shift_left3A_634 : vector<16xi32>
        tpu.vector_store_idx %arg11[%select_n3A], %add3A_635 masked %unique3A : memref<5056xi32, #tpu.memory_space<vmem>>[vector<16xi32>], vector<16xi32>, vector<16xi1>
        %unique3A_636, %unique3A_637 = tpu.scan_count mask(%not3A_631 : vector<16xi1>) value(%get3A_626 : vector<16xi32>) : vector<16xi1>, vector<16xi32>
        %gather3A_638 = tpu.vector_load_idx %arg11[%select_n3A] : memref<5056xi32, #tpu.memory_space<vmem>>[vector<16xi32>], vector<16xi32>,
        %shift_left3A_639 = arith.constant 16 : i32
        %shift_left3A_640 = vector.broadcast %shift_left3A_639 : i32 to vector<16xi32>
        %shift_left3A_641 = arith.shli %unique3A_637, %shift_left3A_640 : vector<16xi32>
        %add3A_642 = arith.addi %gather3A_638, %shift_left3A_641 : vector<16xi32>
        tpu.vector_store_idx %arg11[%select_n3A], %add3A_642 masked %unique3A_636 : memref<5056xi32, #tpu.memory_space<vmem>>[vector<16xi32>], vector<16xi32>, vector<16xi1>
      }
      %scan3A_411 = arith.constant 8 : i32
      %dma_wait3A_412 = arith.constant 2 : i32
      %dma_wait3A_413 = arith.constant 0 : i32
      %dma_wait3A_414 = tpu.memref_slice %arg7[%dma_wait3A_412, %dma_wait3A_413] : memref<8x128xi32, #tpu.memory_space<vmem>> -> memref<1x128xi32, #tpu.memory_space<vmem>>
      %dma_wait3A_415 = tpu.memref_squeeze %dma_wait3A_414 : memref<1x128xi32, #tpu.memory_space<vmem>> -> memref<128xi32, #tpu.memory_space<vmem>>
      %dma_wait3A_416 = arith.constant 0 : i32
      %dma_wait3A_417 = arith.constant 0 : i32
      %dma_wait3A_418 = tpu.memref_slice %arg2[%dma_wait3A_416, %dma_wait3A_417] : memref<10000x128xf32, #tpu.memory_space<hbm>> -> memref<10000x128xf32, #tpu.memory_space<hbm>>
      tpu.wait_indirect_dma semaphore(%arg13 : memref<!tpu.dma_semaphore, #tpu.memory_space<semaphore_mem>>) src(%dma_wait3A_418 : memref<10000x128xf32, #tpu.memory_space<hbm>>) dst(%arg9 : memref<128x128xf32, #tpu.memory_space<vmem>>)
      %dma_wait3A_419 = arith.constant 1 : i32
      %dma_wait3A_420 = arith.constant 0 : i32
      %dma_wait3A_421 = tpu.memref_slice %arg8[%dma_wait3A_419, %dma_wait3A_420] : memref<8x128xi32, #tpu.memory_space<vmem>> -> memref<1x128xi32, #tpu.memory_space<vmem>>
      %dma_wait3A_422 = tpu.memref_squeeze %dma_wait3A_421 : memref<1x128xi32, #tpu.memory_space<vmem>> -> memref<128xi32, #tpu.memory_space<vmem>>
      %dma_wait3A_423 = arith.constant 0 : i32
      %dma_wait3A_424 = arith.constant 0 : i32
      %dma_wait3A_425 = tpu.memref_slice %arg12[%dma_wait3A_423, %dma_wait3A_424] : memref<10112x128xf32, #tpu.memory_space<vmem_shared>> -> memref<10112x128xf32, #tpu.memory_space<vmem_shared>>
      tpu.wait_indirect_dma semaphore(%arg14 : memref<!tpu.dma_semaphore, #tpu.memory_space<semaphore_mem>>) src(%arg10 : memref<128x128xf32, #tpu.memory_space<vmem>>) dst(%dma_wait3A_425 : memref<10112x128xf32, #tpu.memory_space<vmem_shared>>)
      %dma_start3A_426 = arith.constant 3 : i32
      %dma_start3A_427 = arith.constant 0 : i32
      %dma_start3A_428 = tpu.memref_slice %arg7[%dma_start3A_426, %dma_start3A_427] : memref<8x128xi32, #tpu.memory_space<vmem>> -> memref<1x128xi32, #tpu.memory_space<vmem>>
      %dma_start3A_429 = tpu.memref_squeeze %dma_start3A_428 : memref<1x128xi32, #tpu.memory_space<vmem>> -> memref<128xi32, #tpu.memory_space<vmem>>
      %dma_start3A_430 = arith.constant 0 : i32
      %dma_start3A_431 = arith.constant 0 : i32
      %dma_start3A_432 = tpu.memref_slice %arg2[%dma_start3A_430, %dma_start3A_431] : memref<10000x128xf32, #tpu.memory_space<hbm>> -> memref<10000x128xf32, #tpu.memory_space<hbm>>
      tpu.enqueue_indirect_dma source(%dma_start3A_432 : memref<10000x128xf32, #tpu.memory_space<hbm>>) target(%arg10 : memref<128x128xf32, #tpu.memory_space<vmem>>) offsets(%dma_start3A_429 : memref<128xi32, #tpu.memory_space<vmem>>) semaphore(%arg13 : memref<!tpu.dma_semaphore, #tpu.memory_space<semaphore_mem>>)
      %dma_start3A_433 = arith.constant 2 : i32
      %dma_start3A_434 = arith.constant 0 : i32
      %dma_start3A_435 = tpu.memref_slice %arg8[%dma_start3A_433, %dma_start3A_434] : memref<8x128xi32, #tpu.memory_space<vmem>> -> memref<1x128xi32, #tpu.memory_space<vmem>>
      %dma_start3A_436 = tpu.memref_squeeze %dma_start3A_435 : memref<1x128xi32, #tpu.memory_space<vmem>> -> memref<128xi32, #tpu.memory_space<vmem>>
      %dma_start3A_437 = arith.constant 0 : i32
      %dma_start3A_438 = arith.constant 0 : i32
      %dma_start3A_439 = tpu.memref_slice %arg12[%dma_start3A_437, %dma_start3A_438] : memref<10112x128xf32, #tpu.memory_space<vmem_shared>> -> memref<10112x128xf32, #tpu.memory_space<vmem_shared>>
      tpu.enqueue_indirect_dma source(%arg9 : memref<128x128xf32, #tpu.memory_space<vmem>>) target(%dma_start3A_439 : memref<10112x128xf32, #tpu.memory_space<vmem_shared>>) offsets(%dma_start3A_436 : memref<128xi32, #tpu.memory_space<vmem>>) semaphore(%arg14 : memref<!tpu.dma_semaphore, #tpu.memory_space<semaphore_mem>>) {add = true}
      %scan3A_440 = arith.constant 0 : i32
      %scan3A_441 = arith.constant 0 : i32
      %scan3A_442 = arith.constant 8 : i32
      %scan3A_443 = arith.addi %scan3A_441, %scan3A_442 : i32
      %scan3A_444 = arith.constant 1 : i32
      scf.for %scan3A_621 = %scan3A_441 to %scan3A_443 step %scan3A_444  : i32 {
        %mul3A_622 = arith.constant 16 : i32
        %mul3A_623 = arith.muli %scan3A_621, %mul3A_622 : i32
        %get3A = arith.constant 2 : i32
        %get3A_624 = arith.index_cast %get3A : i32 to index
        %get3A_625 = arith.index_cast %mul3A_623 : i32 to index
        %get3A_626 = tpu.vector_load %arg8[%get3A_624, %get3A_625] {strides = array<i32>} : memref<8x128xi32, #tpu.memory_space<vmem>>, vector<16xi32>,
        %lt3A = arith.constant 5056 : i32
        %lt3A_627 = vector.broadcast %lt3A : i32 to vector<16xi32>
        %lt3A_628 = arith.cmpi slt, %get3A_626, %lt3A_627 : vector<16xi32>
        %sub3A = arith.constant 5056 : i32
        %sub3A_629 = vector.broadcast %sub3A : i32 to vector<16xi32>
        %sub3A_630 = arith.subi %get3A_626, %sub3A_629 : vector<16xi32>
        %select_n3A = arith.select %lt3A_628, %get3A_626, %sub3A_630 : vector<16xi1>, vector<16xi32>
        %not3A = arith.constant dense<true> : vector<16xi1>
        %not3A_631 = arith.xori %lt3A_628, %not3A : vector<16xi1>
        %unique3A, %unique3A_632 = tpu.scan_count mask(%lt3A_628 : vector<16xi1>) value(%get3A_626 : vector<16xi32>) : vector<16xi1>, vector<16xi32>
        %gather3A = tpu.vector_load_idx %arg11[%select_n3A] : memref<5056xi32, #tpu.memory_space<vmem>>[vector<16xi32>], vector<16xi32>,
        %shift_left3A = arith.constant 0 : i32
        %shift_left3A_633 = vector.broadcast %shift_left3A : i32 to vector<16xi32>
        %shift_left3A_634 = arith.shli %unique3A_632, %shift_left3A_633 : vector<16xi32>
        %add3A_635 = arith.addi %gather3A, %shift_left3A_634 : vector<16xi32>
        tpu.vector_store_idx %arg11[%select_n3A], %add3A_635 masked %unique3A : memref<5056xi32, #tpu.memory_space<vmem>>[vector<16xi32>], vector<16xi32>, vector<16xi1>
        %unique3A_636, %unique3A_637 = tpu.scan_count mask(%not3A_631 : vector<16xi1>) value(%get3A_626 : vector<16xi32>) : vector<16xi1>, vector<16xi32>
        %gather3A_638 = tpu.vector_load_idx %arg11[%select_n3A] : memref<5056xi32, #tpu.memory_space<vmem>>[vector<16xi32>], vector<16xi32>,
        %shift_left3A_639 = arith.constant 16 : i32
        %shift_left3A_640 = vector.broadcast %shift_left3A_639 : i32 to vector<16xi32>
        %shift_left3A_641 = arith.shli %unique3A_637, %shift_left3A_640 : vector<16xi32>
        %add3A_642 = arith.addi %gather3A_638, %shift_left3A_641 : vector<16xi32>
        tpu.vector_store_idx %arg11[%select_n3A], %add3A_642 masked %unique3A_636 : memref<5056xi32, #tpu.memory_space<vmem>>[vector<16xi32>], vector<16xi32>, vector<16xi1>
      }
      %scan3A_445 = arith.constant 8 : i32
      %dma_wait3A_446 = arith.constant 3 : i32
      %dma_wait3A_447 = arith.constant 0 : i32
      %dma_wait3A_448 = tpu.memref_slice %arg7[%dma_wait3A_446, %dma_wait3A_447] : memref<8x128xi32, #tpu.memory_space<vmem>> -> memref<1x128xi32, #tpu.memory_space<vmem>>
      %dma_wait3A_449 = tpu.memref_squeeze %dma_wait3A_448 : memref<1x128xi32, #tpu.memory_space<vmem>> -> memref<128xi32, #tpu.memory_space<vmem>>
      %dma_wait3A_450 = arith.constant 0 : i32
      %dma_wait3A_451 = arith.constant 0 : i32
      %dma_wait3A_452 = tpu.memref_slice %arg2[%dma_wait3A_450, %dma_wait3A_451] : memref<10000x128xf32, #tpu.memory_space<hbm>> -> memref<10000x128xf32, #tpu.memory_space<hbm>>
      tpu.wait_indirect_dma semaphore(%arg13 : memref<!tpu.dma_semaphore, #tpu.memory_space<semaphore_mem>>) src(%dma_wait3A_452 : memref<10000x128xf32, #tpu.memory_space<hbm>>) dst(%arg10 : memref<128x128xf32, #tpu.memory_space<vmem>>)
      %dma_wait3A_453 = arith.constant 2 : i32
      %dma_wait3A_454 = arith.constant 0 : i32
      %dma_wait3A_455 = tpu.memref_slice %arg8[%dma_wait3A_453, %dma_wait3A_454] : memref<8x128xi32, #tpu.memory_space<vmem>> -> memref<1x128xi32, #tpu.memory_space<vmem>>
      %dma_wait3A_456 = tpu.memref_squeeze %dma_wait3A_455 : memref<1x128xi32, #tpu.memory_space<vmem>> -> memref<128xi32, #tpu.memory_space<vmem>>
      %dma_wait3A_457 = arith.constant 0 : i32
      %dma_wait3A_458 = arith.constant 0 : i32
      %dma_wait3A_459 = tpu.memref_slice %arg12[%dma_wait3A_457, %dma_wait3A_458] : memref<10112x128xf32, #tpu.memory_space<vmem_shared>> -> memref<10112x128xf32, #tpu.memory_space<vmem_shared>>
      tpu.wait_indirect_dma semaphore(%arg14 : memref<!tpu.dma_semaphore, #tpu.memory_space<semaphore_mem>>) src(%arg9 : memref<128x128xf32, #tpu.memory_space<vmem>>) dst(%dma_wait3A_459 : memref<10112x128xf32, #tpu.memory_space<vmem_shared>>)
      %dma_start3A_460 = arith.constant 4 : i32
      %dma_start3A_461 = arith.constant 0 : i32
      %dma_start3A_462 = tpu.memref_slice %arg7[%dma_start3A_460, %dma_start3A_461] : memref<8x128xi32, #tpu.memory_space<vmem>> -> memref<1x128xi32, #tpu.memory_space<vmem>>
      %dma_start3A_463 = tpu.memref_squeeze %dma_start3A_462 : memref<1x128xi32, #tpu.memory_space<vmem>> -> memref<128xi32, #tpu.memory_space<vmem>>
      %dma_start3A_464 = arith.constant 0 : i32
      %dma_start3A_465 = arith.constant 0 : i32
      %dma_start3A_466 = tpu.memref_slice %arg2[%dma_start3A_464, %dma_start3A_465] : memref<10000x128xf32, #tpu.memory_space<hbm>> -> memref<10000x128xf32, #tpu.memory_space<hbm>>
      tpu.enqueue_indirect_dma source(%dma_start3A_466 : memref<10000x128xf32, #tpu.memory_space<hbm>>) target(%arg9 : memref<128x128xf32, #tpu.memory_space<vmem>>) offsets(%dma_start3A_463 : memref<128xi32, #tpu.memory_space<vmem>>) semaphore(%arg13 : memref<!tpu.dma_semaphore, #tpu.memory_space<semaphore_mem>>)
      %dma_start3A_467 = arith.constant 3 : i32
      %dma_start3A_468 = arith.constant 0 : i32
      %dma_start3A_469 = tpu.memref_slice %arg8[%dma_start3A_467, %dma_start3A_468] : memref<8x128xi32, #tpu.memory_space<vmem>> -> memref<1x128xi32, #tpu.memory_space<vmem>>
      %dma_start3A_470 = tpu.memref_squeeze %dma_start3A_469 : memref<1x128xi32, #tpu.memory_space<vmem>> -> memref<128xi32, #tpu.memory_space<vmem>>
      %dma_start3A_471 = arith.constant 0 : i32
      %dma_start3A_472 = arith.constant 0 : i32
      %dma_start3A_473 = tpu.memref_slice %arg12[%dma_start3A_471, %dma_start3A_472] : memref<10112x128xf32, #tpu.memory_space<vmem_shared>> -> memref<10112x128xf32, #tpu.memory_space<vmem_shared>>
      tpu.enqueue_indirect_dma source(%arg10 : memref<128x128xf32, #tpu.memory_space<vmem>>) target(%dma_start3A_473 : memref<10112x128xf32, #tpu.memory_space<vmem_shared>>) offsets(%dma_start3A_470 : memref<128xi32, #tpu.memory_space<vmem>>) semaphore(%arg14 : memref<!tpu.dma_semaphore, #tpu.memory_space<semaphore_mem>>) {add = true}
      %scan3A_474 = arith.constant 0 : i32
      %scan3A_475 = arith.constant 0 : i32
      %scan3A_476 = arith.constant 8 : i32
      %scan3A_477 = arith.addi %scan3A_475, %scan3A_476 : i32
      %scan3A_478 = arith.constant 1 : i32
      scf.for %scan3A_621 = %scan3A_475 to %scan3A_477 step %scan3A_478  : i32 {
        %mul3A_622 = arith.constant 16 : i32
        %mul3A_623 = arith.muli %scan3A_621, %mul3A_622 : i32
        %get3A = arith.constant 3 : i32
        %get3A_624 = arith.index_cast %get3A : i32 to index
        %get3A_625 = arith.index_cast %mul3A_623 : i32 to index
        %get3A_626 = tpu.vector_load %arg8[%get3A_624, %get3A_625] {strides = array<i32>} : memref<8x128xi32, #tpu.memory_space<vmem>>, vector<16xi32>,
        %lt3A = arith.constant 5056 : i32
        %lt3A_627 = vector.broadcast %lt3A : i32 to vector<16xi32>
        %lt3A_628 = arith.cmpi slt, %get3A_626, %lt3A_627 : vector<16xi32>
        %sub3A = arith.constant 5056 : i32
        %sub3A_629 = vector.broadcast %sub3A : i32 to vector<16xi32>
        %sub3A_630 = arith.subi %get3A_626, %sub3A_629 : vector<16xi32>
        %select_n3A = arith.select %lt3A_628, %get3A_626, %sub3A_630 : vector<16xi1>, vector<16xi32>
        %not3A = arith.constant dense<true> : vector<16xi1>
        %not3A_631 = arith.xori %lt3A_628, %not3A : vector<16xi1>
        %unique3A, %unique3A_632 = tpu.scan_count mask(%lt3A_628 : vector<16xi1>) value(%get3A_626 : vector<16xi32>) : vector<16xi1>, vector<16xi32>
        %gather3A = tpu.vector_load_idx %arg11[%select_n3A] : memref<5056xi32, #tpu.memory_space<vmem>>[vector<16xi32>], vector<16xi32>,
        %shift_left3A = arith.constant 0 : i32
        %shift_left3A_633 = vector.broadcast %shift_left3A : i32 to vector<16xi32>
        %shift_left3A_634 = arith.shli %unique3A_632, %shift_left3A_633 : vector<16xi32>
        %add3A_635 = arith.addi %gather3A, %shift_left3A_634 : vector<16xi32>
        tpu.vector_store_idx %arg11[%select_n3A], %add3A_635 masked %unique3A : memref<5056xi32, #tpu.memory_space<vmem>>[vector<16xi32>], vector<16xi32>, vector<16xi1>
        %unique3A_636, %unique3A_637 = tpu.scan_count mask(%not3A_631 : vector<16xi1>) value(%get3A_626 : vector<16xi32>) : vector<16xi1>, vector<16xi32>
        %gather3A_638 = tpu.vector_load_idx %arg11[%select_n3A] : memref<5056xi32, #tpu.memory_space<vmem>>[vector<16xi32>], vector<16xi32>,
        %shift_left3A_639 = arith.constant 16 : i32
        %shift_left3A_640 = vector.broadcast %shift_left3A_639 : i32 to vector<16xi32>
        %shift_left3A_641 = arith.shli %unique3A_637, %shift_left3A_640 : vector<16xi32>
        %add3A_642 = arith.addi %gather3A_638, %shift_left3A_641 : vector<16xi32>
        tpu.vector_store_idx %arg11[%select_n3A], %add3A_642 masked %unique3A_636 : memref<5056xi32, #tpu.memory_space<vmem>>[vector<16xi32>], vector<16xi32>, vector<16xi1>
      }
      %scan3A_479 = arith.constant 8 : i32
      %dma_wait3A_480 = arith.constant 4 : i32
      %dma_wait3A_481 = arith.constant 0 : i32
      %dma_wait3A_482 = tpu.memref_slice %arg7[%dma_wait3A_480, %dma_wait3A_481] : memref<8x128xi32, #tpu.memory_space<vmem>> -> memref<1x128xi32, #tpu.memory_space<vmem>>
      %dma_wait3A_483 = tpu.memref_squeeze %dma_wait3A_482 : memref<1x128xi32, #tpu.memory_space<vmem>> -> memref<128xi32, #tpu.memory_space<vmem>>
      %dma_wait3A_484 = arith.constant 0 : i32
      %dma_wait3A_485 = arith.constant 0 : i32
      %dma_wait3A_486 = tpu.memref_slice %arg2[%dma_wait3A_484, %dma_wait3A_485] : memref<10000x128xf32, #tpu.memory_space<hbm>> -> memref<10000x128xf32, #tpu.memory_space<hbm>>
      tpu.wait_indirect_dma semaphore(%arg13 : memref<!tpu.dma_semaphore, #tpu.memory_space<semaphore_mem>>) src(%dma_wait3A_486 : memref<10000x128xf32, #tpu.memory_space<hbm>>) dst(%arg9 : memref<128x128xf32, #tpu.memory_space<vmem>>)
      %dma_wait3A_487 = arith.constant 3 : i32
      %dma_wait3A_488 = arith.constant 0 : i32
      %dma_wait3A_489 = tpu.memref_slice %arg8[%dma_wait3A_487, %dma_wait3A_488] : memref<8x128xi32, #tpu.memory_space<vmem>> -> memref<1x128xi32, #tpu.memory_space<vmem>>
      %dma_wait3A_490 = tpu.memref_squeeze %dma_wait3A_489 : memref<1x128xi32, #tpu.memory_space<vmem>> -> memref<128xi32, #tpu.memory_space<vmem>>
      %dma_wait3A_491 = arith.constant 0 : i32
      %dma_wait3A_492 = arith.constant 0 : i32
      %dma_wait3A_493 = tpu.memref_slice %arg12[%dma_wait3A_491, %dma_wait3A_492] : memref<10112x128xf32, #tpu.memory_space<vmem_shared>> -> memref<10112x128xf32, #tpu.memory_space<vmem_shared>>
      tpu.wait_indirect_dma semaphore(%arg14 : memref<!tpu.dma_semaphore, #tpu.memory_space<semaphore_mem>>) src(%arg10 : memref<128x128xf32, #tpu.memory_space<vmem>>) dst(%dma_wait3A_493 : memref<10112x128xf32, #tpu.memory_space<vmem_shared>>)
      %dma_start3A_494 = arith.constant 5 : i32
      %dma_start3A_495 = arith.constant 0 : i32
      %dma_start3A_496 = tpu.memref_slice %arg7[%dma_start3A_494, %dma_start3A_495] : memref<8x128xi32, #tpu.memory_space<vmem>> -> memref<1x128xi32, #tpu.memory_space<vmem>>
      %dma_start3A_497 = tpu.memref_squeeze %dma_start3A_496 : memref<1x128xi32, #tpu.memory_space<vmem>> -> memref<128xi32, #tpu.memory_space<vmem>>
      %dma_start3A_498 = arith.constant 0 : i32
      %dma_start3A_499 = arith.constant 0 : i32
      %dma_start3A_500 = tpu.memref_slice %arg2[%dma_start3A_498, %dma_start3A_499] : memref<10000x128xf32, #tpu.memory_space<hbm>> -> memref<10000x128xf32, #tpu.memory_space<hbm>>
      tpu.enqueue_indirect_dma source(%dma_start3A_500 : memref<10000x128xf32, #tpu.memory_space<hbm>>) target(%arg10 : memref<128x128xf32, #tpu.memory_space<vmem>>) offsets(%dma_start3A_497 : memref<128xi32, #tpu.memory_space<vmem>>) semaphore(%arg13 : memref<!tpu.dma_semaphore, #tpu.memory_space<semaphore_mem>>)
      %dma_start3A_501 = arith.constant 4 : i32
      %dma_start3A_502 = arith.constant 0 : i32
      %dma_start3A_503 = tpu.memref_slice %arg8[%dma_start3A_501, %dma_start3A_502] : memref<8x128xi32, #tpu.memory_space<vmem>> -> memref<1x128xi32, #tpu.memory_space<vmem>>
      %dma_start3A_504 = tpu.memref_squeeze %dma_start3A_503 : memref<1x128xi32, #tpu.memory_space<vmem>> -> memref<128xi32, #tpu.memory_space<vmem>>
      %dma_start3A_505 = arith.constant 0 : i32
      %dma_start3A_506 = arith.constant 0 : i32
      %dma_start3A_507 = tpu.memref_slice %arg12[%dma_start3A_505, %dma_start3A_506] : memref<10112x128xf32, #tpu.memory_space<vmem_shared>> -> memref<10112x128xf32, #tpu.memory_space<vmem_shared>>
      tpu.enqueue_indirect_dma source(%arg9 : memref<128x128xf32, #tpu.memory_space<vmem>>) target(%dma_start3A_507 : memref<10112x128xf32, #tpu.memory_space<vmem_shared>>) offsets(%dma_start3A_504 : memref<128xi32, #tpu.memory_space<vmem>>) semaphore(%arg14 : memref<!tpu.dma_semaphore, #tpu.memory_space<semaphore_mem>>) {add = true}
      %scan3A_508 = arith.constant 0 : i32
      %scan3A_509 = arith.constant 0 : i32
      %scan3A_510 = arith.constant 8 : i32
      %scan3A_511 = arith.addi %scan3A_509, %scan3A_510 : i32
      %scan3A_512 = arith.constant 1 : i32
      scf.for %scan3A_621 = %scan3A_509 to %scan3A_511 step %scan3A_512  : i32 {
        %mul3A_622 = arith.constant 16 : i32
        %mul3A_623 = arith.muli %scan3A_621, %mul3A_622 : i32
        %get3A = arith.constant 4 : i32
        %get3A_624 = arith.index_cast %get3A : i32 to index
        %get3A_625 = arith.index_cast %mul3A_623 : i32 to index
        %get3A_626 = tpu.vector_load %arg8[%get3A_624, %get3A_625] {strides = array<i32>} : memref<8x128xi32, #tpu.memory_space<vmem>>, vector<16xi32>,
        %lt3A = arith.constant 5056 : i32
        %lt3A_627 = vector.broadcast %lt3A : i32 to vector<16xi32>
        %lt3A_628 = arith.cmpi slt, %get3A_626, %lt3A_627 : vector<16xi32>
        %sub3A = arith.constant 5056 : i32
        %sub3A_629 = vector.broadcast %sub3A : i32 to vector<16xi32>
        %sub3A_630 = arith.subi %get3A_626, %sub3A_629 : vector<16xi32>
        %select_n3A = arith.select %lt3A_628, %get3A_626, %sub3A_630 : vector<16xi1>, vector<16xi32>
        %not3A = arith.constant dense<true> : vector<16xi1>
        %not3A_631 = arith.xori %lt3A_628, %not3A : vector<16xi1>
        %unique3A, %unique3A_632 = tpu.scan_count mask(%lt3A_628 : vector<16xi1>) value(%get3A_626 : vector<16xi32>) : vector<16xi1>, vector<16xi32>
        %gather3A = tpu.vector_load_idx %arg11[%select_n3A] : memref<5056xi32, #tpu.memory_space<vmem>>[vector<16xi32>], vector<16xi32>,
        %shift_left3A = arith.constant 0 : i32
        %shift_left3A_633 = vector.broadcast %shift_left3A : i32 to vector<16xi32>
        %shift_left3A_634 = arith.shli %unique3A_632, %shift_left3A_633 : vector<16xi32>
        %add3A_635 = arith.addi %gather3A, %shift_left3A_634 : vector<16xi32>
        tpu.vector_store_idx %arg11[%select_n3A], %add3A_635 masked %unique3A : memref<5056xi32, #tpu.memory_space<vmem>>[vector<16xi32>], vector<16xi32>, vector<16xi1>
        %unique3A_636, %unique3A_637 = tpu.scan_count mask(%not3A_631 : vector<16xi1>) value(%get3A_626 : vector<16xi32>) : vector<16xi1>, vector<16xi32>
        %gather3A_638 = tpu.vector_load_idx %arg11[%select_n3A] : memref<5056xi32, #tpu.memory_space<vmem>>[vector<16xi32>], vector<16xi32>,
        %shift_left3A_639 = arith.constant 16 : i32
        %shift_left3A_640 = vector.broadcast %shift_left3A_639 : i32 to vector<16xi32>
        %shift_left3A_641 = arith.shli %unique3A_637, %shift_left3A_640 : vector<16xi32>
        %add3A_642 = arith.addi %gather3A_638, %shift_left3A_641 : vector<16xi32>
        tpu.vector_store_idx %arg11[%select_n3A], %add3A_642 masked %unique3A_636 : memref<5056xi32, #tpu.memory_space<vmem>>[vector<16xi32>], vector<16xi32>, vector<16xi1>
      }
      %scan3A_513 = arith.constant 8 : i32
      %dma_wait3A_514 = arith.constant 5 : i32
      %dma_wait3A_515 = arith.constant 0 : i32
      %dma_wait3A_516 = tpu.memref_slice %arg7[%dma_wait3A_514, %dma_wait3A_515] : memref<8x128xi32, #tpu.memory_space<vmem>> -> memref<1x128xi32, #tpu.memory_space<vmem>>
      %dma_wait3A_517 = tpu.memref_squeeze %dma_wait3A_516 : memref<1x128xi32, #tpu.memory_space<vmem>> -> memref<128xi32, #tpu.memory_space<vmem>>
      %dma_wait3A_518 = arith.constant 0 : i32
      %dma_wait3A_519 = arith.constant 0 : i32
      %dma_wait3A_520 = tpu.memref_slice %arg2[%dma_wait3A_518, %dma_wait3A_519] : memref<10000x128xf32, #tpu.memory_space<hbm>> -> memref<10000x128xf32, #tpu.memory_space<hbm>>
      tpu.wait_indirect_dma semaphore(%arg13 : memref<!tpu.dma_semaphore, #tpu.memory_space<semaphore_mem>>) src(%dma_wait3A_520 : memref<10000x128xf32, #tpu.memory_space<hbm>>) dst(%arg10 : memref<128x128xf32, #tpu.memory_space<vmem>>)
      %dma_wait3A_521 = arith.constant 4 : i32
      %dma_wait3A_522 = arith.constant 0 : i32
      %dma_wait3A_523 = tpu.memref_slice %arg8[%dma_wait3A_521, %dma_wait3A_522] : memref<8x128xi32, #tpu.memory_space<vmem>> -> memref<1x128xi32, #tpu.memory_space<vmem>>
      %dma_wait3A_524 = tpu.memref_squeeze %dma_wait3A_523 : memref<1x128xi32, #tpu.memory_space<vmem>> -> memref<128xi32, #tpu.memory_space<vmem>>
      %dma_wait3A_525 = arith.constant 0 : i32
      %dma_wait3A_526 = arith.constant 0 : i32
      %dma_wait3A_527 = tpu.memref_slice %arg12[%dma_wait3A_525, %dma_wait3A_526] : memref<10112x128xf32, #tpu.memory_space<vmem_shared>> -> memref<10112x128xf32, #tpu.memory_space<vmem_shared>>
      tpu.wait_indirect_dma semaphore(%arg14 : memref<!tpu.dma_semaphore, #tpu.memory_space<semaphore_mem>>) src(%arg9 : memref<128x128xf32, #tpu.memory_space<vmem>>) dst(%dma_wait3A_527 : memref<10112x128xf32, #tpu.memory_space<vmem_shared>>)
      %dma_start3A_528 = arith.constant 6 : i32
      %dma_start3A_529 = arith.constant 0 : i32
      %dma_start3A_530 = tpu.memref_slice %arg7[%dma_start3A_528, %dma_start3A_529] : memref<8x128xi32, #tpu.memory_space<vmem>> -> memref<1x128xi32, #tpu.memory_space<vmem>>
      %dma_start3A_531 = tpu.memref_squeeze %dma_start3A_530 : memref<1x128xi32, #tpu.memory_space<vmem>> -> memref<128xi32, #tpu.memory_space<vmem>>
      %dma_start3A_532 = arith.constant 0 : i32
      %dma_start3A_533 = arith.constant 0 : i32
      %dma_start3A_534 = tpu.memref_slice %arg2[%dma_start3A_532, %dma_start3A_533] : memref<10000x128xf32, #tpu.memory_space<hbm>> -> memref<10000x128xf32, #tpu.memory_space<hbm>>
      tpu.enqueue_indirect_dma source(%dma_start3A_534 : memref<10000x128xf32, #tpu.memory_space<hbm>>) target(%arg9 : memref<128x128xf32, #tpu.memory_space<vmem>>) offsets(%dma_start3A_531 : memref<128xi32, #tpu.memory_space<vmem>>) semaphore(%arg13 : memref<!tpu.dma_semaphore, #tpu.memory_space<semaphore_mem>>)
      %dma_start3A_535 = arith.constant 5 : i32
      %dma_start3A_536 = arith.constant 0 : i32
      %dma_start3A_537 = tpu.memref_slice %arg8[%dma_start3A_535, %dma_start3A_536] : memref<8x128xi32, #tpu.memory_space<vmem>> -> memref<1x128xi32, #tpu.memory_space<vmem>>
      %dma_start3A_538 = tpu.memref_squeeze %dma_start3A_537 : memref<1x128xi32, #tpu.memory_space<vmem>> -> memref<128xi32, #tpu.memory_space<vmem>>
      %dma_start3A_539 = arith.constant 0 : i32
      %dma_start3A_540 = arith.constant 0 : i32
      %dma_start3A_541 = tpu.memref_slice %arg12[%dma_start3A_539, %dma_start3A_540] : memref<10112x128xf32, #tpu.memory_space<vmem_shared>> -> memref<10112x128xf32, #tpu.memory_space<vmem_shared>>
      tpu.enqueue_indirect_dma source(%arg10 : memref<128x128xf32, #tpu.memory_space<vmem>>) target(%dma_start3A_541 : memref<10112x128xf32, #tpu.memory_space<vmem_shared>>) offsets(%dma_start3A_538 : memref<128xi32, #tpu.memory_space<vmem>>) semaphore(%arg14 : memref<!tpu.dma_semaphore, #tpu.memory_space<semaphore_mem>>) {add = true}
      %scan3A_542 = arith.constant 0 : i32
      %scan3A_543 = arith.constant 0 : i32
      %scan3A_544 = arith.constant 8 : i32
      %scan3A_545 = arith.addi %scan3A_543, %scan3A_544 : i32
      %scan3A_546 = arith.constant 1 : i32
      scf.for %scan3A_621 = %scan3A_543 to %scan3A_545 step %scan3A_546  : i32 {
        %mul3A_622 = arith.constant 16 : i32
        %mul3A_623 = arith.muli %scan3A_621, %mul3A_622 : i32
        %get3A = arith.constant 5 : i32
        %get3A_624 = arith.index_cast %get3A : i32 to index
        %get3A_625 = arith.index_cast %mul3A_623 : i32 to index
        %get3A_626 = tpu.vector_load %arg8[%get3A_624, %get3A_625] {strides = array<i32>} : memref<8x128xi32, #tpu.memory_space<vmem>>, vector<16xi32>,
        %lt3A = arith.constant 5056 : i32
        %lt3A_627 = vector.broadcast %lt3A : i32 to vector<16xi32>
        %lt3A_628 = arith.cmpi slt, %get3A_626, %lt3A_627 : vector<16xi32>
        %sub3A = arith.constant 5056 : i32
        %sub3A_629 = vector.broadcast %sub3A : i32 to vector<16xi32>
        %sub3A_630 = arith.subi %get3A_626, %sub3A_629 : vector<16xi32>
        %select_n3A = arith.select %lt3A_628, %get3A_626, %sub3A_630 : vector<16xi1>, vector<16xi32>
        %not3A = arith.constant dense<true> : vector<16xi1>
        %not3A_631 = arith.xori %lt3A_628, %not3A : vector<16xi1>
        %unique3A, %unique3A_632 = tpu.scan_count mask(%lt3A_628 : vector<16xi1>) value(%get3A_626 : vector<16xi32>) : vector<16xi1>, vector<16xi32>
        %gather3A = tpu.vector_load_idx %arg11[%select_n3A] : memref<5056xi32, #tpu.memory_space<vmem>>[vector<16xi32>], vector<16xi32>,
        %shift_left3A = arith.constant 0 : i32
        %shift_left3A_633 = vector.broadcast %shift_left3A : i32 to vector<16xi32>
        %shift_left3A_634 = arith.shli %unique3A_632, %shift_left3A_633 : vector<16xi32>
        %add3A_635 = arith.addi %gather3A, %shift_left3A_634 : vector<16xi32>
        tpu.vector_store_idx %arg11[%select_n3A], %add3A_635 masked %unique3A : memref<5056xi32, #tpu.memory_space<vmem>>[vector<16xi32>], vector<16xi32>, vector<16xi1>
        %unique3A_636, %unique3A_637 = tpu.scan_count mask(%not3A_631 : vector<16xi1>) value(%get3A_626 : vector<16xi32>) : vector<16xi1>, vector<16xi32>
        %gather3A_638 = tpu.vector_load_idx %arg11[%select_n3A] : memref<5056xi32, #tpu.memory_space<vmem>>[vector<16xi32>], vector<16xi32>,
        %shift_left3A_639 = arith.constant 16 : i32
        %shift_left3A_640 = vector.broadcast %shift_left3A_639 : i32 to vector<16xi32>
        %shift_left3A_641 = arith.shli %unique3A_637, %shift_left3A_640 : vector<16xi32>
        %add3A_642 = arith.addi %gather3A_638, %shift_left3A_641 : vector<16xi32>
        tpu.vector_store_idx %arg11[%select_n3A], %add3A_642 masked %unique3A_636 : memref<5056xi32, #tpu.memory_space<vmem>>[vector<16xi32>], vector<16xi32>, vector<16xi1>
      }
      %scan3A_547 = arith.constant 8 : i32
      %dma_wait3A_548 = arith.constant 6 : i32
      %dma_wait3A_549 = arith.constant 0 : i32
      %dma_wait3A_550 = tpu.memref_slice %arg7[%dma_wait3A_548, %dma_wait3A_549] : memref<8x128xi32, #tpu.memory_space<vmem>> -> memref<1x128xi32, #tpu.memory_space<vmem>>
      %dma_wait3A_551 = tpu.memref_squeeze %dma_wait3A_550 : memref<1x128xi32, #tpu.memory_space<vmem>> -> memref<128xi32, #tpu.memory_space<vmem>>
      %dma_wait3A_552 = arith.constant 0 : i32
      %dma_wait3A_553 = arith.constant 0 : i32
      %dma_wait3A_554 = tpu.memref_slice %arg2[%dma_wait3A_552, %dma_wait3A_553] : memref<10000x128xf32, #tpu.memory_space<hbm>> -> memref<10000x128xf32, #tpu.memory_space<hbm>>
      tpu.wait_indirect_dma semaphore(%arg13 : memref<!tpu.dma_semaphore, #tpu.memory_space<semaphore_mem>>) src(%dma_wait3A_554 : memref<10000x128xf32, #tpu.memory_space<hbm>>) dst(%arg9 : memref<128x128xf32, #tpu.memory_space<vmem>>)
      %dma_wait3A_555 = arith.constant 5 : i32
      %dma_wait3A_556 = arith.constant 0 : i32
      %dma_wait3A_557 = tpu.memref_slice %arg8[%dma_wait3A_555, %dma_wait3A_556] : memref<8x128xi32, #tpu.memory_space<vmem>> -> memref<1x128xi32, #tpu.memory_space<vmem>>
      %dma_wait3A_558 = tpu.memref_squeeze %dma_wait3A_557 : memref<1x128xi32, #tpu.memory_space<vmem>> -> memref<128xi32, #tpu.memory_space<vmem>>
      %dma_wait3A_559 = arith.constant 0 : i32
      %dma_wait3A_560 = arith.constant 0 : i32
      %dma_wait3A_561 = tpu.memref_slice %arg12[%dma_wait3A_559, %dma_wait3A_560] : memref<10112x128xf32, #tpu.memory_space<vmem_shared>> -> memref<10112x128xf32, #tpu.memory_space<vmem_shared>>
      tpu.wait_indirect_dma semaphore(%arg14 : memref<!tpu.dma_semaphore, #tpu.memory_space<semaphore_mem>>) src(%arg10 : memref<128x128xf32, #tpu.memory_space<vmem>>) dst(%dma_wait3A_561 : memref<10112x128xf32, #tpu.memory_space<vmem_shared>>)
      %dma_start3A_562 = arith.constant 7 : i32
      %dma_start3A_563 = arith.constant 0 : i32
      %dma_start3A_564 = tpu.memref_slice %arg7[%dma_start3A_562, %dma_start3A_563] : memref<8x128xi32, #tpu.memory_space<vmem>> -> memref<1x128xi32, #tpu.memory_space<vmem>>
      %dma_start3A_565 = tpu.memref_squeeze %dma_start3A_564 : memref<1x128xi32, #tpu.memory_space<vmem>> -> memref<128xi32, #tpu.memory_space<vmem>>
      %dma_start3A_566 = arith.constant 0 : i32
      %dma_start3A_567 = arith.constant 0 : i32
      %dma_start3A_568 = tpu.memref_slice %arg2[%dma_start3A_566, %dma_start3A_567] : memref<10000x128xf32, #tpu.memory_space<hbm>> -> memref<10000x128xf32, #tpu.memory_space<hbm>>
      tpu.enqueue_indirect_dma source(%dma_start3A_568 : memref<10000x128xf32, #tpu.memory_space<hbm>>) target(%arg10 : memref<128x128xf32, #tpu.memory_space<vmem>>) offsets(%dma_start3A_565 : memref<128xi32, #tpu.memory_space<vmem>>) semaphore(%arg13 : memref<!tpu.dma_semaphore, #tpu.memory_space<semaphore_mem>>)
      %dma_start3A_569 = arith.constant 6 : i32
      %dma_start3A_570 = arith.constant 0 : i32
      %dma_start3A_571 = tpu.memref_slice %arg8[%dma_start3A_569, %dma_start3A_570] : memref<8x128xi32, #tpu.memory_space<vmem>> -> memref<1x128xi32, #tpu.memory_space<vmem>>
      %dma_start3A_572 = tpu.memref_squeeze %dma_start3A_571 : memref<1x128xi32, #tpu.memory_space<vmem>> -> memref<128xi32, #tpu.memory_space<vmem>>
      %dma_start3A_573 = arith.constant 0 : i32
      %dma_start3A_574 = arith.constant 0 : i32
      %dma_start3A_575 = tpu.memref_slice %arg12[%dma_start3A_573, %dma_start3A_574] : memref<10112x128xf32, #tpu.memory_space<vmem_shared>> -> memref<10112x128xf32, #tpu.memory_space<vmem_shared>>
      tpu.enqueue_indirect_dma source(%arg9 : memref<128x128xf32, #tpu.memory_space<vmem>>) target(%dma_start3A_575 : memref<10112x128xf32, #tpu.memory_space<vmem_shared>>) offsets(%dma_start3A_572 : memref<128xi32, #tpu.memory_space<vmem>>) semaphore(%arg14 : memref<!tpu.dma_semaphore, #tpu.memory_space<semaphore_mem>>) {add = true}
      %scan3A_576 = arith.constant 0 : i32
      %scan3A_577 = arith.constant 0 : i32
      %scan3A_578 = arith.constant 8 : i32
      %scan3A_579 = arith.addi %scan3A_577, %scan3A_578 : i32
      %scan3A_580 = arith.constant 1 : i32
      scf.for %scan3A_621 = %scan3A_577 to %scan3A_579 step %scan3A_580  : i32 {
        %mul3A_622 = arith.constant 16 : i32
        %mul3A_623 = arith.muli %scan3A_621, %mul3A_622 : i32
        %get3A = arith.constant 6 : i32
        %get3A_624 = arith.index_cast %get3A : i32 to index
        %get3A_625 = arith.index_cast %mul3A_623 : i32 to index
        %get3A_626 = tpu.vector_load %arg8[%get3A_624, %get3A_625] {strides = array<i32>} : memref<8x128xi32, #tpu.memory_space<vmem>>, vector<16xi32>,
        %lt3A = arith.constant 5056 : i32
        %lt3A_627 = vector.broadcast %lt3A : i32 to vector<16xi32>
        %lt3A_628 = arith.cmpi slt, %get3A_626, %lt3A_627 : vector<16xi32>
        %sub3A = arith.constant 5056 : i32
        %sub3A_629 = vector.broadcast %sub3A : i32 to vector<16xi32>
        %sub3A_630 = arith.subi %get3A_626, %sub3A_629 : vector<16xi32>
        %select_n3A = arith.select %lt3A_628, %get3A_626, %sub3A_630 : vector<16xi1>, vector<16xi32>
        %not3A = arith.constant dense<true> : vector<16xi1>
        %not3A_631 = arith.xori %lt3A_628, %not3A : vector<16xi1>
        %unique3A, %unique3A_632 = tpu.scan_count mask(%lt3A_628 : vector<16xi1>) value(%get3A_626 : vector<16xi32>) : vector<16xi1>, vector<16xi32>
        %gather3A = tpu.vector_load_idx %arg11[%select_n3A] : memref<5056xi32, #tpu.memory_space<vmem>>[vector<16xi32>], vector<16xi32>,
        %shift_left3A = arith.constant 0 : i32
        %shift_left3A_633 = vector.broadcast %shift_left3A : i32 to vector<16xi32>
        %shift_left3A_634 = arith.shli %unique3A_632, %shift_left3A_633 : vector<16xi32>
        %add3A_635 = arith.addi %gather3A, %shift_left3A_634 : vector<16xi32>
        tpu.vector_store_idx %arg11[%select_n3A], %add3A_635 masked %unique3A : memref<5056xi32, #tpu.memory_space<vmem>>[vector<16xi32>], vector<16xi32>, vector<16xi1>
        %unique3A_636, %unique3A_637 = tpu.scan_count mask(%not3A_631 : vector<16xi1>) value(%get3A_626 : vector<16xi32>) : vector<16xi1>, vector<16xi32>
        %gather3A_638 = tpu.vector_load_idx %arg11[%select_n3A] : memref<5056xi32, #tpu.memory_space<vmem>>[vector<16xi32>], vector<16xi32>,
        %shift_left3A_639 = arith.constant 16 : i32
        %shift_left3A_640 = vector.broadcast %shift_left3A_639 : i32 to vector<16xi32>
        %shift_left3A_641 = arith.shli %unique3A_637, %shift_left3A_640 : vector<16xi32>
        %add3A_642 = arith.addi %gather3A_638, %shift_left3A_641 : vector<16xi32>
        tpu.vector_store_idx %arg11[%select_n3A], %add3A_642 masked %unique3A_636 : memref<5056xi32, #tpu.memory_space<vmem>>[vector<16xi32>], vector<16xi32>, vector<16xi1>
      }
      %scan3A_581 = arith.constant 8 : i32
      %dma_wait3A_582 = arith.constant 7 : i32
      %dma_wait3A_583 = arith.constant 0 : i32
      %dma_wait3A_584 = tpu.memref_slice %arg7[%dma_wait3A_582, %dma_wait3A_583] : memref<8x128xi32, #tpu.memory_space<vmem>> -> memref<1x128xi32, #tpu.memory_space<vmem>>
      %dma_wait3A_585 = tpu.memref_squeeze %dma_wait3A_584 : memref<1x128xi32, #tpu.memory_space<vmem>> -> memref<128xi32, #tpu.memory_space<vmem>>
      %dma_wait3A_586 = arith.constant 0 : i32
      %dma_wait3A_587 = arith.constant 0 : i32
      %dma_wait3A_588 = tpu.memref_slice %arg2[%dma_wait3A_586, %dma_wait3A_587] : memref<10000x128xf32, #tpu.memory_space<hbm>> -> memref<10000x128xf32, #tpu.memory_space<hbm>>
      tpu.wait_indirect_dma semaphore(%arg13 : memref<!tpu.dma_semaphore, #tpu.memory_space<semaphore_mem>>) src(%dma_wait3A_588 : memref<10000x128xf32, #tpu.memory_space<hbm>>) dst(%arg10 : memref<128x128xf32, #tpu.memory_space<vmem>>)
      %dma_wait3A_589 = arith.constant 6 : i32
      %dma_wait3A_590 = arith.constant 0 : i32
      %dma_wait3A_591 = tpu.memref_slice %arg8[%dma_wait3A_589, %dma_wait3A_590] : memref<8x128xi32, #tpu.memory_space<vmem>> -> memref<1x128xi32, #tpu.memory_space<vmem>>
      %dma_wait3A_592 = tpu.memref_squeeze %dma_wait3A_591 : memref<1x128xi32, #tpu.memory_space<vmem>> -> memref<128xi32, #tpu.memory_space<vmem>>
      %dma_wait3A_593 = arith.constant 0 : i32
      %dma_wait3A_594 = arith.constant 0 : i32
      %dma_wait3A_595 = tpu.memref_slice %arg12[%dma_wait3A_593, %dma_wait3A_594] : memref<10112x128xf32, #tpu.memory_space<vmem_shared>> -> memref<10112x128xf32, #tpu.memory_space<vmem_shared>>
      tpu.wait_indirect_dma semaphore(%arg14 : memref<!tpu.dma_semaphore, #tpu.memory_space<semaphore_mem>>) src(%arg9 : memref<128x128xf32, #tpu.memory_space<vmem>>) dst(%dma_wait3A_595 : memref<10112x128xf32, #tpu.memory_space<vmem_shared>>)
      %add3A_596 = arith.constant 1 : i32
      %add3A_597 = arith.addi %scan3A_323, %add3A_596 : i32
      %mul3A_598 = arith.constant 8 : i32
      %mul3A_599 = arith.muli %add3A_597, %mul3A_598 : i32
      %add3A_600 = arith.addi %mul3A_2, %mul3A_599 : i32
      %dma_start3A_601 = arith.constant 0 : i32
      %dma_start3A_602 = arith.constant 0 : i32
      %dma_start3A_603 = tpu.memref_slice %arg3[%dma_start3A_601, %add3A_600, %dma_start3A_602] : memref<2x2568x128xi32, #tpu.memory_space<hbm>> -> memref<1x8x128xi32, #tpu.memory_space<hbm>>
      %dma_start3A_604 = tpu.memref_squeeze %dma_start3A_603 : memref<1x8x128xi32, #tpu.memory_space<hbm>> -> memref<8x128xi32, #tpu.memory_space<hbm>>
      %dma_start3A_605 = arith.constant 0 : i32
      %dma_start3A_606 = tpu.memref_slice %arg3[%dma_start3A_601, %add3A_600, %dma_start3A_605] : memref<2x2568x128xi32, #tpu.memory_space<hbm>> -> memref<1x8x128xi32, #tpu.memory_space<hbm>>
      %dma_start3A_607 = tpu.memref_squeeze %dma_start3A_606 : memref<1x8x128xi32, #tpu.memory_space<hbm>> -> memref<8x128xi32, #tpu.memory_space<hbm>>
      tpu.enqueue_dma source(%dma_start3A_607 : memref<8x128xi32, #tpu.memory_space<hbm>>) target(%arg7 : memref<8x128xi32, #tpu.memory_space<vmem>>) target_semaphore(%arg15 : memref<!tpu.dma_semaphore, #tpu.memory_space<semaphore_mem>>)
      %dma_start3A_608 = arith.constant 7 : i32
      %dma_start3A_609 = arith.constant 0 : i32
      %dma_start3A_610 = tpu.memref_slice %arg8[%dma_start3A_608, %dma_start3A_609] : memref<8x128xi32, #tpu.memory_space<vmem>> -> memref<1x128xi32, #tpu.memory_space<vmem>>
      %dma_start3A_611 = tpu.memref_squeeze %dma_start3A_610 : memref<1x128xi32, #tpu.memory_space<vmem>> -> memref<128xi32, #tpu.memory_space<vmem>>
      %dma_start3A_612 = arith.constant 0 : i32
      %dma_start3A_613 = arith.constant 0 : i32
      %dma_start3A_614 = tpu.memref_slice %arg12[%dma_start3A_612, %dma_start3A_613] : memref<10112x128xf32, #tpu.memory_space<vmem_shared>> -> memref<10112x128xf32, #tpu.memory_space<vmem_shared>>
      tpu.enqueue_indirect_dma source(%arg10 : memref<128x128xf32, #tpu.memory_space<vmem>>) target(%dma_start3A_614 : memref<10112x128xf32, #tpu.memory_space<vmem_shared>>) offsets(%dma_start3A_611 : memref<128xi32, #tpu.memory_space<vmem>>) semaphore(%arg14 : memref<!tpu.dma_semaphore, #tpu.memory_space<semaphore_mem>>) {add = true}
      %scan3A_615 = arith.constant 0 : i32
      %scan3A_616 = arith.constant 0 : i32
      %scan3A_617 = arith.constant 8 : i32
      %scan3A_618 = arith.addi %scan3A_616, %scan3A_617 : i32
      %scan3A_619 = arith.constant 1 : i32
      scf.for %scan3A_621 = %scan3A_616 to %scan3A_618 step %scan3A_619  : i32 {
        %mul3A_622 = arith.constant 16 : i32
        %mul3A_623 = arith.muli %scan3A_621, %mul3A_622 : i32
        %get3A = arith.constant 7 : i32
        %get3A_624 = arith.index_cast %get3A : i32 to index
        %get3A_625 = arith.index_cast %mul3A_623 : i32 to index
        %get3A_626 = tpu.vector_load %arg8[%get3A_624, %get3A_625] {strides = array<i32>} : memref<8x128xi32, #tpu.memory_space<vmem>>, vector<16xi32>,
        %lt3A = arith.constant 5056 : i32
        %lt3A_627 = vector.broadcast %lt3A : i32 to vector<16xi32>
        %lt3A_628 = arith.cmpi slt, %get3A_626, %lt3A_627 : vector<16xi32>
        %sub3A = arith.constant 5056 : i32
        %sub3A_629 = vector.broadcast %sub3A : i32 to vector<16xi32>
        %sub3A_630 = arith.subi %get3A_626, %sub3A_629 : vector<16xi32>
        %select_n3A = arith.select %lt3A_628, %get3A_626, %sub3A_630 : vector<16xi1>, vector<16xi32>
        %not3A = arith.constant dense<true> : vector<16xi1>
        %not3A_631 = arith.xori %lt3A_628, %not3A : vector<16xi1>
        %unique3A, %unique3A_632 = tpu.scan_count mask(%lt3A_628 : vector<16xi1>) value(%get3A_626 : vector<16xi32>) : vector<16xi1>, vector<16xi32>
        %gather3A = tpu.vector_load_idx %arg11[%select_n3A] : memref<5056xi32, #tpu.memory_space<vmem>>[vector<16xi32>], vector<16xi32>,
        %shift_left3A = arith.constant 0 : i32
        %shift_left3A_633 = vector.broadcast %shift_left3A : i32 to vector<16xi32>
        %shift_left3A_634 = arith.shli %unique3A_632, %shift_left3A_633 : vector<16xi32>
        %add3A_635 = arith.addi %gather3A, %shift_left3A_634 : vector<16xi32>
        tpu.vector_store_idx %arg11[%select_n3A], %add3A_635 masked %unique3A : memref<5056xi32, #tpu.memory_space<vmem>>[vector<16xi32>], vector<16xi32>, vector<16xi1>
        %unique3A_636, %unique3A_637 = tpu.scan_count mask(%not3A_631 : vector<16xi1>) value(%get3A_626 : vector<16xi32>) : vector<16xi1>, vector<16xi32>
        %gather3A_638 = tpu.vector_load_idx %arg11[%select_n3A] : memref<5056xi32, #tpu.memory_space<vmem>>[vector<16xi32>], vector<16xi32>,
        %shift_left3A_639 = arith.constant 16 : i32
        %shift_left3A_640 = vector.broadcast %shift_left3A_639 : i32 to vector<16xi32>
        %shift_left3A_641 = arith.shli %unique3A_637, %shift_left3A_640 : vector<16xi32>
        %add3A_642 = arith.addi %gather3A_638, %shift_left3A_641 : vector<16xi32>
        tpu.vector_store_idx %arg11[%select_n3A], %add3A_642 masked %unique3A_636 : memref<5056xi32, #tpu.memory_space<vmem>>[vector<16xi32>], vector<16xi32>, vector<16xi1>
      }
      %scan3A_620 = arith.constant 8 : i32
    }
    %scan3A_305 = arith.constant 9 : i32
    %dma_wait3A_306 = arith.constant 7 : i32
    %dma_wait3A_307 = arith.constant 0 : i32
    %dma_wait3A_308 = tpu.memref_slice %arg8[%dma_wait3A_306, %dma_wait3A_307] : memref<8x128xi32, #tpu.memory_space<vmem>> -> memref<1x128xi32, #tpu.memory_space<vmem>>
    %dma_wait3A_309 = tpu.memref_squeeze %dma_wait3A_308 : memref<1x128xi32, #tpu.memory_space<vmem>> -> memref<128xi32, #tpu.memory_space<vmem>>
    %dma_wait3A_310 = arith.constant 0 : i32
    %dma_wait3A_311 = arith.constant 0 : i32
    %dma_wait3A_312 = tpu.memref_slice %arg12[%dma_wait3A_310, %dma_wait3A_311] : memref<10112x128xf32, #tpu.memory_space<vmem_shared>> -> memref<10112x128xf32, #tpu.memory_space<vmem_shared>>
    tpu.wait_indirect_dma semaphore(%arg14 : memref<!tpu.dma_semaphore, #tpu.memory_space<semaphore_mem>>) src(%arg10 : memref<128x128xf32, #tpu.memory_space<vmem>>) dst(%dma_wait3A_312 : memref<10112x128xf32, #tpu.memory_space<vmem_shared>>)
    %dma_wait3A_313 = arith.constant 0 : i32
    %dma_wait3A_314 = arith.constant 0 : i32
    %dma_wait3A_315 = arith.constant 0 : i32
    %dma_wait3A_316 = tpu.memref_slice %arg3[%dma_wait3A_313, %dma_wait3A_314, %dma_wait3A_315] : memref<2x2568x128xi32, #tpu.memory_space<hbm>> -> memref<1x8x128xi32, #tpu.memory_space<hbm>>
    %dma_wait3A_317 = tpu.memref_squeeze %dma_wait3A_316 : memref<1x8x128xi32, #tpu.memory_space<hbm>> -> memref<8x128xi32, #tpu.memory_space<hbm>>
    %dma_wait3A_318 = arith.constant 0 : i32
    %dma_wait3A_319 = arith.constant 0 : i32
    %dma_wait3A_320 = tpu.memref_slice %arg3[%dma_wait3A_313, %dma_wait3A_318, %dma_wait3A_319] : memref<2x2568x128xi32, #tpu.memory_space<hbm>> -> memref<1x8x128xi32, #tpu.memory_space<hbm>>
    %dma_wait3A_321 = tpu.memref_squeeze %dma_wait3A_320 : memref<1x8x128xi32, #tpu.memory_space<hbm>> -> memref<8x128xi32, #tpu.memory_space<hbm>>
    tpu.wait_dma2 semaphore(%arg15 : memref<!tpu.dma_semaphore, #tpu.memory_space<semaphore_mem>>) src(%dma_wait3A_321 : memref<8x128xi32, #tpu.memory_space<hbm>>) dst(%arg7 : memref<8x128xi32, #tpu.memory_space<vmem>>)
    %barrier3A_322 = arith.constant 0 : index
    tpu.barrier barrier_id(%barrier3A_322)
    "tpu.region"() ({
      %run_scoped3A_323 = tpu.sem_alloc : memref<!tpu.dma_semaphore, #tpu.memory_space<semaphore_mem>>
      %dma_start3A_324 = arith.constant 0 : i32
      %dma_start3A_325 = tpu.memref_slice %arg5[%arg0, %mul3A_4, %dma_start3A_324] : memref<2x10112x128xf32, #tpu.memory_space<hbm>> -> memref<1x632x128xf32, #tpu.memory_space<hbm>>
      %dma_start3A_326 = tpu.memref_squeeze %dma_start3A_325 : memref<1x632x128xf32, #tpu.memory_space<hbm>> -> memref<632x128xf32, #tpu.memory_space<hbm>>
      %dma_start3A_327 = arith.constant 0 : i32
      %dma_start3A_328 = tpu.memref_slice %arg12[%mul3A_4, %dma_start3A_327] : memref<10112x128xf32, #tpu.memory_space<vmem_shared>> -> memref<632x128xf32, #tpu.memory_space<vmem_shared>>
      tpu.enqueue_dma source(%dma_start3A_328 : memref<632x128xf32, #tpu.memory_space<vmem_shared>>) target(%dma_start3A_326 : memref<632x128xf32, #tpu.memory_space<hbm>>) target_semaphore(%run_scoped3A_323 : memref<!tpu.dma_semaphore, #tpu.memory_space<semaphore_mem>>)
      %dma_wait3A_329 = arith.constant 0 : i32
      %dma_wait3A_330 = tpu.memref_slice %arg5[%arg0, %mul3A_4, %dma_wait3A_329] : memref<2x10112x128xf32, #tpu.memory_space<hbm>> -> memref<1x632x128xf32, #tpu.memory_space<hbm>>
      %dma_wait3A_331 = tpu.memref_squeeze %dma_wait3A_330 : memref<1x632x128xf32, #tpu.memory_space<hbm>> -> memref<632x128xf32, #tpu.memory_space<hbm>>
      %dma_wait3A_332 = arith.constant 0 : i32
      %dma_wait3A_333 = tpu.memref_slice %arg12[%mul3A_4, %dma_wait3A_332] : memref<10112x128xf32, #tpu.memory_space<vmem_shared>> -> memref<632x128xf32, #tpu.memory_space<vmem_shared>>
      tpu.wait_dma2 semaphore(%run_scoped3A_323 : memref<!tpu.dma_semaphore, #tpu.memory_space<semaphore_mem>>) src(%dma_wait3A_333 : memref<632x128xf32, #tpu.memory_space<vmem_shared>>) dst(%dma_wait3A_331 : memref<632x128xf32, #tpu.memory_space<hbm>>)
      tpu.yield
    }) : () -> ()
    "tpu.region"() ({
      %run_scoped3A_323 = tpu.sem_alloc : memref<!tpu.dma_semaphore, #tpu.memory_space<semaphore_mem>>
      %dma_start3A_324 = arith.constant 0 : i32
      %dma_start3A_325 = tpu.memref_slice %arg6[%arg0, %arg1, %dma_start3A_324] : memref<2x16x5056xi32, #tpu.memory_space<hbm>> -> memref<1x1x5056xi32, #tpu.memory_space<hbm>>
      %dma_start3A_326 = tpu.memref_squeeze %dma_start3A_325 : memref<1x1x5056xi32, #tpu.memory_space<hbm>> -> memref<5056xi32, #tpu.memory_space<hbm>>
      %dma_start3A_327 = arith.constant 0 : i32
      %dma_start3A_328 = tpu.memref_slice %arg6[%arg0, %arg1, %dma_start3A_327] : memref<2x16x5056xi32, #tpu.memory_space<hbm>> -> memref<1x1x5056xi32, #tpu.memory_space<hbm>>
      %dma_start3A_329 = tpu.memref_squeeze %dma_start3A_328 : memref<1x1x5056xi32, #tpu.memory_space<hbm>> -> memref<5056xi32, #tpu.memory_space<hbm>>
      tpu.enqueue_dma source(%arg11 : memref<5056xi32, #tpu.memory_space<vmem>>) target(%dma_start3A_329 : memref<5056xi32, #tpu.memory_space<hbm>>) target_semaphore(%run_scoped3A_323 : memref<!tpu.dma_semaphore, #tpu.memory_space<semaphore_mem>>)
      %dma_wait3A_330 = arith.constant 0 : i32
      %dma_wait3A_331 = tpu.memref_slice %arg6[%arg0, %arg1, %dma_wait3A_330] : memref<2x16x5056xi32, #tpu.memory_space<hbm>> -> memref<1x1x5056xi32, #tpu.memory_space<hbm>>
      %dma_wait3A_332 = tpu.memref_squeeze %dma_wait3A_331 : memref<1x1x5056xi32, #tpu.memory_space<hbm>> -> memref<5056xi32, #tpu.memory_space<hbm>>
      %dma_wait3A_333 = arith.constant 0 : i32
      %dma_wait3A_334 = tpu.memref_slice %arg6[%arg0, %arg1, %dma_wait3A_333] : memref<2x16x5056xi32, #tpu.memory_space<hbm>> -> memref<1x1x5056xi32, #tpu.memory_space<hbm>>
      %dma_wait3A_335 = tpu.memref_squeeze %dma_wait3A_334 : memref<1x1x5056xi32, #tpu.memory_space<hbm>> -> memref<5056xi32, #tpu.memory_space<hbm>>
      tpu.wait_dma2 semaphore(%run_scoped3A_323 : memref<!tpu.dma_semaphore, #tpu.memory_space<semaphore_mem>>) src(%arg11 : memref<5056xi32, #tpu.memory_space<vmem>>) dst(%dma_wait3A_335 : memref<5056xi32, #tpu.memory_space<hbm>>)
      tpu.yield
    }) : () -> ()
    return
  }
}

module attributes {stable_mosaic.version = 14 : i64} {
  func.func @_combine_body(%arg0: memref<2x10112x128xf32, #tpu.memory_space<vmem>>, %arg1: memref<2x16x5056xi32, #tpu.memory_space<vmem>>, %arg2: memref<10000x128xf32, #tpu.memory_space<vmem>>) attributes {dimension_semantics = [], scalar_prefetch = 0 : i64, scratch_operands = 0 : i64, tpu.core_type = #tpu.core_type<tc>} {
    %get3A = arith.constant 0 : index
    %get3A_0 = arith.constant 0 : index
    %get3A_1 = arith.constant 0 : index
    %get3A_2 = vector.load %arg0[%get3A, %get3A_0, %get3A_1] : memref<2x10112x128xf32, #tpu.memory_space<vmem>>, vector<1x10112x128xf32>
    %get3A_3 = vector.shape_cast %get3A_2 : vector<1x10112x128xf32> to vector<10112x128xf32>
    %get3A_4 = arith.constant 1 : index
    %get3A_5 = arith.constant 0 : index
    %get3A_6 = arith.constant 0 : index
    %get3A_7 = vector.load %arg0[%get3A_4, %get3A_5, %get3A_6] : memref<2x10112x128xf32, #tpu.memory_space<vmem>>, vector<1x10112x128xf32>
    %get3A_8 = vector.shape_cast %get3A_7 : vector<1x10112x128xf32> to vector<10112x128xf32>
    %add3A = arith.addf %get3A_3, %get3A_8 : vector<10112x128xf32>
    %get3A_9 = arith.constant 0 : index
    %get3A_10 = arith.constant 0 : index
    %get3A_11 = arith.constant 0 : index
    %get3A_12 = vector.load %arg1[%get3A_9, %get3A_10, %get3A_11] : memref<2x16x5056xi32, #tpu.memory_space<vmem>>, vector<2x16x5056xi32>
    %and3A = arith.constant 65535 : i32
    %and3A_13 = vector.broadcast %and3A : i32 to vector<2x16x5056xi32>
    %and3A_14 = arith.andi %get3A_12, %and3A_13 : vector<2x16x5056xi32>
    %reduce_sum3A = arith.constant dense<0> : vector<5056xi32>
    %reduce_sum3A_15 = vector.multi_reduction <add>, %and3A_14, %reduce_sum3A [0, 1] : vector<2x16x5056xi32> to vector<5056xi32>
    %convert_element_type3A = arith.sitofp %reduce_sum3A_15 : vector<5056xi32> to vector<5056xf32>
    %shift_right_logical3A = arith.constant 16 : i32
    %shift_right_logical3A_16 = vector.broadcast %shift_right_logical3A : i32 to vector<2x16x5056xi32>
    %shift_right_logical3A_17 = arith.shrui %get3A_12, %shift_right_logical3A_16 : vector<2x16x5056xi32>
    %reduce_sum3A_18 = arith.constant dense<0> : vector<5056xi32>
    %reduce_sum3A_19 = vector.multi_reduction <add>, %shift_right_logical3A_17, %reduce_sum3A_18 [0, 1] : vector<2x16x5056xi32> to vector<5056xi32>
    %convert_element_type3A_20 = arith.sitofp %reduce_sum3A_19 : vector<5056xi32> to vector<5056xf32>
    %max3A = arith.constant 1.000000e+00 : f32
    %max3A_21 = vector.broadcast %max3A : f32 to vector<5056xf32>
    %max3A_22 = arith.maximumf %convert_element_type3A, %max3A_21 : vector<5056xf32>
    %div3A = arith.constant 1.000000e+00 : f32
    %div3A_23 = vector.broadcast %div3A : f32 to vector<5056xf32>
    %div3A_24 = arith.divf %div3A_23, %max3A_22 : vector<5056xf32>
    %max3A_25 = arith.constant 1.000000e+00 : f32
    %max3A_26 = vector.broadcast %max3A_25 : f32 to vector<5056xf32>
    %max3A_27 = arith.maximumf %convert_element_type3A_20, %max3A_26 : vector<5056xf32>
    %div3A_28 = arith.constant 1.000000e+00 : f32
    %div3A_29 = vector.broadcast %div3A_28 : f32 to vector<5056xf32>
    %div3A_30 = arith.divf %div3A_29, %max3A_27 : vector<5056xf32>
    %concatenate3A = tpu.concatenate %div3A_24, %div3A_30 in 0 : vector<5056xf32>, vector<5056xf32> -> vector<10112xf32>
    %broadcast_in_dim3A = vector.shape_cast %concatenate3A : vector<10112xf32> to vector<10112x1xf32>
    %mul3A = vector.broadcast %broadcast_in_dim3A : vector<10112x1xf32> to vector<10112x128xf32>
    %mul3A_31 = arith.mulf %add3A, %mul3A : vector<10112x128xf32>
    %slice3A = vector.extract_strided_slice %mul3A_31 {offsets = [0, 0], sizes = [10000, 128], strides = [1, 1]} : vector<10112x128xf32> to vector<10000x128xf32>
    %swap3A = arith.constant 0 : index
    %swap3A_32 = arith.constant 0 : index
    %swap3A_33 = vector.load %arg2[%swap3A, %swap3A_32] : memref<10000x128xf32, #tpu.memory_space<vmem>>, vector<10000x128xf32>
    tpu.vector_store %arg2[%swap3A, %swap3A_32], %slice3A {strides = array<i32>} : memref<10000x128xf32, #tpu.memory_space<vmem>>, vector<10000x128xf32>,
    return
  }
}

</mosaic_0001>

<sc_bundles>
// kernel: kernel.4.cloned.1.call-start
scs
__scs_entry_jumppad:
0x0: {  	(pc) =	sbr.rel $0x88, $3  }
0x1: {  	(tag) =	ssettag $0x0;
	lr =	simm.s32 $0x1  }
0x2: {  	[smem:$0x3F9F] =	sst lr;
	_ =	strace $0xD0000000  }
0x3: {  	_ = 	snop  }
0x4: {  	_ = 	snop  }
0x5: {  	_ = 	snop  }
0x6: {  	_ = 	snop  }
0x7: {  	_ = 	snop  }
__scs_overlays_trampoline_lowered:
0x8: {  	[smem:$0x3FAE] =	sst s0  }
0x9: {  	[smem:$0x3FAF] =	sst s1  }
0xa: {  	[smem:$0x3FB0] =	sst s2  }
0xb: {  	[smem:$0x3FB1] =	sst s3  }
0xc: {  	[smem:$0x3FB2] =	sst s4  }
0xd: {  	[smem:$0x3FB3] =	sst s5  }
0xe: {  	[smem:$0x3FB4] =	sst s6  }
0xf: {  	[smem:$0x3FB5] =	sst s7  }
0x10: {  	[smem:$0x3FB6] =	sst s8  }
0x11: {  	[smem:$0x3FB7] =	sst s9;
	s0 =	simm.s32 @!p0 $0x0  }
0x12: {  	s1 =	sld [smem:$0x3F9D];
	s0 =	simm.s32 @p0 $0x1  }
0x13: {  	[smem:$0x3FB8] =	sst s0;
	s0 =	simm.s32 @!p1 $0x0  }
0x14: {  	s2 =	sld [smem:$0x3F9C];
	s0 =	simm.s32 @p1 $0x1  }
0x15: {  	[smem:$0x3FB9] =	sst s0;
	s0 =	simm.s32 @!p2 $0x0  }
0x16: {  	s3 =	sld [smem:$0x3FDB];
	s0 =	simm.s32 @p2 $0x1  }
0x17: {  	s4 =	simm.s32 $0x1BF5;
	[smem:$0x3FBB] =	sst s0  }
0x18: {  	s0 =	sld [smem:$0x3F9E];
	_ =	swait.ge [sflag:s4], $0x0  }
0x19: {  	s7 =	sld [smem:$0x3F9F]  }
0x1a: {  	s8 =	sadd.s32 $0xFFFFE003, lr  }
0x1b: {  	s9 =	sadd.s32 $0xFFFFFEF7, lr;
	s5 =	simm.s32 $0xFFFFFFFF;
	p2 =	slt.u32 s8, $0xFFFFF086  }
0x1c: {  	p1 =	slt.u32 s9, $0xF7A;
	s5 =	simm.s32 @!p2 $0x0  }
0x1d: {  	s5 =	simm.s32 @p1 $0x1;
	p0 =	seq.s32 s7, s2  }
0x1e: {  	s7 =	smul.u32 @!p0 $0xF7A, s2;
	p2 =	seq.s32 @!p0 s5, $0x0  }
0x1f: {  	s9 =	smul.u32 $0xF7A, s1;
	s8 =	simm.s32 @!p0 $0x1BF5;
	p2 =	por !p2, p0  }
0x20: {  	[sflag:s8] =	ssyncset.s32 @!p0 $0xFFFFF086;
	s6 =	sadd.s32 @!p0 s3, s7;
	s7 =	simm.s32 @!p0 $0x108  }
0x21: {  	s3 =	sadd.s32 s3, s9;
	s6 =	sadd.s32 @!p0 $0x88, s6;
	s7 =	simm.s32 @p2 $0x1082  }
0x22: {  	[simem:s7], [sflag:s8] =	dma.local @!p0 [hbm:s6], $0xF7A  }
0x23: {  	s9 =	sor.u32 $0xD0000000, s2;
	s6 =	simm.s32 $0x108;
	_ =	swait.ge @!p0 [sflag:s8], $0x0  }
0x24: {  	s3 =	sadd.s32 $0x88, s3;
	s6 =	simm.s32 @!p1 $0x1082;
	[sflag:s4] =	ssyncset.s32 $0xFFFFF086  }
0x25: {  	[simem:s6], [sflag:s4] =	dma.local [hbm:s3], $0xF7A  }
0x26: {  	[smem:$0x3F9F] =	sst s1;
	(tag) =	ssettag s2;
	_ =	strace s9  }
0x27: {  	s1 =	sld [smem:$0x3FAF]  }
0x28: {  	s2 =	sld [smem:$0x3FB0]  }
0x29: {  	s4 =	sld [smem:$0x3FB2]  }
0x2a: {  	p0 =	seq.s32 s5, $0x0;
	s5 =	sld [smem:$0x3FB3]  }
0x2b: {  	s6 =	sld [smem:$0x3FB4]  }
0x2c: {  	s7 =	sld [smem:$0x3FB5]  }
0x2d: {  	s3 =	simm.s32 $0x108;
	s8 =	sld [smem:$0x3FB6]  }
0x2e: {  	s3 =	simm.s32 @!p0 $0x1082;
	s9 =	sld [smem:$0x3FB7]  }
0x2f: {  	lr =	sadd.s32 s0, s3;
	s0 =	sld [smem:$0x3FAE]  }
0x30: {  	s3 =	sld [smem:$0x3FB1]  }
0x31: {  	[smem:$0x3FBA] =	sst s10  }
0x32: {  	s10 =	sld [smem:$0x3FB8];
	_ =	sdelay $0x3  }
0x33: {  	p0 =	seq.s32 s10, $0x1;
	s10 =	sld [smem:$0x3FBA];
	_ =	sdelay $0x3  }
0x34: {  	[smem:$0x3FBA] =	sst s10  }
0x35: {  	s10 =	sld [smem:$0x3FB9];
	_ =	sdelay $0x3  }
0x36: {  	p1 =	seq.s32 s10, $0x1;
	s10 =	sld [smem:$0x3FBA];
	_ =	sdelay $0x3  }
0x37: {  	[smem:$0x3FBA] =	sst s10  }
0x38: {  	s10 =	sld [smem:$0x3FBB]  }
0x39: {  	_ = 	snop;
	(pc) =	sbr.ind lr, $3  }
0x3a: {  	_ = 	snop  }
0x3b: {  	_ = 	snop  }
0x3c: {  	p2 =	seq.s32 s10, $0x1;
	s10 =	sld [smem:$0x3FBA]  }
0x3d: {  	_ =	shalt  }
0x3e: {  	_ =	shalt  }
0x3f: {  	_ =	shalt  }
0x40: {  	_ =	shalt  }
0x41: {  	_ =	shalt  }
0x42: {  	_ =	shalt  }
0x43: {  	_ =	shalt  }
0x44: {  	_ =	shalt  }
0x45: {  	_ =	shalt  }
0x46: {  	_ =	shalt  }
0x47: {  	_ =	shalt  }
0x48: {  	_ =	shalt  }
0x49: {  	_ =	shalt  }
0x4a: {  	_ =	shalt  }
0x4b: {  	_ =	shalt  }
0x4c: {  	_ =	shalt  }
0x4d: {  	_ =	shalt  }
0x4e: {  	_ =	shalt  }
0x4f: {  	_ =	shalt  }
0x50: {  	_ =	shalt  }
0x51: {  	_ =	shalt  }
0x52: {  	_ =	shalt  }
0x53: {  	_ =	shalt  }
0x54: {  	_ =	shalt  }
0x55: {  	_ =	shalt  }
0x56: {  	_ =	shalt  }
0x57: {  	_ =	shalt  }
0x58: {  	_ =	shalt  }
0x59: {  	_ =	shalt  }
0x5a: {  	_ =	shalt  }
0x5b: {  	_ =	shalt  }
0x5c: {  	_ =	shalt  }
0x5d: {  	_ =	shalt  }
0x5e: {  	_ =	shalt  }
0x5f: {  	_ =	shalt  }
0x60: {  	_ =	shalt  }
0x61: {  	_ =	shalt  }
0x62: {  	_ =	shalt  }
0x63: {  	_ =	shalt  }
0x64: {  	_ =	shalt  }
0x65: {  	_ =	shalt  }
0x66: {  	_ =	shalt  }
0x67: {  	_ =	shalt  }
0x68: {  	_ =	shalt  }
0x69: {  	_ =	shalt  }
0x6a: {  	_ =	shalt  }
0x6b: {  	_ =	shalt  }
0x6c: {  	_ =	shalt  }
0x6d: {  	_ =	shalt  }
0x6e: {  	_ =	shalt  }
0x6f: {  	_ =	shalt  }
0x70: {  	_ =	shalt  }
0x71: {  	_ =	shalt  }
0x72: {  	_ =	shalt  }
0x73: {  	_ =	shalt  }
0x74: {  	_ =	shalt  }
0x75: {  	_ =	shalt  }
0x76: {  	_ =	shalt  }
0x77: {  	_ =	shalt  }
0x78: {  	_ =	shalt  }
0x79: {  	_ =	shalt  }
0x7a: {  	_ =	shalt  }
0x7b: {  	_ =	shalt  }
0x7c: {  	_ =	shalt  }
0x7d: {  	_ =	shalt  }
0x7e: {  	_ =	shalt  }
0x7f: {  	_ =	shalt  }
0x80: {  	_ =	shalt  }
0x81: {  	_ =	shalt  }
0x82: {  	_ =	shalt  }
0x83: {  	_ =	shalt  }
0x84: {  	_ =	shalt  }
0x85: {  	_ =	shalt  }
0x86: {  	_ =	shalt  }
0x87: {  	_ =	shalt  }
.Lfunc_end0:
.L_simem_size_0:
called_computation_lowered:
.L_overlay_start_0:
0x88: {  	s2 =	sld [smem:$0x3FD9]  }
0x89: {  	s3 =	sld [smem:$0x3FFE];
	_ =	sdelay $0x1  }
0x8a: {  	s1 =	srdreg.scid  }
0x8b: {  	s0 =	sand.u32 $0x1, s1  }
0x8c: {  	s17 =	sshll.u32 s0, $0xA;
	s2 =	sadd.s32 s3, s2  }
0x8d: {  	s2 =	sadd.s32 s2, s17  }
0x8e: {  	[smem:$0x3FC6] =	sst s2  }
0x8f: {  	_ = 	snop  }
0x90: {  	s2 =	sld [smem:$0x3FC9]  }
0x91: {  	s18 =	sld [smem:$0x3FD0];
	(tm) =	ssettm $0x1  }
0x92: {  	s4 =	sld [smem:$0x3FFB];
	_ =	sdelay $0x3  }
0x93: {  	_ =	strace s4  }
0x94: {  	s4 =	sld [smem:$0x3FFC];
	_ =	sdelay $0x3  }
0x95: {  	_ =	strace s4  }
0x96: {  	s4 =	sld [smem:$0x3FFD];
	_ =	sdelay $0x3  }
0x97: {  	_ =	strace s4  }
0x98: {  	_ =	strace $0x8FFFFFFF  }
0x99: {  	s19 =	sld [smem:$0x3FDB];
	_ =	sdelay $0x1  }
0x9a: {  	s5 =	simm.s32 $_scs_section_size  }
0x9b: {  	s6 =	simm.s32 $_size__tile_overlayer_lowered;
	s7 =	simm.s32 $_tile_overlayer_lowered  }
0x9c: {  	s22 =	simm.s32 $0x1BFF;
	s21 =	sshll.u32 s7, $0x1;
	s4 =	sadd.s32 s5, s19  }
0x9d: {  	s8 =	simm.s32 $0x0;
	s20 =	sshll.u32 s6, $0x1;
	s6 =	sadd.s32 s21, s4  }
0x9e: {  	[timem:s8], [sflag:s22] =	dma.local [hbm:s6], s20  }
0x9f: {  	_ =	swait.ge [sflag:s22], s20  }
0xa0: {  	s5 =	ssub.s32 $0x0, s20;
	[sflag:s22] =	ssyncset.done $0x0  }
0xa1: {  	[sflag:s22] =	ssyncadd.s32 s5;
	_ =	sdelay $0x1  }
0xa2: {  	s23 =	simm.s32 $0x1B8B  }
0xa3: {  	_ =	swait.ge [sflag:s23], $0x1  }
0xa4: {  	[sflag:s23] =	ssyncset.done $0x0  }
0xa5: {  	s25 =	simm.s32 $0x1B8E;
	s24 =	sld [smem:$0x3FFE];
	[sflag:s23] =	ssyncadd.s32 $0xFFFFFFFF  }
0xa6: {  	s26 =	simm.s32 $execute0_lowered;
	[smem:$0x3FD2] =	sst s25  }
0xa7: {  	s6 =	sshll.u32 s26, $0x1;
	_ =	strace $0x80000046;
	[dreg:$0x1] =	wrdreg $0xFFFFFFFF  }
0xa8: {  	s28 =	simm.s32 $_size_execute0_lowered;
	s4 =	sadd.s32 s4, s6;
	[dreg:$0x0] =	wrdreg $0x0  }
0xa9: {  	s6 =	sshll.u32 s28, $0x1;
	[dreg:$0x2] =	wrdreg s4  }
0xaa: {  	[dreg:$0x3] =	wrdreg s6  }
0xab: {  	[dreg:$0x4] =	wrdreg $0xC0  }
0xac: {  	_ =	task [dreg:s8], $0x5FFFF  }
0xad: {  	[dreg:$0x1] =	wrdreg $0xFFFFFFFF  }
0xae: {  	[dreg:$0x0] =	wrdreg $0x60  }
0xaf: {  	[dreg:$0x2] =	wrdreg s2  }
0xb0: {  	[dreg:$0x3] =	wrdreg s18  }
0xb1: {  	[dreg:$0x4] =	wrdreg s24  }
0xb2: {  	[dreg:$0x5] =	wrdreg $0x9C000  }
0xb3: {  	[dreg:$0x6] =	wrdreg $0x9  }
0xb4: {  	_ =	task.clear_ibuf [dreg:s8], $0x7FFFF;
	_ =	strace $0x90000046  }
0xb5: {  	s29 =	simm.s32 $0x9;
	_ =	strace $0x80000048  }
0xb6: {  	_ =	swait.ge [sflag:s29], $0x1  }
0xb7: {  	[sflag:s29] =	ssyncadd.s32 $0xFFFFFFFF  }
0xb8: {  	_ =	strace $0x90000048  }
0xb9: {  	_ =	sfence  }
0xba: {  	s30 =	sld [smem:$0x0];
	_ =	sdelay $0x2  }
0xbb: {  	s31 =	sshll.u32 s1, $0xD;
	s1 =	sshrl.u32 s1, $0x2  }
0xbc: {  	s3 =	sand.u32 $0x4000, s31;
	s1 =	sadd.s32 s1, s30  }
0xbd: {  	s0 =	sor.u32 s3, s0;
	s1 =	sshll.u32 s1, $0x11  }
0xbe: {  	s0 =	sor.u32 s1, s0  }
0xbf: {  	s0 =	sadd.s32 $0x8F2B, s0  }
0xc0: {  	[sflag:s0] =	ssyncadd.remote.s32 $0x1  }
0xc1: {  	_ =	sfence.sel $0xFFFF  }
0xc2: {  	[dreg:$0x0] =	wrdreg $0xFFFFFFFF;
	(pc) =	sbr.abs _section_cstart, $3  }
0xc3: {  	[dreg:$0x1] =	wrdreg $0xFFFFFFFF  }
0xc4: {  	_ =	task.clear_ibuf [dreg:s8], $0x2FFFF;
	_ =	strace $0x9FFFFFFF  }
0xc5: {  	(tm) =	ssettm $0x7FFFFFFF  }
tec
execute0_lowered:
.L_overlay_start_1:
0x0: {  	(tag) =	ssettag $0x1  }
0x1: {  	s0 =	rddreg [dreg:$0x0]  }
0x2: {  	s1 =	rddreg [dreg:$0x1]  }
0x3: {  	s2 =	rddreg [dreg:$0x2]  }
0x4: {  	s4 =	srdreg.scid;
	s13 =	stileid.u32  }
0x5: {  	s3 =	rddreg [dreg:$0x3];
	s7 =	smul.u32 $0x13C00, s13  }
0x6: {  	s28 =	simm.s32 $0x500;
	s29 =	simm.s32 $0x200;
	s17 =	smul.u32 $0x4F000, s13  }
0x7: {  	s30 =	simm.s32 $0x580;
	s5 =	sand.u32 $0x1, s4;
	s23 =	smul.u32 $0x500, s13  }
0x8: {  	s31 =	simm.s32 $0x280;
	s4 =	simm.s32 $0x0;
	s6 =	smul.u32 $0x13C000, s5  }
0x9: {  	s9 =	sshrl.u32 s13, $0x3;
	s10 =	sadd.s32 $0xE00, s2;
	s8 =	smul.u32 $0x14000, s5  }
0xa: {  	s12 =	sshll.u32 s13, $0x7;
	s20 =	sshll.u32 s13, $0x6;
	s9 =	smul.u32 $0xA000, s9  }
0xb: {  	[smem:$0x7FF] =	sst s4;
	s14 =	sshll.u32 s5, $0x4;
	s18 =	smul.u32 $0xA0, s5  }
0xc: {  	s16 =	ssub.s32 $0x2, s5;
	s5 =	smul.u32 $0x5000, s5;
	_ =	strace $0x80000047  }
0xd: {  	[dreg:$0x6] =	wrdreg s10;
	s15 =	sor.u32 s13, s14;
	s11 =	sshrl.u32 s16, $0x1  }
0xe: {  	s19 =	sshrl.u32 s17, $0x2;
	s17 =	simm.s32 $0x80;
	s10 =	simm.s32 $0x780  }
0xf: {  	s6 =	sadd.s32 s7, s6;
	s8 =	sadd.s32 s8, s9;
	s9 =	smul.u32 $0x2800, s15  }
0x10: {  	s7 =	sand.u32 $0x380, s12;
	s11 =	ssub.s32 s16, s11;
	s12 =	smul.u32 $0xA, s13  }
0x11: {  	s14 =	sadd.s32 s19, s3;
	s16 =	simm.s32 $0x3;
	s19 =	simm.s32 $0x400  }
0x12: {  	s6 =	sshrl.u32 s6, $0x3;
	s7 =	sor.u32 s7, s8;
	s8 =	smul.u32 $0x500, s15  }
0x13: {  	s26 =	smax.u32 s11, $0x1;
	s14 =	sshrl.u32 s14, $0x3;
	s11 =	simm.s32 $0x0  }
0x14: {  	s6 =	sadd.s32 s6, s2;
	s7 =	sshrl.u32 s7, $0x3;
	s9 =	sshrl.u32 s9, $0x3  }
0x15: {  	[dreg:$0xc] =	wrdreg s26;
	s26 =	simm.s32 $0x180;
	s2 =	sadd.s32 s7, s2  }
0x16: {  	s15 =	sadd.s32 s1, s9;
	s7 =	sor.u32 $0x1C04, s20;
	s8 =	sadd.s32 s8, s1  }
0x17: {  	s9 =	sadd.s32 s12, s18;
	s6 =	sadd.s32 $0x3600, s6;
	s18 =	simm.s32 $0x800  }
0x18: {  	s20 =	simm.s32 $0x1;
	[dreg:$0x7] =	wrdreg s15;
	s21 =	sadd.s32 $0xA080, s15  }
0x19: {  	s8 =	sadd.s32 $0x80, s8;
	s22 =	sshll.u32 s9, $0x7;
	[dreg:$0xa] =	wrdreg s6  }
0x1a: {  	s2 =	sadd.s32 $0x52600, s2;
	s15 =	simm.s32 $0x4;
	[dreg:$0x8] =	wrdreg s21  }
0x1b: {  	s9 =	simm.s32 $0x700;
	[dreg:$0x9] =	wrdreg s8;
	s24 =	sadd.s32 s1, s22  }
0x1c: {  	s1 =	sadd.s32 s5, s1;
	[dreg:$0xb] =	wrdreg s2;
	s21 =	simm.s32 $0x4800  }
0x1d: {  	s22 =	simm.s32 $0x8800;
	s2 =	simm.s32 $0x300;
	s5 =	simm.s32 $0x680  }
0x1e: {  	s8 =	simm.s32 $0x380;
	s25 =	sadd.s32 $0x100, s24;
	s1 =	sadd.s32 s23, s1  }
0x1f: {  	s23 =	simm.s32 $0x2;
	s24 =	simm.s32 $0x100;
	[dreg:$0x5] =	wrdreg s25  }
0x20: {  	v0 =	vimm.s32 $0x0;
	s13 =	sadd.s32 $0xA100, s1;
	s25 =	simm.s32 $0x480;
	s1 =	simm.s32 $0x600  }
.LBB2_1:
0x21: {  	s6 =	rddreg [dreg:$0x7]  }
0x22: {  	s12 =	rddreg [dreg:$0x6]  }
0x23: {  	[tilespmem:s4], [sflag:$0x3] =	stream.linear.gather [hbm4b:s6+s4], $0x400, $0x38;
	[tilespmem:$0x1D800] =	vst v63  }
0x24: {  	[spmem:s14], [sflag:s7] =	dma.local [hbm:s12], $0x2780  }
0x25: {  	_ =	swait.ge [sflag:s15], $0x2780  }
0x26: {  	[sflag:s15] =	ssyncset.done $0x0  }
0x27: {  	s6 =	simm.s32 $0x0;
	s12 =	simm.s32 $0x40;
	[sflag:s15] =	ssyncadd.s32 $0xFFFFD880  }
.LBB2_2:
0x28: {  	p0 =	sne.s32 s12, $0x4EC0;
	[tilespmem:s6+$0x8800] =	vst v0;
	s6 =	smov.u32 s12;
	s12 =	sadd.s32 $0x40, s12  }
.Ltmp0:
0x29: {  	(pc) =	sbr.rel @p0 .LBB2_2-.Ltmp0, $2  }
0x2a: {  	_ =	sdelay $0x2  }
0x2b: {  	s6 =	sshra.s32 s6, $0x2  }
0x2c: {  	[tilespmem:s6+$0x8800] =	vst v0  }
0x2d: {  	[bflag:$0x0] =	sbarrier.arrive $0xFFFF  }
0x2e: {  	_ =	swait.ge [sflag:s16], $0x400  }
0x2f: {  	[sflag:s16] =	ssyncset.done $0x0  }
0x30: {  	s12 =	simm.s32 $0x0;
	[sflag:s16] =	ssyncadd.s32 $0xFFFFFC00  }
0x31: {  	[tilespmem:s18], [sflag:$0x1] =	stream.indirect.gather [hbm4b:s0+s17], $0x80, s12, s17, $0xb8;
	[tilespmem:$0x1D800] =	vst v63  }
0x32: {  	s6 =	rddreg [dreg:$0x8]  }
0x33: {  	[tilespmem:s19], [sflag:$0x4] =	stream.linear.gather [hbm4b:s6+s12], $0x400, $0x38;
	[tilespmem:$0x1D800] =	vst v63  }
0x34: {  	_ =	swait.ge [sflag:s15], $0x400  }
0x35: {  	[sflag:s15] =	ssyncset.done $0x0  }
0x36: {  	[sflag:s15] =	ssyncadd.s32 $0xFFFFFC00  }
0x37: {  	_ =	swait.ge [sflag:s20], $0x4000  }
0x38: {  	[sflag:s20] =	ssyncset.done $0x0  }
0x39: {  	[sflag:s20] =	ssyncadd.s32 $0xFFFFC000  }
0x3a: {  	[tilespmem:s21], [sflag:$0x1] =	stream.indirect.gather [hbm4b:s0+s17], $0x80, s17, s17, $0xb8;
	[tilespmem:$0x1D800] =	vst v63  }
0x3b: {  	_ = 	snop  }
0x3c: {  	[spmem:s3] =	stream.indirect.scatter.add.f32 [tilespmem:s18], [sflag:$0x2], $0x80, s19, s17, $0xb8;
	[tilespmem:$0x1D800] =	vst v63  }
0x3d: {  	v1 =	vld [tilespmem:$0x400];
	_ =	sdelay $0x4  }
0x3e: {  	vm0 =	vlt.s32 v1, $0x13C0  }
0x3f: {  	(xrf1) =	vunique.msk.u32 vm0, v1;
	_ =	sdelay $0x5  }
0x40: {  	vm1 =	vge.s32 v1, $0x13C0;
	v2 =	vadd.s32 $0xFFFFEC40, v1  }
0x41: {  	(xrf1) =	vunique.msk.u32 vm1, v1;
	v1 =	vsel vm0, v1, v2;
	_ =	sdelay $0x4  }
0x42: {  	v3 =	vld.idx.msk [tilespmem:v1+s22+$0x0], $0xffff;
	_ =	sdelay $0x1  }
0x43: {  	_, v2, vm0 =	vpop (xrf1);
	_ =	sdelay $0x2  }
0x44: {  	v2 =	vadd.s32 v3, v2;
	_ =	sdelay $0x2  }
0x45: {  	[tilespmem:v1+s22+$0x0] =	vst.idx.msk vm0, v2  }
0x46: {  	_, v2, vm0 =	vpop (xrf1);
	v3 =	vld.idx.msk [tilespmem:v1+s22+$0x0], $0xffff;
	_ =	sdelay $0x3  }
0x47: {  	v2 =	vshll.u32 v2, $0x10  }
0x48: {  	v2 =	vadd.s32 v3, v2  }
0x49: {  	[tilespmem:v1+s22+$0x0] =	vst.idx.msk vm0, v2  }
0x4a: {  	v1 =	vld [tilespmem:$0x410];
	_ =	sdelay $0x4  }
0x4b: {  	vm8 =	vlt.s32 v1, $0x13C0  }
0x4c: {  	(xrf1) =	vunique.msk.u32 vm8, v1;
	_ =	sdelay $0x5  }
0x4d: {  	vm9 =	vge.s32 v1, $0x13C0;
	v2 =	vadd.s32 $0xFFFFEC40, v1  }
0x4e: {  	(xrf1) =	vunique.msk.u32 vm9, v1;
	v1 =	vsel vm8, v1, v2;
	_ =	sdelay $0x4  }
0x4f: {  	v3 =	vld.idx.msk [tilespmem:v1+s22+$0x0], $0xffff;
	_ =	sdelay $0x1  }
0x50: {  	_, v2, vm0 =	vpop (xrf1);
	_ =	sdelay $0x2  }
0x51: {  	v2 =	vadd.s32 v3, v2;
	_ =	sdelay $0x2  }
0x52: {  	[tilespmem:v1+s22+$0x0] =	vst.idx.msk vm0, v2  }
0x53: {  	_, v2, vm0 =	vpop (xrf1);
	v3 =	vld.idx.msk [tilespmem:v1+s22+$0x0], $0xffff;
	_ =	sdelay $0x3  }
0x54: {  	v2 =	vshll.u32 v2, $0x10  }
0x55: {  	v2 =	vadd.s32 v3, v2  }
0x56: {  	[tilespmem:v1+s22+$0x0] =	vst.idx.msk vm0, v2  }
0x57: {  	v1 =	vld [tilespmem:$0x420];
	_ =	sdelay $0x4  }
0x58: {  	vm10 =	vlt.s32 v1, $0x13C0  }
0x59: {  	(xrf1) =	vunique.msk.u32 vm10, v1;
	_ =	sdelay $0x5  }
0x5a: {  	vm11 =	vge.s32 v1, $0x13C0;
	v2 =	vadd.s32 $0xFFFFEC40, v1  }
0x5b: {  	(xrf1) =	vunique.msk.u32 vm11, v1;
	v1 =	vsel vm10, v1, v2;
	_ =	sdelay $0x4  }
0x5c: {  	v3 =	vld.idx.msk [tilespmem:v1+s22+$0x0], $0xffff;
	_ =	sdelay $0x1  }
0x5d: {  	_, v2, vm0 =	vpop (xrf1);
	_ =	sdelay $0x2  }
0x5e: {  	v2 =	vadd.s32 v3, v2;
	_ =	sdelay $0x2  }
0x5f: {  	[tilespmem:v1+s22+$0x0] =	vst.idx.msk vm0, v2  }
0x60: {  	_, v2, vm0 =	vpop (xrf1);
	v3 =	vld.idx.msk [tilespmem:v1+s22+$0x0], $0xffff;
	_ =	sdelay $0x3  }
0x61: {  	v2 =	vshll.u32 v2, $0x10  }
0x62: {  	v2 =	vadd.s32 v3, v2  }
0x63: {  	[tilespmem:v1+s22+$0x0] =	vst.idx.msk vm0, v2  }
0x64: {  	v1 =	vld [tilespmem:$0x430];
	_ =	sdelay $0x4  }
0x65: {  	vm12 =	vlt.s32 v1, $0x13C0  }
0x66: {  	(xrf1) =	vunique.msk.u32 vm12, v1;
	_ =	sdelay $0x5  }
0x67: {  	vm13 =	vge.s32 v1, $0x13C0;
	v2 =	vadd.s32 $0xFFFFEC40, v1  }
0x68: {  	(xrf1) =	vunique.msk.u32 vm13, v1;
	v1 =	vsel vm12, v1, v2;
	_ =	sdelay $0x4  }
0x69: {  	v3 =	vld.idx.msk [tilespmem:v1+s22+$0x0], $0xffff;
	_ =	sdelay $0x1  }
0x6a: {  	_, v2, vm0 =	vpop (xrf1);
	_ =	sdelay $0x2  }
0x6b: {  	v2 =	vadd.s32 v3, v2;
	_ =	sdelay $0x2  }
0x6c: {  	[tilespmem:v1+s22+$0x0] =	vst.idx.msk vm0, v2  }
0x6d: {  	_, v2, vm0 =	vpop (xrf1);
	v3 =	vld.idx.msk [tilespmem:v1+s22+$0x0], $0xffff;
	_ =	sdelay $0x3  }
0x6e: {  	v2 =	vshll.u32 v2, $0x10  }
0x6f: {  	v2 =	vadd.s32 v3, v2  }
0x70: {  	[tilespmem:v1+s22+$0x0] =	vst.idx.msk vm0, v2  }
0x71: {  	v1 =	vld [tilespmem:$0x440];
	_ =	sdelay $0x4  }
0x72: {  	vm14 =	vlt.s32 v1, $0x13C0  }
0x73: {  	(xrf1) =	vunique.msk.u32 vm14, v1;
	_ =	sdelay $0x5  }
0x74: {  	vm15 =	vge.s32 v1, $0x13C0;
	v2 =	vadd.s32 $0xFFFFEC40, v1  }
0x75: {  	(xrf1) =	vunique.msk.u32 vm15, v1;
	v1 =	vsel vm14, v1, v2;
	_ =	sdelay $0x4  }
0x76: {  	v3 =	vld.idx.msk [tilespmem:v1+s22+$0x0], $0xffff;
	_ =	sdelay $0x1  }
0x77: {  	_, v2, vm0 =	vpop (xrf1);
	_ =	sdelay $0x2  }
0x78: {  	v2 =	vadd.s32 v3, v2;
	_ =	sdelay $0x2  }
0x79: {  	[tilespmem:v1+s22+$0x0] =	vst.idx.msk vm0, v2  }
0x7a: {  	_, v2, vm0 =	vpop (xrf1);
	v3 =	vld.idx.msk [tilespmem:v1+s22+$0x0], $0xffff;
	_ =	sdelay $0x3  }
0x7b: {  	v2 =	vshll.u32 v2, $0x10  }
0x7c: {  	v2 =	vadd.s32 v3, v2  }
0x7d: {  	[tilespmem:v1+s22+$0x0] =	vst.idx.msk vm0, v2  }
0x7e: {  	v1 =	vld [tilespmem:$0x450];
	_ =	sdelay $0x4  }
0x7f: {  	vm4 =	vlt.s32 v1, $0x13C0  }
0x80: {  	(xrf1) =	vunique.msk.u32 vm4, v1;
	_ =	sdelay $0x5  }
0x81: {  	vm5 =	vge.s32 v1, $0x13C0;
	v2 =	vadd.s32 $0xFFFFEC40, v1  }
0x82: {  	(xrf1) =	vunique.msk.u32 vm5, v1;
	v1 =	vsel vm4, v1, v2;
	_ =	sdelay $0x4  }
0x83: {  	v3 =	vld.idx.msk [tilespmem:v1+s22+$0x0], $0xffff;
	_ =	sdelay $0x1  }
0x84: {  	_, v2, vm0 =	vpop (xrf1);
	_ =	sdelay $0x2  }
0x85: {  	v2 =	vadd.s32 v3, v2;
	_ =	sdelay $0x2  }
0x86: {  	[tilespmem:v1+s22+$0x0] =	vst.idx.msk vm0, v2  }
0x87: {  	_, v2, vm0 =	vpop (xrf1);
	v3 =	vld.idx.msk [tilespmem:v1+s22+$0x0], $0xffff;
	_ =	sdelay $0x3  }
0x88: {  	v2 =	vshll.u32 v2, $0x10  }
0x89: {  	v2 =	vadd.s32 v3, v2  }
0x8a: {  	[tilespmem:v1+s22+$0x0] =	vst.idx.msk vm0, v2  }
0x8b: {  	v1 =	vld [tilespmem:$0x460];
	_ =	sdelay $0x4  }
0x8c: {  	vm6 =	vlt.s32 v1, $0x13C0  }
0x8d: {  	(xrf1) =	vunique.msk.u32 vm6, v1;
	_ =	sdelay $0x5  }
0x8e: {  	vm7 =	vge.s32 v1, $0x13C0;
	v2 =	vadd.s32 $0xFFFFEC40, v1  }
0x8f: {  	(xrf1) =	vunique.msk.u32 vm7, v1;
	v1 =	vsel vm6, v1, v2;
	_ =	sdelay $0x4  }
0x90: {  	v3 =	vld.idx.msk [tilespmem:v1+s22+$0x0], $0xffff;
	_ =	sdelay $0x1  }
0x91: {  	_, v2, vm0 =	vpop (xrf1);
	_ =	sdelay $0x2  }
0x92: {  	v2 =	vadd.s32 v3, v2;
	_ =	sdelay $0x2  }
0x93: {  	[tilespmem:v1+s22+$0x0] =	vst.idx.msk vm0, v2  }
0x94: {  	_, v2, vm0 =	vpop (xrf1);
	v3 =	vld.idx.msk [tilespmem:v1+s22+$0x0], $0xffff;
	_ =	sdelay $0x3  }
0x95: {  	v2 =	vshll.u32 v2, $0x10  }
0x96: {  	v2 =	vadd.s32 v3, v2  }
0x97: {  	[tilespmem:v1+s22+$0x0] =	vst.idx.msk vm0, v2  }
0x98: {  	v1 =	vld [tilespmem:$0x470];
	_ =	sdelay $0x4  }
0x99: {  	vm8 =	vlt.s32 v1, $0x13C0  }
0x9a: {  	(xrf1) =	vunique.msk.u32 vm8, v1;
	_ =	sdelay $0x5  }
0x9b: {  	vm9 =	vge.s32 v1, $0x13C0;
	v2 =	vadd.s32 $0xFFFFEC40, v1  }
0x9c: {  	(xrf1) =	vunique.msk.u32 vm9, v1;
	v1 =	vsel vm8, v1, v2;
	_ =	sdelay $0x4  }
0x9d: {  	v3 =	vld.idx.msk [tilespmem:v1+s22+$0x0], $0xffff;
	_ =	sdelay $0x1  }
0x9e: {  	_, v2, vm0 =	vpop (xrf1);
	_ =	sdelay $0x2  }
0x9f: {  	v2 =	vadd.s32 v3, v2;
	_ =	sdelay $0x2  }
0xa0: {  	[tilespmem:v1+s22+$0x0] =	vst.idx.msk vm0, v2  }
0xa1: {  	_, v2, vm0 =	vpop (xrf1);
	v3 =	vld.idx.msk [tilespmem:v1+s22+$0x0], $0xffff;
	_ =	sdelay $0x3  }
0xa2: {  	v2 =	vshll.u32 v2, $0x10  }
0xa3: {  	v2 =	vadd.s32 v3, v2  }
0xa4: {  	[tilespmem:v1+s22+$0x0] =	vst.idx.msk vm0, v2  }
0xa5: {  	_ =	swait.ge [sflag:s20], $0x4000  }
0xa6: {  	[sflag:s20] =	ssyncset.done $0x0  }
0xa7: {  	[sflag:s20] =	ssyncadd.s32 $0xFFFFC000  }
0xa8: {  	_ =	swait.ge [sflag:s23], $0x4000  }
0xa9: {  	[sflag:s23] =	ssyncset.done $0x0  }
0xaa: {  	[sflag:s23] =	ssyncadd.s32 $0xFFFFC000  }
0xab: {  	[tilespmem:s18], [sflag:$0x1] =	stream.indirect.gather [hbm4b:s0+s17], $0x80, s24, s17, $0xb8;
	[tilespmem:$0x1D800] =	vst v63  }
0xac: {  	_ = 	snop  }
0xad: {  	[spmem:s3] =	stream.indirect.scatter.add.f32 [tilespmem:s21], [sflag:$0x2], $0x80, s25, s17, $0xb8;
	[tilespmem:$0x1D800] =	vst v63  }
0xae: {  	v1 =	vld [tilespmem:$0x480];
	_ =	sdelay $0x4  }
0xaf: {  	vm10 =	vlt.s32 v1, $0x13C0  }
0xb0: {  	(xrf1) =	vunique.msk.u32 vm10, v1;
	_ =	sdelay $0x5  }
0xb1: {  	vm11 =	vge.s32 v1, $0x13C0;
	v2 =	vadd.s32 $0xFFFFEC40, v1  }
0xb2: {  	(xrf1) =	vunique.msk.u32 vm11, v1;
	v1 =	vsel vm10, v1, v2;
	_ =	sdelay $0x4  }
0xb3: {  	v3 =	vld.idx.msk [tilespmem:v1+s22+$0x0], $0xffff;
	_ =	sdelay $0x1  }
0xb4: {  	_, v2, vm0 =	vpop (xrf1);
	_ =	sdelay $0x2  }
0xb5: {  	v2 =	vadd.s32 v3, v2;
	_ =	sdelay $0x2  }
0xb6: {  	[tilespmem:v1+s22+$0x0] =	vst.idx.msk vm0, v2  }
0xb7: {  	_, v2, vm0 =	vpop (xrf1);
	v3 =	vld.idx.msk [tilespmem:v1+s22+$0x0], $0xffff;
	_ =	sdelay $0x3  }
0xb8: {  	v2 =	vshll.u32 v2, $0x10  }
0xb9: {  	v2 =	vadd.s32 v3, v2  }
0xba: {  	[tilespmem:v1+s22+$0x0] =	vst.idx.msk vm0, v2  }
0xbb: {  	v1 =	vld [tilespmem:$0x490];
	_ =	sdelay $0x4  }
0xbc: {  	vm12 =	vlt.s32 v1, $0x13C0  }
0xbd: {  	(xrf1) =	vunique.msk.u32 vm12, v1;
	_ =	sdelay $0x5  }
0xbe: {  	vm13 =	vge.s32 v1, $0x13C0;
	v2 =	vadd.s32 $0xFFFFEC40, v1  }
0xbf: {  	(xrf1) =	vunique.msk.u32 vm13, v1;
	v1 =	vsel vm12, v1, v2;
	_ =	sdelay $0x4  }
0xc0: {  	v3 =	vld.idx.msk [tilespmem:v1+s22+$0x0], $0xffff;
	_ =	sdelay $0x1  }
0xc1: {  	_, v2, vm0 =	vpop (xrf1);
	_ =	sdelay $0x2  }
0xc2: {  	v2 =	vadd.s32 v3, v2;
	_ =	sdelay $0x2  }
0xc3: {  	[tilespmem:v1+s22+$0x0] =	vst.idx.msk vm0, v2  }
0xc4: {  	_, v2, vm0 =	vpop (xrf1);
	v3 =	vld.idx.msk [tilespmem:v1+s22+$0x0], $0xffff;
	_ =	sdelay $0x3  }
0xc5: {  	v2 =	vshll.u32 v2, $0x10  }
0xc6: {  	v2 =	vadd.s32 v3, v2  }
0xc7: {  	[tilespmem:v1+s22+$0x0] =	vst.idx.msk vm0, v2  }
0xc8: {  	v1 =	vld [tilespmem:$0x4A0];
	_ =	sdelay $0x4  }
0xc9: {  	vm14 =	vlt.s32 v1, $0x13C0  }
0xca: {  	(xrf1) =	vunique.msk.u32 vm14, v1;
	_ =	sdelay $0x5  }
0xcb: {  	vm15 =	vge.s32 v1, $0x13C0;
	v2 =	vadd.s32 $0xFFFFEC40, v1  }
0xcc: {  	(xrf1) =	vunique.msk.u32 vm15, v1;
	v1 =	vsel vm14, v1, v2;
	_ =	sdelay $0x4  }
0xcd: {  	v3 =	vld.idx.msk [tilespmem:v1+s22+$0x0], $0xffff;
	_ =	sdelay $0x1  }
0xce: {  	_, v2, vm0 =	vpop (xrf1);
	_ =	sdelay $0x2  }
0xcf: {  	v2 =	vadd.s32 v3, v2;
	_ =	sdelay $0x2  }
0xd0: {  	[tilespmem:v1+s22+$0x0] =	vst.idx.msk vm0, v2  }
0xd1: {  	_, v2, vm0 =	vpop (xrf1);
	v3 =	vld.idx.msk [tilespmem:v1+s22+$0x0], $0xffff;
	_ =	sdelay $0x3  }
0xd2: {  	v2 =	vshll.u32 v2, $0x10  }
0xd3: {  	v2 =	vadd.s32 v3, v2  }
0xd4: {  	[tilespmem:v1+s22+$0x0] =	vst.idx.msk vm0, v2  }
0xd5: {  	v1 =	vld [tilespmem:$0x4B0];
	_ =	sdelay $0x4  }
0xd6: {  	vm4 =	vlt.s32 v1, $0x13C0  }
0xd7: {  	(xrf1) =	vunique.msk.u32 vm4, v1;
	_ =	sdelay $0x5  }
0xd8: {  	vm5 =	vge.s32 v1, $0x13C0;
	v2 =	vadd.s32 $0xFFFFEC40, v1  }
0xd9: {  	(xrf1) =	vunique.msk.u32 vm5, v1;
	v1 =	vsel vm4, v1, v2;
	_ =	sdelay $0x4  }
0xda: {  	v3 =	vld.idx.msk [tilespmem:v1+s22+$0x0], $0xffff;
	_ =	sdelay $0x1  }
0xdb: {  	_, v2, vm0 =	vpop (xrf1);
	_ =	sdelay $0x2  }
0xdc: {  	v2 =	vadd.s32 v3, v2;
	_ =	sdelay $0x2  }
0xdd: {  	[tilespmem:v1+s22+$0x0] =	vst.idx.msk vm0, v2  }
0xde: {  	_, v2, vm0 =	vpop (xrf1);
	v3 =	vld.idx.msk [tilespmem:v1+s22+$0x0], $0xffff;
	_ =	sdelay $0x3  }
0xdf: {  	v2 =	vshll.u32 v2, $0x10  }
0xe0: {  	v2 =	vadd.s32 v3, v2  }
0xe1: {  	[tilespmem:v1+s22+$0x0] =	vst.idx.msk vm0, v2  }
0xe2: {  	v1 =	vld [tilespmem:$0x4C0];
	_ =	sdelay $0x4  }
0xe3: {  	vm6 =	vlt.s32 v1, $0x13C0  }
0xe4: {  	(xrf1) =	vunique.msk.u32 vm6, v1;
	_ =	sdelay $0x7  }
0xe5: {  	v2 =	vadd.s32 $0xFFFFEC40, v1  }
0xe6: {  	v2 =	vsel vm6, v1, v2;
	_ =	sdelay $0x4  }
0xe7: {  	v4 =	vld.idx.msk [tilespmem:v2+s22+$0x0], $0xffff;
	_, v3, vm7 =	vpop (xrf1);
	_ =	sdelay $0x4  }
0xe8: {  	v3 =	vadd.s32 v4, v3  }
0xe9: {  	vm8 =	vge.s32 v1, $0x13C0;
	[tilespmem:v2+s22+$0x0] =	vst.idx.msk vm7, v3  }
0xea: {  	(xrf1) =	vunique.msk.u32 vm8, v1;
	_ =	sdelay $0xd  }
0xeb: {  	v3 =	vld.idx.msk [tilespmem:v2+s22+$0x0], $0xffff;
	_, v1, vm9 =	vpop (xrf1);
	_ =	sdelay $0x3  }
0xec: {  	v1 =	vshll.u32 v1, $0x10  }
0xed: {  	v1 =	vadd.s32 v3, v1  }
0xee: {  	[tilespmem:v2+s22+$0x0] =	vst.idx.msk vm9, v1  }
0xef: {  	v1 =	vld [tilespmem:$0x4D0];
	_ =	sdelay $0x4  }
0xf0: {  	vm10 =	vlt.s32 v1, $0x13C0  }
0xf1: {  	(xrf1) =	vunique.msk.u32 vm10, v1;
	_ =	sdelay $0x5  }
0xf2: {  	vm11 =	vge.s32 v1, $0x13C0;
	v2 =	vadd.s32 $0xFFFFEC40, v1  }
0xf3: {  	(xrf1) =	vunique.msk.u32 vm11, v1;
	v1 =	vsel vm10, v1, v2;
	_ =	sdelay $0x4  }
0xf4: {  	v3 =	vld.idx.msk [tilespmem:v1+s22+$0x0], $0xffff;
	_ =	sdelay $0x1  }
0xf5: {  	_, v2, vm0 =	vpop (xrf1);
	_ =	sdelay $0x2  }
0xf6: {  	v2 =	vadd.s32 v3, v2;
	_ =	sdelay $0x2  }
0xf7: {  	[tilespmem:v1+s22+$0x0] =	vst.idx.msk vm0, v2  }
0xf8: {  	_, v2, vm0 =	vpop (xrf1);
	v3 =	vld.idx.msk [tilespmem:v1+s22+$0x0], $0xffff;
	_ =	sdelay $0x3  }
0xf9: {  	v2 =	vshll.u32 v2, $0x10  }
0xfa: {  	v2 =	vadd.s32 v3, v2  }
0xfb: {  	[tilespmem:v1+s22+$0x0] =	vst.idx.msk vm0, v2  }
0xfc: {  	v1 =	vld [tilespmem:$0x4E0];
	_ =	sdelay $0x4  }
0xfd: {  	vm12 =	vlt.s32 v1, $0x13C0  }
0xfe: {  	(xrf1) =	vunique.msk.u32 vm12, v1;
	_ =	sdelay $0x5  }
0xff: {  	vm13 =	vge.s32 v1, $0x13C0;
	v2 =	vadd.s32 $0xFFFFEC40, v1  }
0x100: {  	(xrf1) =	vunique.msk.u32 vm13, v1;
	v1 =	vsel vm12, v1, v2;
	_ =	sdelay $0x4  }
0x101: {  	v3 =	vld.idx.msk [tilespmem:v1+s22+$0x0], $0xffff;
	_ =	sdelay $0x1  }
0x102: {  	_, v2, vm0 =	vpop (xrf1);
	_ =	sdelay $0x2  }
0x103: {  	v2 =	vadd.s32 v3, v2;
	_ =	sdelay $0x2  }
0x104: {  	[tilespmem:v1+s22+$0x0] =	vst.idx.msk vm0, v2  }
0x105: {  	_, v2, vm0 =	vpop (xrf1);
	v3 =	vld.idx.msk [tilespmem:v1+s22+$0x0], $0xffff;
	_ =	sdelay $0x3  }
0x106: {  	v2 =	vshll.u32 v2, $0x10  }
0x107: {  	v2 =	vadd.s32 v3, v2  }
0x108: {  	[tilespmem:v1+s22+$0x0] =	vst.idx.msk vm0, v2  }
0x109: {  	v1 =	vld [tilespmem:$0x4F0];
	_ =	sdelay $0x4  }
0x10a: {  	vm14 =	vlt.s32 v1, $0x13C0  }
0x10b: {  	(xrf1) =	vunique.msk.u32 vm14, v1;
	_ =	sdelay $0x5  }
0x10c: {  	vm15 =	vge.s32 v1, $0x13C0;
	v2 =	vadd.s32 $0xFFFFEC40, v1  }
0x10d: {  	(xrf1) =	vunique.msk.u32 vm15, v1;
	v1 =	vsel vm14, v1, v2;
	_ =	sdelay $0x4  }
0x10e: {  	v3 =	vld.idx.msk [tilespmem:v1+s22+$0x0], $0xffff;
	_ =	sdelay $0x1  }
0x10f: {  	_, v2, vm0 =	vpop (xrf1);
	_ =	sdelay $0x2  }
0x110: {  	v2 =	vadd.s32 v3, v2;
	_ =	sdelay $0x2  }
0x111: {  	[tilespmem:v1+s22+$0x0] =	vst.idx.msk vm0, v2  }
0x112: {  	_, v2, vm0 =	vpop (xrf1);
	v3 =	vld.idx.msk [tilespmem:v1+s22+$0x0], $0xffff;
	_ =	sdelay $0x3  }
0x113: {  	v2 =	vshll.u32 v2, $0x10  }
0x114: {  	v2 =	vadd.s32 v3, v2  }
0x115: {  	[tilespmem:v1+s22+$0x0] =	vst.idx.msk vm0, v2  }
0x116: {  	_ =	swait.ge [sflag:s20], $0x4000  }
0x117: {  	[sflag:s20] =	ssyncset.done $0x0  }
0x118: {  	[sflag:s20] =	ssyncadd.s32 $0xFFFFC000  }
0x119: {  	_ =	swait.ge [sflag:s23], $0x4000  }
0x11a: {  	[sflag:s23] =	ssyncset.done $0x0  }
0x11b: {  	[sflag:s23] =	ssyncadd.s32 $0xFFFFC000  }
0x11c: {  	[tilespmem:s21], [sflag:$0x1] =	stream.indirect.gather [hbm4b:s0+s17], $0x80, s26, s17, $0xb8;
	[tilespmem:$0x1D800] =	vst v63  }
0x11d: {  	_ = 	snop  }
0x11e: {  	[spmem:s3] =	stream.indirect.scatter.add.f32 [tilespmem:s18], [sflag:$0x2], $0x80, s28, s17, $0xb8;
	[tilespmem:$0x1D800] =	vst v63  }
0x11f: {  	v1 =	vld [tilespmem:$0x500];
	_ =	sdelay $0x4  }
0x120: {  	vm4 =	vlt.s32 v1, $0x13C0  }
0x121: {  	(xrf1) =	vunique.msk.u32 vm4, v1;
	_ =	sdelay $0x5  }
0x122: {  	vm5 =	vge.s32 v1, $0x13C0;
	v2 =	vadd.s32 $0xFFFFEC40, v1  }
0x123: {  	(xrf1) =	vunique.msk.u32 vm5, v1;
	v1 =	vsel vm4, v1, v2;
	_ =	sdelay $0x4  }
0x124: {  	v3 =	vld.idx.msk [tilespmem:v1+s22+$0x0], $0xffff;
	_ =	sdelay $0x1  }
0x125: {  	_, v2, vm0 =	vpop (xrf1);
	_ =	sdelay $0x2  }
0x126: {  	v2 =	vadd.s32 v3, v2;
	_ =	sdelay $0x2  }
0x127: {  	[tilespmem:v1+s22+$0x0] =	vst.idx.msk vm0, v2  }
0x128: {  	_, v2, vm0 =	vpop (xrf1);
	v3 =	vld.idx.msk [tilespmem:v1+s22+$0x0], $0xffff;
	_ =	sdelay $0x3  }
0x129: {  	v2 =	vshll.u32 v2, $0x10  }
0x12a: {  	v2 =	vadd.s32 v3, v2  }
0x12b: {  	[tilespmem:v1+s22+$0x0] =	vst.idx.msk vm0, v2  }
0x12c: {  	v1 =	vld [tilespmem:$0x510];
	_ =	sdelay $0x4  }
0x12d: {  	vm6 =	vlt.s32 v1, $0x13C0  }
0x12e: {  	(xrf1) =	vunique.msk.u32 vm6, v1;
	_ =	sdelay $0x5  }
0x12f: {  	vm7 =	vge.s32 v1, $0x13C0;
	v2 =	vadd.s32 $0xFFFFEC40, v1  }
0x130: {  	(xrf1) =	vunique.msk.u32 vm7, v1;
	v1 =	vsel vm6, v1, v2;
	_ =	sdelay $0x4  }
0x131: {  	v3 =	vld.idx.msk [tilespmem:v1+s22+$0x0], $0xffff;
	_ =	sdelay $0x1  }
0x132: {  	_, v2, vm0 =	vpop (xrf1);
	_ =	sdelay $0x2  }
0x133: {  	v2 =	vadd.s32 v3, v2;
	_ =	sdelay $0x2  }
0x134: {  	[tilespmem:v1+s22+$0x0] =	vst.idx.msk vm0, v2  }
0x135: {  	_, v2, vm0 =	vpop (xrf1);
	v3 =	vld.idx.msk [tilespmem:v1+s22+$0x0], $0xffff;
	_ =	sdelay $0x3  }
0x136: {  	v2 =	vshll.u32 v2, $0x10  }
0x137: {  	v2 =	vadd.s32 v3, v2  }
0x138: {  	[tilespmem:v1+s22+$0x0] =	vst.idx.msk vm0, v2  }
0x139: {  	v1 =	vld [tilespmem:$0x520];
	_ =	sdelay $0x4  }
0x13a: {  	vm8 =	vlt.s32 v1, $0x13C0  }
0x13b: {  	(xrf1) =	vunique.msk.u32 vm8, v1;
	_ =	sdelay $0x5  }
0x13c: {  	vm9 =	vge.s32 v1, $0x13C0;
	v2 =	vadd.s32 $0xFFFFEC40, v1  }
0x13d: {  	(xrf1) =	vunique.msk.u32 vm9, v1;
	v1 =	vsel vm8, v1, v2;
	_ =	sdelay $0x4  }
0x13e: {  	v3 =	vld.idx.msk [tilespmem:v1+s22+$0x0], $0xffff;
	_ =	sdelay $0x1  }
0x13f: {  	_, v2, vm0 =	vpop (xrf1);
	_ =	sdelay $0x2  }
0x140: {  	v2 =	vadd.s32 v3, v2;
	_ =	sdelay $0x2  }
0x141: {  	[tilespmem:v1+s22+$0x0] =	vst.idx.msk vm0, v2  }
0x142: {  	_, v2, vm0 =	vpop (xrf1);
	v3 =	vld.idx.msk [tilespmem:v1+s22+$0x0], $0xffff;
	_ =	sdelay $0x3  }
0x143: {  	v2 =	vshll.u32 v2, $0x10  }
0x144: {  	v2 =	vadd.s32 v3, v2  }
0x145: {  	[tilespmem:v1+s22+$0x0] =	vst.idx.msk vm0, v2  }
0x146: {  	v1 =	vld [tilespmem:$0x530];
	_ =	sdelay $0x4  }
0x147: {  	vm10 =	vlt.s32 v1, $0x13C0  }
0x148: {  	(xrf1) =	vunique.msk.u32 vm10, v1;
	_ =	sdelay $0x5  }
0x149: {  	vm11 =	vge.s32 v1, $0x13C0;
	v2 =	vadd.s32 $0xFFFFEC40, v1  }
0x14a: {  	(xrf1) =	vunique.msk.u32 vm11, v1;
	v1 =	vsel vm10, v1, v2;
	_ =	sdelay $0x4  }
0x14b: {  	v3 =	vld.idx.msk [tilespmem:v1+s22+$0x0], $0xffff;
	_ =	sdelay $0x1  }
0x14c: {  	_, v2, vm0 =	vpop (xrf1);
	_ =	sdelay $0x2  }
0x14d: {  	v2 =	vadd.s32 v3, v2;
	_ =	sdelay $0x2  }
0x14e: {  	[tilespmem:v1+s22+$0x0] =	vst.idx.msk vm0, v2  }
0x14f: {  	_, v2, vm0 =	vpop (xrf1);
	v3 =	vld.idx.msk [tilespmem:v1+s22+$0x0], $0xffff;
	_ =	sdelay $0x3  }
0x150: {  	v2 =	vshll.u32 v2, $0x10  }
0x151: {  	v2 =	vadd.s32 v3, v2  }
0x152: {  	[tilespmem:v1+s22+$0x0] =	vst.idx.msk vm0, v2  }
0x153: {  	v1 =	vld [tilespmem:$0x540];
	_ =	sdelay $0x4  }
0x154: {  	vm12 =	vlt.s32 v1, $0x13C0  }
0x155: {  	(xrf1) =	vunique.msk.u32 vm12, v1;
	_ =	sdelay $0x5  }
0x156: {  	vm13 =	vge.s32 v1, $0x13C0;
	v2 =	vadd.s32 $0xFFFFEC40, v1  }
0x157: {  	(xrf1) =	vunique.msk.u32 vm13, v1;
	v1 =	vsel vm12, v1, v2;
	_ =	sdelay $0x4  }
0x158: {  	v3 =	vld.idx.msk [tilespmem:v1+s22+$0x0], $0xffff;
	_ =	sdelay $0x1  }
0x159: {  	_, v2, vm0 =	vpop (xrf1);
	_ =	sdelay $0x2  }
0x15a: {  	v2 =	vadd.s32 v3, v2;
	_ =	sdelay $0x2  }
0x15b: {  	[tilespmem:v1+s22+$0x0] =	vst.idx.msk vm0, v2  }
0x15c: {  	_, v2, vm0 =	vpop (xrf1);
	v3 =	vld.idx.msk [tilespmem:v1+s22+$0x0], $0xffff;
	_ =	sdelay $0x3  }
0x15d: {  	v2 =	vshll.u32 v2, $0x10  }
0x15e: {  	v2 =	vadd.s32 v3, v2  }
0x15f: {  	[tilespmem:v1+s22+$0x0] =	vst.idx.msk vm0, v2  }
0x160: {  	v1 =	vld [tilespmem:$0x550];
	_ =	sdelay $0x4  }
0x161: {  	vm14 =	vlt.s32 v1, $0x13C0  }
0x162: {  	(xrf1) =	vunique.msk.u32 vm14, v1;
	_ =	sdelay $0x5  }
0x163: {  	vm15 =	vge.s32 v1, $0x13C0;
	v2 =	vadd.s32 $0xFFFFEC40, v1  }
0x164: {  	(xrf1) =	vunique.msk.u32 vm15, v1;
	v1 =	vsel vm14, v1, v2;
	_ =	sdelay $0x4  }
0x165: {  	v3 =	vld.idx.msk [tilespmem:v1+s22+$0x0], $0xffff;
	_ =	sdelay $0x1  }
0x166: {  	_, v2, vm0 =	vpop (xrf1);
	_ =	sdelay $0x2  }
0x167: {  	v2 =	vadd.s32 v3, v2;
	_ =	sdelay $0x2  }
0x168: {  	[tilespmem:v1+s22+$0x0] =	vst.idx.msk vm0, v2  }
0x169: {  	_, v2, vm0 =	vpop (xrf1);
	v3 =	vld.idx.msk [tilespmem:v1+s22+$0x0], $0xffff;
	_ =	sdelay $0x3  }
0x16a: {  	v2 =	vshll.u32 v2, $0x10  }
0x16b: {  	v2 =	vadd.s32 v3, v2  }
0x16c: {  	[tilespmem:v1+s22+$0x0] =	vst.idx.msk vm0, v2  }
0x16d: {  	v1 =	vld [tilespmem:$0x560];
	_ =	sdelay $0x4  }
0x16e: {  	vm4 =	vlt.s32 v1, $0x13C0  }
0x16f: {  	(xrf1) =	vunique.msk.u32 vm4, v1;
	_ =	sdelay $0x5  }
0x170: {  	vm5 =	vge.s32 v1, $0x13C0;
	v2 =	vadd.s32 $0xFFFFEC40, v1  }
0x171: {  	(xrf1) =	vunique.msk.u32 vm5, v1;
	v1 =	vsel vm4, v1, v2;
	_ =	sdelay $0x4  }
0x172: {  	v3 =	vld.idx.msk [tilespmem:v1+s22+$0x0], $0xffff;
	_ =	sdelay $0x1  }
0x173: {  	_, v2, vm0 =	vpop (xrf1);
	_ =	sdelay $0x2  }
0x174: {  	v2 =	vadd.s32 v3, v2;
	_ =	sdelay $0x2  }
0x175: {  	[tilespmem:v1+s22+$0x0] =	vst.idx.msk vm0, v2  }
0x176: {  	_, v2, vm0 =	vpop (xrf1);
	v3 =	vld.idx.msk [tilespmem:v1+s22+$0x0], $0xffff;
	_ =	sdelay $0x3  }
0x177: {  	v2 =	vshll.u32 v2, $0x10  }
0x178: {  	v2 =	vadd.s32 v3, v2  }
0x179: {  	[tilespmem:v1+s22+$0x0] =	vst.idx.msk vm0, v2  }
0x17a: {  	v1 =	vld [tilespmem:$0x570];
	_ =	sdelay $0x4  }
0x17b: {  	vm6 =	vlt.s32 v1, $0x13C0  }
0x17c: {  	(xrf1) =	vunique.msk.u32 vm6, v1;
	_ =	sdelay $0x5  }
0x17d: {  	vm7 =	vge.s32 v1, $0x13C0;
	v2 =	vadd.s32 $0xFFFFEC40, v1  }
0x17e: {  	(xrf1) =	vunique.msk.u32 vm7, v1;
	v1 =	vsel vm6, v1, v2;
	_ =	sdelay $0x4  }
0x17f: {  	v3 =	vld.idx.msk [tilespmem:v1+s22+$0x0], $0xffff;
	_ =	sdelay $0x1  }
0x180: {  	_, v2, vm0 =	vpop (xrf1);
	_ =	sdelay $0x2  }
0x181: {  	v2 =	vadd.s32 v3, v2;
	_ =	sdelay $0x2  }
0x182: {  	[tilespmem:v1+s22+$0x0] =	vst.idx.msk vm0, v2  }
0x183: {  	_, v2, vm0 =	vpop (xrf1);
	v3 =	vld.idx.msk [tilespmem:v1+s22+$0x0], $0xffff;
	_ =	sdelay $0x3  }
0x184: {  	v2 =	vshll.u32 v2, $0x10  }
0x185: {  	v2 =	vadd.s32 v3, v2  }
0x186: {  	[tilespmem:v1+s22+$0x0] =	vst.idx.msk vm0, v2  }
0x187: {  	_ =	swait.ge [sflag:s20], $0x4000  }
0x188: {  	[sflag:s20] =	ssyncset.done $0x0  }
0x189: {  	[sflag:s20] =	ssyncadd.s32 $0xFFFFC000  }
0x18a: {  	_ =	swait.ge [sflag:s23], $0x4000  }
0x18b: {  	[sflag:s23] =	ssyncset.done $0x0  }
0x18c: {  	[sflag:s23] =	ssyncadd.s32 $0xFFFFC000  }
0x18d: {  	[tilespmem:s18], [sflag:$0x1] =	stream.indirect.gather [hbm4b:s0+s17], $0x80, s29, s17, $0xb8;
	[tilespmem:$0x1D800] =	vst v63  }
0x18e: {  	_ = 	snop  }
0x18f: {  	[spmem:s3] =	stream.indirect.scatter.add.f32 [tilespmem:s21], [sflag:$0x2], $0x80, s30, s17, $0xb8;
	[tilespmem:$0x1D800] =	vst v63  }
0x190: {  	v1 =	vld [tilespmem:$0x580];
	_ =	sdelay $0x4  }
0x191: {  	vm8 =	vlt.s32 v1, $0x13C0  }
0x192: {  	(xrf1) =	vunique.msk.u32 vm8, v1;
	_ =	sdelay $0x5  }
0x193: {  	vm9 =	vge.s32 v1, $0x13C0;
	v2 =	vadd.s32 $0xFFFFEC40, v1  }
0x194: {  	(xrf1) =	vunique.msk.u32 vm9, v1;
	v1 =	vsel vm8, v1, v2;
	_ =	sdelay $0x4  }
0x195: {  	v3 =	vld.idx.msk [tilespmem:v1+s22+$0x0], $0xffff;
	_ =	sdelay $0x1  }
0x196: {  	_, v2, vm0 =	vpop (xrf1);
	_ =	sdelay $0x2  }
0x197: {  	v2 =	vadd.s32 v3, v2;
	_ =	sdelay $0x2  }
0x198: {  	[tilespmem:v1+s22+$0x0] =	vst.idx.msk vm0, v2  }
0x199: {  	_, v2, vm0 =	vpop (xrf1);
	v3 =	vld.idx.msk [tilespmem:v1+s22+$0x0], $0xffff;
	_ =	sdelay $0x3  }
0x19a: {  	v2 =	vshll.u32 v2, $0x10  }
0x19b: {  	v2 =	vadd.s32 v3, v2  }
0x19c: {  	[tilespmem:v1+s22+$0x0] =	vst.idx.msk vm0, v2  }
0x19d: {  	v1 =	vld [tilespmem:$0x590];
	_ =	sdelay $0x4  }
0x19e: {  	vm10 =	vlt.s32 v1, $0x13C0  }
0x19f: {  	(xrf1) =	vunique.msk.u32 vm10, v1;
	_ =	sdelay $0x5  }
0x1a0: {  	vm11 =	vge.s32 v1, $0x13C0;
	v2 =	vadd.s32 $0xFFFFEC40, v1  }
0x1a1: {  	(xrf1) =	vunique.msk.u32 vm11, v1;
	v1 =	vsel vm10, v1, v2;
	_ =	sdelay $0x4  }
0x1a2: {  	v3 =	vld.idx.msk [tilespmem:v1+s22+$0x0], $0xffff;
	_ =	sdelay $0x1  }
0x1a3: {  	_, v2, vm0 =	vpop (xrf1);
	_ =	sdelay $0x2  }
0x1a4: {  	v2 =	vadd.s32 v3, v2;
	_ =	sdelay $0x2  }
0x1a5: {  	[tilespmem:v1+s22+$0x0] =	vst.idx.msk vm0, v2  }
0x1a6: {  	_, v2, vm0 =	vpop (xrf1);
	v3 =	vld.idx.msk [tilespmem:v1+s22+$0x0], $0xffff;
	_ =	sdelay $0x3  }
0x1a7: {  	v2 =	vshll.u32 v2, $0x10  }
0x1a8: {  	v2 =	vadd.s32 v3, v2  }
0x1a9: {  	[tilespmem:v1+s22+$0x0] =	vst.idx.msk vm0, v2  }
0x1aa: {  	v1 =	vld [tilespmem:$0x5A0];
	_ =	sdelay $0x4  }
0x1ab: {  	vm12 =	vlt.s32 v1, $0x13C0  }
0x1ac: {  	(xrf1) =	vunique.msk.u32 vm12, v1;
	_ =	sdelay $0x5  }
0x1ad: {  	vm13 =	vge.s32 v1, $0x13C0;
	v2 =	vadd.s32 $0xFFFFEC40, v1  }
0x1ae: {  	(xrf1) =	vunique.msk.u32 vm13, v1;
	v1 =	vsel vm12, v1, v2;
	_ =	sdelay $0x4  }
0x1af: {  	v3 =	vld.idx.msk [tilespmem:v1+s22+$0x0], $0xffff;
	_ =	sdelay $0x1  }
0x1b0: {  	_, v2, vm0 =	vpop (xrf1);
	_ =	sdelay $0x2  }
0x1b1: {  	v2 =	vadd.s32 v3, v2;
	_ =	sdelay $0x2  }
0x1b2: {  	[tilespmem:v1+s22+$0x0] =	vst.idx.msk vm0, v2  }
0x1b3: {  	_, v2, vm0 =	vpop (xrf1);
	v3 =	vld.idx.msk [tilespmem:v1+s22+$0x0], $0xffff;
	_ =	sdelay $0x3  }
0x1b4: {  	v2 =	vshll.u32 v2, $0x10  }
0x1b5: {  	v2 =	vadd.s32 v3, v2  }
0x1b6: {  	[tilespmem:v1+s22+$0x0] =	vst.idx.msk vm0, v2  }
0x1b7: {  	v1 =	vld [tilespmem:$0x5B0];
	_ =	sdelay $0x4  }
0x1b8: {  	vm14 =	vlt.s32 v1, $0x13C0  }
0x1b9: {  	(xrf1) =	vunique.msk.u32 vm14, v1;
	_ =	sdelay $0x5  }
0x1ba: {  	vm15 =	vge.s32 v1, $0x13C0;
	v2 =	vadd.s32 $0xFFFFEC40, v1  }
0x1bb: {  	(xrf1) =	vunique.msk.u32 vm15, v1;
	v1 =	vsel vm14, v1, v2;
	_ =	sdelay $0x4  }
0x1bc: {  	v3 =	vld.idx.msk [tilespmem:v1+s22+$0x0], $0xffff;
	_ =	sdelay $0x1  }
0x1bd: {  	_, v2, vm0 =	vpop (xrf1);
	_ =	sdelay $0x2  }
0x1be: {  	v2 =	vadd.s32 v3, v2;
	_ =	sdelay $0x2  }
0x1bf: {  	[tilespmem:v1+s22+$0x0] =	vst.idx.msk vm0, v2  }
0x1c0: {  	_, v2, vm0 =	vpop (xrf1);
	v3 =	vld.idx.msk [tilespmem:v1+s22+$0x0], $0xffff;
	_ =	sdelay $0x3  }
0x1c1: {  	v2 =	vshll.u32 v2, $0x10  }
0x1c2: {  	v2 =	vadd.s32 v3, v2  }
0x1c3: {  	[tilespmem:v1+s22+$0x0] =	vst.idx.msk vm0, v2  }
0x1c4: {  	v1 =	vld [tilespmem:$0x5C0];
	_ =	sdelay $0x4  }
0x1c5: {  	vm4 =	vlt.s32 v1, $0x13C0  }
0x1c6: {  	(xrf1) =	vunique.msk.u32 vm4, v1;
	_ =	sdelay $0x5  }
0x1c7: {  	vm5 =	vge.s32 v1, $0x13C0;
	v2 =	vadd.s32 $0xFFFFEC40, v1  }
0x1c8: {  	(xrf1) =	vunique.msk.u32 vm5, v1;
	v1 =	vsel vm4, v1, v2;
	_ =	sdelay $0x4  }
0x1c9: {  	v3 =	vld.idx.msk [tilespmem:v1+s22+$0x0], $0xffff;
	_ =	sdelay $0x1  }
0x1ca: {  	_, v2, vm0 =	vpop (xrf1);
	_ =	sdelay $0x2  }
0x1cb: {  	v2 =	vadd.s32 v3, v2;
	_ =	sdelay $0x2  }
0x1cc: {  	[tilespmem:v1+s22+$0x0] =	vst.idx.msk vm0, v2  }
0x1cd: {  	_, v2, vm0 =	vpop (xrf1);
	v3 =	vld.idx.msk [tilespmem:v1+s22+$0x0], $0xffff;
	_ =	sdelay $0x3  }
0x1ce: {  	v2 =	vshll.u32 v2, $0x10  }
0x1cf: {  	v2 =	vadd.s32 v3, v2  }
0x1d0: {  	[tilespmem:v1+s22+$0x0] =	vst.idx.msk vm0, v2  }
0x1d1: {  	v1 =	vld [tilespmem:$0x5D0];
	_ =	sdelay $0x4  }
0x1d2: {  	vm6 =	vlt.s32 v1, $0x13C0  }
0x1d3: {  	(xrf1) =	vunique.msk.u32 vm6, v1;
	_ =	sdelay $0x5  }
0x1d4: {  	vm7 =	vge.s32 v1, $0x13C0;
	v2 =	vadd.s32 $0xFFFFEC40, v1  }
0x1d5: {  	(xrf1) =	vunique.msk.u32 vm7, v1;
	v1 =	vsel vm6, v1, v2;
	_ =	sdelay $0x4  }
0x1d6: {  	v3 =	vld.idx.msk [tilespmem:v1+s22+$0x0], $0xffff;
	_ =	sdelay $0x1  }
0x1d7: {  	_, v2, vm0 =	vpop (xrf1);
	_ =	sdelay $0x2  }
0x1d8: {  	v2 =	vadd.s32 v3, v2;
	_ =	sdelay $0x2  }
0x1d9: {  	[tilespmem:v1+s22+$0x0] =	vst.idx.msk vm0, v2  }
0x1da: {  	_, v2, vm0 =	vpop (xrf1);
	v3 =	vld.idx.msk [tilespmem:v1+s22+$0x0], $0xffff;
	_ =	sdelay $0x3  }
0x1db: {  	v2 =	vshll.u32 v2, $0x10  }
0x1dc: {  	v2 =	vadd.s32 v3, v2  }
0x1dd: {  	[tilespmem:v1+s22+$0x0] =	vst.idx.msk vm0, v2  }
0x1de: {  	v1 =	vld [tilespmem:$0x5E0];
	_ =	sdelay $0x4  }
0x1df: {  	vm8 =	vlt.s32 v1, $0x13C0  }
0x1e0: {  	(xrf1) =	vunique.msk.u32 vm8, v1;
	_ =	sdelay $0x5  }
0x1e1: {  	vm9 =	vge.s32 v1, $0x13C0;
	v2 =	vadd.s32 $0xFFFFEC40, v1  }
0x1e2: {  	(xrf1) =	vunique.msk.u32 vm9, v1;
	v1 =	vsel vm8, v1, v2;
	_ =	sdelay $0x4  }
0x1e3: {  	v3 =	vld.idx.msk [tilespmem:v1+s22+$0x0], $0xffff;
	_ =	sdelay $0x1  }
0x1e4: {  	_, v2, vm0 =	vpop (xrf1);
	_ =	sdelay $0x2  }
0x1e5: {  	v2 =	vadd.s32 v3, v2;
	_ =	sdelay $0x2  }
0x1e6: {  	[tilespmem:v1+s22+$0x0] =	vst.idx.msk vm0, v2  }
0x1e7: {  	_, v2, vm0 =	vpop (xrf1);
	v3 =	vld.idx.msk [tilespmem:v1+s22+$0x0], $0xffff;
	_ =	sdelay $0x3  }
0x1e8: {  	v2 =	vshll.u32 v2, $0x10  }
0x1e9: {  	v2 =	vadd.s32 v3, v2  }
0x1ea: {  	[tilespmem:v1+s22+$0x0] =	vst.idx.msk vm0, v2  }
0x1eb: {  	v1 =	vld [tilespmem:$0x5F0];
	_ =	sdelay $0x4  }
0x1ec: {  	vm10 =	vlt.s32 v1, $0x13C0  }
0x1ed: {  	(xrf1) =	vunique.msk.u32 vm10, v1;
	_ =	sdelay $0x5  }
0x1ee: {  	vm11 =	vge.s32 v1, $0x13C0;
	v2 =	vadd.s32 $0xFFFFEC40, v1  }
0x1ef: {  	(xrf1) =	vunique.msk.u32 vm11, v1;
	v1 =	vsel vm10, v1, v2;
	_ =	sdelay $0x4  }
0x1f0: {  	v3 =	vld.idx.msk [tilespmem:v1+s22+$0x0], $0xffff;
	_ =	sdelay $0x1  }
0x1f1: {  	_, v2, vm0 =	vpop (xrf1);
	_ =	sdelay $0x2  }
0x1f2: {  	v2 =	vadd.s32 v3, v2;
	_ =	sdelay $0x2  }
0x1f3: {  	[tilespmem:v1+s22+$0x0] =	vst.idx.msk vm0, v2  }
0x1f4: {  	_, v2, vm0 =	vpop (xrf1);
	v3 =	vld.idx.msk [tilespmem:v1+s22+$0x0], $0xffff;
	_ =	sdelay $0x3  }
0x1f5: {  	v2 =	vshll.u32 v2, $0x10  }
0x1f6: {  	v2 =	vadd.s32 v3, v2  }
0x1f7: {  	[tilespmem:v1+s22+$0x0] =	vst.idx.msk vm0, v2  }
0x1f8: {  	_ =	swait.ge [sflag:s20], $0x4000  }
0x1f9: {  	[sflag:s20] =	ssyncset.done $0x0  }
0x1fa: {  	[sflag:s20] =	ssyncadd.s32 $0xFFFFC000  }
0x1fb: {  	_ =	swait.ge [sflag:s23], $0x4000  }
0x1fc: {  	[sflag:s23] =	ssyncset.done $0x0  }
0x1fd: {  	[sflag:s23] =	ssyncadd.s32 $0xFFFFC000  }
0x1fe: {  	[tilespmem:s21], [sflag:$0x1] =	stream.indirect.gather [hbm4b:s0+s17], $0x80, s31, s17, $0xb8;
	[tilespmem:$0x1D800] =	vst v63  }
0x1ff: {  	_ = 	snop  }
0x200: {  	[spmem:s3] =	stream.indirect.scatter.add.f32 [tilespmem:s18], [sflag:$0x2], $0x80, s1, s17, $0xb8;
	[tilespmem:$0x1D800] =	vst v63  }
0x201: {  	v1 =	vld [tilespmem:$0x600];
	_ =	sdelay $0x4  }
0x202: {  	vm12 =	vlt.s32 v1, $0x13C0  }
0x203: {  	(xrf1) =	vunique.msk.u32 vm12, v1;
	_ =	sdelay $0x5  }
0x204: {  	vm13 =	vge.s32 v1, $0x13C0;
	v2 =	vadd.s32 $0xFFFFEC40, v1  }
0x205: {  	(xrf1) =	vunique.msk.u32 vm13, v1;
	v1 =	vsel vm12, v1, v2;
	_ =	sdelay $0x4  }
0x206: {  	v3 =	vld.idx.msk [tilespmem:v1+s22+$0x0], $0xffff;
	_ =	sdelay $0x1  }
0x207: {  	_, v2, vm0 =	vpop (xrf1);
	_ =	sdelay $0x2  }
0x208: {  	v2 =	vadd.s32 v3, v2;
	_ =	sdelay $0x2  }
0x209: {  	[tilespmem:v1+s22+$0x0] =	vst.idx.msk vm0, v2  }
0x20a: {  	_, v2, vm0 =	vpop (xrf1);
	v3 =	vld.idx.msk [tilespmem:v1+s22+$0x0], $0xffff;
	_ =	sdelay $0x3  }
0x20b: {  	v2 =	vshll.u32 v2, $0x10  }
0x20c: {  	v2 =	vadd.s32 v3, v2  }
0x20d: {  	[tilespmem:v1+s22+$0x0] =	vst.idx.msk vm0, v2  }
0x20e: {  	v1 =	vld [tilespmem:$0x610];
	_ =	sdelay $0x4  }
0x20f: {  	vm14 =	vlt.s32 v1, $0x13C0  }
0x210: {  	(xrf1) =	vunique.msk.u32 vm14, v1;
	_ =	sdelay $0x5  }
0x211: {  	vm15 =	vge.s32 v1, $0x13C0;
	v2 =	vadd.s32 $0xFFFFEC40, v1  }
0x212: {  	(xrf1) =	vunique.msk.u32 vm15, v1;
	v1 =	vsel vm14, v1, v2;
	_ =	sdelay $0x4  }
0x213: {  	v3 =	vld.idx.msk [tilespmem:v1+s22+$0x0], $0xffff;
	_ =	sdelay $0x1  }
0x214: {  	_, v2, vm0 =	vpop (xrf1);
	_ =	sdelay $0x2  }
0x215: {  	v2 =	vadd.s32 v3, v2;
	_ =	sdelay $0x2  }
0x216: {  	[tilespmem:v1+s22+$0x0] =	vst.idx.msk vm0, v2  }
0x217: {  	_, v2, vm0 =	vpop (xrf1);
	v3 =	vld.idx.msk [tilespmem:v1+s22+$0x0], $0xffff;
	_ =	sdelay $0x3  }
0x218: {  	v2 =	vshll.u32 v2, $0x10  }
0x219: {  	v2 =	vadd.s32 v3, v2  }
0x21a: {  	[tilespmem:v1+s22+$0x0] =	vst.idx.msk vm0, v2  }
0x21b: {  	v1 =	vld [tilespmem:$0x620];
	_ =	sdelay $0x4  }
0x21c: {  	vm4 =	vlt.s32 v1, $0x13C0  }
0x21d: {  	(xrf1) =	vunique.msk.u32 vm4, v1;
	_ =	sdelay $0x5  }
0x21e: {  	vm5 =	vge.s32 v1, $0x13C0;
	v2 =	vadd.s32 $0xFFFFEC40, v1  }
0x21f: {  	(xrf1) =	vunique.msk.u32 vm5, v1;
	v1 =	vsel vm4, v1, v2;
	_ =	sdelay $0x4  }
0x220: {  	v3 =	vld.idx.msk [tilespmem:v1+s22+$0x0], $0xffff;
	_ =	sdelay $0x1  }
0x221: {  	_, v2, vm0 =	vpop (xrf1);
	_ =	sdelay $0x2  }
0x222: {  	v2 =	vadd.s32 v3, v2;
	_ =	sdelay $0x2  }
0x223: {  	[tilespmem:v1+s22+$0x0] =	vst.idx.msk vm0, v2  }
0x224: {  	_, v2, vm0 =	vpop (xrf1);
	v3 =	vld.idx.msk [tilespmem:v1+s22+$0x0], $0xffff;
	_ =	sdelay $0x3  }
0x225: {  	v2 =	vshll.u32 v2, $0x10  }
0x226: {  	v2 =	vadd.s32 v3, v2  }
0x227: {  	[tilespmem:v1+s22+$0x0] =	vst.idx.msk vm0, v2  }
0x228: {  	v1 =	vld [tilespmem:$0x630];
	_ =	sdelay $0x4  }
0x229: {  	vm6 =	vlt.s32 v1, $0x13C0  }
0x22a: {  	(xrf1) =	vunique.msk.u32 vm6, v1;
	_ =	sdelay $0x5  }
0x22b: {  	vm7 =	vge.s32 v1, $0x13C0;
	v2 =	vadd.s32 $0xFFFFEC40, v1  }
0x22c: {  	(xrf1) =	vunique.msk.u32 vm7, v1;
	v1 =	vsel vm6, v1, v2;
	_ =	sdelay $0x4  }
0x22d: {  	v3 =	vld.idx.msk [tilespmem:v1+s22+$0x0], $0xffff;
	_ =	sdelay $0x1  }
0x22e: {  	_, v2, vm0 =	vpop (xrf1);
	_ =	sdelay $0x2  }
0x22f: {  	v2 =	vadd.s32 v3, v2;
	_ =	sdelay $0x2  }
0x230: {  	[tilespmem:v1+s22+$0x0] =	vst.idx.msk vm0, v2  }
0x231: {  	_, v2, vm0 =	vpop (xrf1);
	v3 =	vld.idx.msk [tilespmem:v1+s22+$0x0], $0xffff;
	_ =	sdelay $0x3  }
0x232: {  	v2 =	vshll.u32 v2, $0x10  }
0x233: {  	v2 =	vadd.s32 v3, v2  }
0x234: {  	[tilespmem:v1+s22+$0x0] =	vst.idx.msk vm0, v2  }
0x235: {  	v1 =	vld [tilespmem:$0x640];
	_ =	sdelay $0x4  }
0x236: {  	vm8 =	vlt.s32 v1, $0x13C0  }
0x237: {  	(xrf1) =	vunique.msk.u32 vm8, v1;
	_ =	sdelay $0x5  }
0x238: {  	vm9 =	vge.s32 v1, $0x13C0;
	v2 =	vadd.s32 $0xFFFFEC40, v1  }
0x239: {  	(xrf1) =	vunique.msk.u32 vm9, v1;
	v1 =	vsel vm8, v1, v2;
	_ =	sdelay $0x4  }
0x23a: {  	v3 =	vld.idx.msk [tilespmem:v1+s22+$0x0], $0xffff;
	_ =	sdelay $0x1  }
0x23b: {  	_, v2, vm0 =	vpop (xrf1);
	_ =	sdelay $0x2  }
0x23c: {  	v2 =	vadd.s32 v3, v2;
	_ =	sdelay $0x2  }
0x23d: {  	[tilespmem:v1+s22+$0x0] =	vst.idx.msk vm0, v2  }
0x23e: {  	_, v2, vm0 =	vpop (xrf1);
	v3 =	vld.idx.msk [tilespmem:v1+s22+$0x0], $0xffff;
	_ =	sdelay $0x3  }
0x23f: {  	v2 =	vshll.u32 v2, $0x10  }
0x240: {  	v2 =	vadd.s32 v3, v2  }
0x241: {  	[tilespmem:v1+s22+$0x0] =	vst.idx.msk vm0, v2  }
0x242: {  	v1 =	vld [tilespmem:$0x650];
	_ =	sdelay $0x4  }
0x243: {  	vm10 =	vlt.s32 v1, $0x13C0  }
0x244: {  	(xrf1) =	vunique.msk.u32 vm10, v1;
	_ =	sdelay $0x5  }
0x245: {  	vm11 =	vge.s32 v1, $0x13C0;
	v2 =	vadd.s32 $0xFFFFEC40, v1  }
0x246: {  	(xrf1) =	vunique.msk.u32 vm11, v1;
	v1 =	vsel vm10, v1, v2;
	_ =	sdelay $0x4  }
0x247: {  	v3 =	vld.idx.msk [tilespmem:v1+s22+$0x0], $0xffff;
	_ =	sdelay $0x1  }
0x248: {  	_, v2, vm0 =	vpop (xrf1);
	_ =	sdelay $0x2  }
0x249: {  	v2 =	vadd.s32 v3, v2;
	_ =	sdelay $0x2  }
0x24a: {  	[tilespmem:v1+s22+$0x0] =	vst.idx.msk vm0, v2  }
0x24b: {  	_, v2, vm0 =	vpop (xrf1);
	v3 =	vld.idx.msk [tilespmem:v1+s22+$0x0], $0xffff;
	_ =	sdelay $0x3  }
0x24c: {  	v2 =	vshll.u32 v2, $0x10  }
0x24d: {  	v2 =	vadd.s32 v3, v2  }
0x24e: {  	[tilespmem:v1+s22+$0x0] =	vst.idx.msk vm0, v2  }
0x24f: {  	v1 =	vld [tilespmem:$0x660];
	_ =	sdelay $0x4  }
0x250: {  	vm12 =	vlt.s32 v1, $0x13C0  }
0x251: {  	(xrf1) =	vunique.msk.u32 vm12, v1;
	_ =	sdelay $0x5  }
0x252: {  	vm13 =	vge.s32 v1, $0x13C0;
	v2 =	vadd.s32 $0xFFFFEC40, v1  }
0x253: {  	(xrf1) =	vunique.msk.u32 vm13, v1;
	v1 =	vsel vm12, v1, v2;
	_ =	sdelay $0x4  }
0x254: {  	v3 =	vld.idx.msk [tilespmem:v1+s22+$0x0], $0xffff;
	_ =	sdelay $0x1  }
0x255: {  	_, v2, vm0 =	vpop (xrf1);
	_ =	sdelay $0x2  }
0x256: {  	v2 =	vadd.s32 v3, v2;
	_ =	sdelay $0x2  }
0x257: {  	[tilespmem:v1+s22+$0x0] =	vst.idx.msk vm0, v2  }
0x258: {  	_, v2, vm0 =	vpop (xrf1);
	v3 =	vld.idx.msk [tilespmem:v1+s22+$0x0], $0xffff;
	_ =	sdelay $0x3  }
0x259: {  	v2 =	vshll.u32 v2, $0x10  }
0x25a: {  	v2 =	vadd.s32 v3, v2  }
0x25b: {  	[tilespmem:v1+s22+$0x0] =	vst.idx.msk vm0, v2  }
0x25c: {  	v1 =	vld [tilespmem:$0x670];
	_ =	sdelay $0x4  }
0x25d: {  	vm14 =	vlt.s32 v1, $0x13C0  }
0x25e: {  	(xrf1) =	vunique.msk.u32 vm14, v1;
	_ =	sdelay $0x5  }
0x25f: {  	vm15 =	vge.s32 v1, $0x13C0;
	v2 =	vadd.s32 $0xFFFFEC40, v1  }
0x260: {  	(xrf1) =	vunique.msk.u32 vm15, v1;
	v1 =	vsel vm14, v1, v2;
	_ =	sdelay $0x4  }
0x261: {  	v3 =	vld.idx.msk [tilespmem:v1+s22+$0x0], $0xffff;
	_ =	sdelay $0x1  }
0x262: {  	_, v2, vm0 =	vpop (xrf1);
	_ =	sdelay $0x2  }
0x263: {  	v2 =	vadd.s32 v3, v2;
	_ =	sdelay $0x2  }
0x264: {  	[tilespmem:v1+s22+$0x0] =	vst.idx.msk vm0, v2  }
0x265: {  	_, v2, vm0 =	vpop (xrf1);
	v3 =	vld.idx.msk [tilespmem:v1+s22+$0x0], $0xffff;
	_ =	sdelay $0x3  }
0x266: {  	v2 =	vshll.u32 v2, $0x10  }
0x267: {  	v2 =	vadd.s32 v3, v2  }
0x268: {  	[tilespmem:v1+s22+$0x0] =	vst.idx.msk vm0, v2  }
0x269: {  	_ =	swait.ge [sflag:s20], $0x4000  }
0x26a: {  	[sflag:s20] =	ssyncset.done $0x0  }
0x26b: {  	[sflag:s20] =	ssyncadd.s32 $0xFFFFC000  }
0x26c: {  	_ =	swait.ge [sflag:s23], $0x4000  }
0x26d: {  	[sflag:s23] =	ssyncset.done $0x0  }
0x26e: {  	[sflag:s23] =	ssyncadd.s32 $0xFFFFC000  }
0x26f: {  	[tilespmem:s18], [sflag:$0x1] =	stream.indirect.gather [hbm4b:s0+s17], $0x80, s2, s17, $0xb8;
	[tilespmem:$0x1D800] =	vst v63  }
0x270: {  	_ = 	snop  }
0x271: {  	[spmem:s3] =	stream.indirect.scatter.add.f32 [tilespmem:s21], [sflag:$0x2], $0x80, s5, s17, $0xb8;
	[tilespmem:$0x1D800] =	vst v63  }
0x272: {  	v1 =	vld [tilespmem:$0x680];
	_ =	sdelay $0x4  }
0x273: {  	vm4 =	vlt.s32 v1, $0x13C0  }
0x274: {  	(xrf1) =	vunique.msk.u32 vm4, v1;
	_ =	sdelay $0x5  }
0x275: {  	vm5 =	vge.s32 v1, $0x13C0;
	v2 =	vadd.s32 $0xFFFFEC40, v1  }
0x276: {  	(xrf1) =	vunique.msk.u32 vm5, v1;
	v1 =	vsel vm4, v1, v2;
	_ =	sdelay $0x4  }
0x277: {  	v3 =	vld.idx.msk [tilespmem:v1+s22+$0x0], $0xffff;
	_ =	sdelay $0x1  }
0x278: {  	_, v2, vm0 =	vpop (xrf1);
	_ =	sdelay $0x2  }
0x279: {  	v2 =	vadd.s32 v3, v2;
	_ =	sdelay $0x2  }
0x27a: {  	[tilespmem:v1+s22+$0x0] =	vst.idx.msk vm0, v2  }
0x27b: {  	_, v2, vm0 =	vpop (xrf1);
	v3 =	vld.idx.msk [tilespmem:v1+s22+$0x0], $0xffff;
	_ =	sdelay $0x3  }
0x27c: {  	v2 =	vshll.u32 v2, $0x10  }
0x27d: {  	v2 =	vadd.s32 v3, v2  }
0x27e: {  	[tilespmem:v1+s22+$0x0] =	vst.idx.msk vm0, v2  }
0x27f: {  	v1 =	vld [tilespmem:$0x690];
	_ =	sdelay $0x4  }
0x280: {  	vm6 =	vlt.s32 v1, $0x13C0  }
0x281: {  	(xrf1) =	vunique.msk.u32 vm6, v1;
	_ =	sdelay $0x5  }
0x282: {  	vm7 =	vge.s32 v1, $0x13C0;
	v2 =	vadd.s32 $0xFFFFEC40, v1  }
0x283: {  	(xrf1) =	vunique.msk.u32 vm7, v1;
	v1 =	vsel vm6, v1, v2;
	_ =	sdelay $0x4  }
0x284: {  	v3 =	vld.idx.msk [tilespmem:v1+s22+$0x0], $0xffff;
	_ =	sdelay $0x1  }
0x285: {  	_, v2, vm0 =	vpop (xrf1);
	_ =	sdelay $0x2  }
0x286: {  	v2 =	vadd.s32 v3, v2;
	_ =	sdelay $0x2  }
0x287: {  	[tilespmem:v1+s22+$0x0] =	vst.idx.msk vm0, v2  }
0x288: {  	_, v2, vm0 =	vpop (xrf1);
	v3 =	vld.idx.msk [tilespmem:v1+s22+$0x0], $0xffff;
	_ =	sdelay $0x3  }
0x289: {  	v2 =	vshll.u32 v2, $0x10  }
0x28a: {  	v2 =	vadd.s32 v3, v2  }
0x28b: {  	[tilespmem:v1+s22+$0x0] =	vst.idx.msk vm0, v2  }
0x28c: {  	v1 =	vld [tilespmem:$0x6A0];
	_ =	sdelay $0x4  }
0x28d: {  	vm8 =	vlt.s32 v1, $0x13C0  }
0x28e: {  	(xrf1) =	vunique.msk.u32 vm8, v1;
	_ =	sdelay $0x5  }
0x28f: {  	vm9 =	vge.s32 v1, $0x13C0;
	v2 =	vadd.s32 $0xFFFFEC40, v1  }
0x290: {  	(xrf1) =	vunique.msk.u32 vm9, v1;
	v1 =	vsel vm8, v1, v2;
	_ =	sdelay $0x4  }
0x291: {  	v3 =	vld.idx.msk [tilespmem:v1+s22+$0x0], $0xffff;
	_ =	sdelay $0x1  }
0x292: {  	_, v2, vm0 =	vpop (xrf1);
	_ =	sdelay $0x2  }
0x293: {  	v2 =	vadd.s32 v3, v2;
	_ =	sdelay $0x2  }
0x294: {  	[tilespmem:v1+s22+$0x0] =	vst.idx.msk vm0, v2  }
0x295: {  	_, v2, vm0 =	vpop (xrf1);
	v3 =	vld.idx.msk [tilespmem:v1+s22+$0x0], $0xffff;
	_ =	sdelay $0x3  }
0x296: {  	v2 =	vshll.u32 v2, $0x10  }
0x297: {  	v2 =	vadd.s32 v3, v2  }
0x298: {  	[tilespmem:v1+s22+$0x0] =	vst.idx.msk vm0, v2  }
0x299: {  	v1 =	vld [tilespmem:$0x6B0];
	_ =	sdelay $0x4  }
0x29a: {  	vm10 =	vlt.s32 v1, $0x13C0  }
0x29b: {  	(xrf1) =	vunique.msk.u32 vm10, v1;
	_ =	sdelay $0x5  }
0x29c: {  	vm11 =	vge.s32 v1, $0x13C0;
	v2 =	vadd.s32 $0xFFFFEC40, v1  }
0x29d: {  	(xrf1) =	vunique.msk.u32 vm11, v1;
	v1 =	vsel vm10, v1, v2;
	_ =	sdelay $0x4  }
0x29e: {  	v3 =	vld.idx.msk [tilespmem:v1+s22+$0x0], $0xffff;
	_ =	sdelay $0x1  }
0x29f: {  	_, v2, vm0 =	vpop (xrf1);
	_ =	sdelay $0x2  }
0x2a0: {  	v2 =	vadd.s32 v3, v2;
	_ =	sdelay $0x2  }
0x2a1: {  	[tilespmem:v1+s22+$0x0] =	vst.idx.msk vm0, v2  }
0x2a2: {  	_, v2, vm0 =	vpop (xrf1);
	v3 =	vld.idx.msk [tilespmem:v1+s22+$0x0], $0xffff;
	_ =	sdelay $0x3  }
0x2a3: {  	v2 =	vshll.u32 v2, $0x10  }
0x2a4: {  	v2 =	vadd.s32 v3, v2  }
0x2a5: {  	[tilespmem:v1+s22+$0x0] =	vst.idx.msk vm0, v2  }
0x2a6: {  	v1 =	vld [tilespmem:$0x6C0];
	_ =	sdelay $0x4  }
0x2a7: {  	vm12 =	vlt.s32 v1, $0x13C0  }
0x2a8: {  	(xrf1) =	vunique.msk.u32 vm12, v1;
	_ =	sdelay $0x5  }
0x2a9: {  	vm13 =	vge.s32 v1, $0x13C0;
	v2 =	vadd.s32 $0xFFFFEC40, v1  }
0x2aa: {  	(xrf1) =	vunique.msk.u32 vm13, v1;
	v1 =	vsel vm12, v1, v2;
	_ =	sdelay $0x4  }
0x2ab: {  	v3 =	vld.idx.msk [tilespmem:v1+s22+$0x0], $0xffff;
	_ =	sdelay $0x1  }
0x2ac: {  	_, v2, vm0 =	vpop (xrf1);
	_ =	sdelay $0x2  }
0x2ad: {  	v2 =	vadd.s32 v3, v2;
	_ =	sdelay $0x2  }
0x2ae: {  	[tilespmem:v1+s22+$0x0] =	vst.idx.msk vm0, v2  }
0x2af: {  	_, v2, vm0 =	vpop (xrf1);
	v3 =	vld.idx.msk [tilespmem:v1+s22+$0x0], $0xffff;
	_ =	sdelay $0x3  }
0x2b0: {  	v2 =	vshll.u32 v2, $0x10  }
0x2b1: {  	v2 =	vadd.s32 v3, v2  }
0x2b2: {  	[tilespmem:v1+s22+$0x0] =	vst.idx.msk vm0, v2  }
0x2b3: {  	v1 =	vld [tilespmem:$0x6D0];
	_ =	sdelay $0x4  }
0x2b4: {  	vm14 =	vlt.s32 v1, $0x13C0  }
0x2b5: {  	(xrf1) =	vunique.msk.u32 vm14, v1;
	_ =	sdelay $0x5  }
0x2b6: {  	vm15 =	vge.s32 v1, $0x13C0;
	v2 =	vadd.s32 $0xFFFFEC40, v1  }
0x2b7: {  	(xrf1) =	vunique.msk.u32 vm15, v1;
	v1 =	vsel vm14, v1, v2;
	_ =	sdelay $0x4  }
0x2b8: {  	v3 =	vld.idx.msk [tilespmem:v1+s22+$0x0], $0xffff;
	_ =	sdelay $0x1  }
0x2b9: {  	_, v2, vm0 =	vpop (xrf1);
	_ =	sdelay $0x2  }
0x2ba: {  	v2 =	vadd.s32 v3, v2;
	_ =	sdelay $0x2  }
0x2bb: {  	[tilespmem:v1+s22+$0x0] =	vst.idx.msk vm0, v2  }
0x2bc: {  	_, v2, vm0 =	vpop (xrf1);
	v3 =	vld.idx.msk [tilespmem:v1+s22+$0x0], $0xffff;
	_ =	sdelay $0x3  }
0x2bd: {  	v2 =	vshll.u32 v2, $0x10  }
0x2be: {  	v2 =	vadd.s32 v3, v2  }
0x2bf: {  	[tilespmem:v1+s22+$0x0] =	vst.idx.msk vm0, v2  }
0x2c0: {  	v1 =	vld [tilespmem:$0x6E0];
	_ =	sdelay $0x4  }
0x2c1: {  	vm4 =	vlt.s32 v1, $0x13C0  }
0x2c2: {  	(xrf1) =	vunique.msk.u32 vm4, v1;
	_ =	sdelay $0x5  }
0x2c3: {  	vm5 =	vge.s32 v1, $0x13C0;
	v2 =	vadd.s32 $0xFFFFEC40, v1  }
0x2c4: {  	(xrf1) =	vunique.msk.u32 vm5, v1;
	v1 =	vsel vm4, v1, v2;
	_ =	sdelay $0x4  }
0x2c5: {  	v3 =	vld.idx.msk [tilespmem:v1+s22+$0x0], $0xffff;
	_ =	sdelay $0x1  }
0x2c6: {  	_, v2, vm0 =	vpop (xrf1);
	_ =	sdelay $0x2  }
0x2c7: {  	v2 =	vadd.s32 v3, v2;
	_ =	sdelay $0x2  }
0x2c8: {  	[tilespmem:v1+s22+$0x0] =	vst.idx.msk vm0, v2  }
0x2c9: {  	_, v2, vm0 =	vpop (xrf1);
	v3 =	vld.idx.msk [tilespmem:v1+s22+$0x0], $0xffff;
	_ =	sdelay $0x3  }
0x2ca: {  	v2 =	vshll.u32 v2, $0x10  }
0x2cb: {  	v2 =	vadd.s32 v3, v2  }
0x2cc: {  	[tilespmem:v1+s22+$0x0] =	vst.idx.msk vm0, v2  }
0x2cd: {  	v1 =	vld [tilespmem:$0x6F0];
	_ =	sdelay $0x4  }
0x2ce: {  	vm6 =	vlt.s32 v1, $0x13C0  }
0x2cf: {  	(xrf1) =	vunique.msk.u32 vm6, v1;
	_ =	sdelay $0x5  }
0x2d0: {  	vm7 =	vge.s32 v1, $0x13C0;
	v2 =	vadd.s32 $0xFFFFEC40, v1  }
0x2d1: {  	(xrf1) =	vunique.msk.u32 vm7, v1;
	v1 =	vsel vm6, v1, v2;
	_ =	sdelay $0x4  }
0x2d2: {  	v3 =	vld.idx.msk [tilespmem:v1+s22+$0x0], $0xffff;
	_ =	sdelay $0x1  }
0x2d3: {  	_, v2, vm0 =	vpop (xrf1);
	_ =	sdelay $0x2  }
0x2d4: {  	v2 =	vadd.s32 v3, v2;
	_ =	sdelay $0x2  }
0x2d5: {  	[tilespmem:v1+s22+$0x0] =	vst.idx.msk vm0, v2  }
0x2d6: {  	_, v2, vm0 =	vpop (xrf1);
	v3 =	vld.idx.msk [tilespmem:v1+s22+$0x0], $0xffff;
	_ =	sdelay $0x3  }
0x2d7: {  	v2 =	vshll.u32 v2, $0x10  }
0x2d8: {  	v2 =	vadd.s32 v3, v2  }
0x2d9: {  	[tilespmem:v1+s22+$0x0] =	vst.idx.msk vm0, v2  }
0x2da: {  	_ =	swait.ge [sflag:s20], $0x4000  }
0x2db: {  	[sflag:s20] =	ssyncset.done $0x0  }
0x2dc: {  	[sflag:s20] =	ssyncadd.s32 $0xFFFFC000  }
0x2dd: {  	_ =	swait.ge [sflag:s23], $0x4000  }
0x2de: {  	[sflag:s23] =	ssyncset.done $0x0  }
0x2df: {  	[sflag:s23] =	ssyncadd.s32 $0xFFFFC000  }
0x2e0: {  	[tilespmem:s21], [sflag:$0x1] =	stream.indirect.gather [hbm4b:s0+s17], $0x80, s8, s17, $0xb8;
	[tilespmem:$0x1D800] =	vst v63  }
0x2e1: {  	_ = 	snop  }
0x2e2: {  	[spmem:s3] =	stream.indirect.scatter.add.f32 [tilespmem:s18], [sflag:$0x2], $0x80, s9, s17, $0xb8;
	[tilespmem:$0x1D800] =	vst v63  }
0x2e3: {  	v1 =	vld [tilespmem:$0x700];
	_ =	sdelay $0x4  }
0x2e4: {  	vm8 =	vlt.s32 v1, $0x13C0  }
0x2e5: {  	(xrf1) =	vunique.msk.u32 vm8, v1;
	_ =	sdelay $0x5  }
0x2e6: {  	vm9 =	vge.s32 v1, $0x13C0;
	v2 =	vadd.s32 $0xFFFFEC40, v1  }
0x2e7: {  	(xrf1) =	vunique.msk.u32 vm9, v1;
	v1 =	vsel vm8, v1, v2;
	_ =	sdelay $0x4  }
0x2e8: {  	v3 =	vld.idx.msk [tilespmem:v1+s22+$0x0], $0xffff;
	_ =	sdelay $0x1  }
0x2e9: {  	_, v2, vm0 =	vpop (xrf1);
	_ =	sdelay $0x2  }
0x2ea: {  	v2 =	vadd.s32 v3, v2;
	_ =	sdelay $0x2  }
0x2eb: {  	[tilespmem:v1+s22+$0x0] =	vst.idx.msk vm0, v2  }
0x2ec: {  	_, v2, vm0 =	vpop (xrf1);
	v3 =	vld.idx.msk [tilespmem:v1+s22+$0x0], $0xffff;
	_ =	sdelay $0x3  }
0x2ed: {  	v2 =	vshll.u32 v2, $0x10  }
0x2ee: {  	v2 =	vadd.s32 v3, v2  }
0x2ef: {  	[tilespmem:v1+s22+$0x0] =	vst.idx.msk vm0, v2  }
0x2f0: {  	v1 =	vld [tilespmem:$0x710];
	_ =	sdelay $0x4  }
0x2f1: {  	vm10 =	vlt.s32 v1, $0x13C0  }
0x2f2: {  	(xrf1) =	vunique.msk.u32 vm10, v1;
	_ =	sdelay $0x5  }
0x2f3: {  	vm11 =	vge.s32 v1, $0x13C0;
	v2 =	vadd.s32 $0xFFFFEC40, v1  }
0x2f4: {  	(xrf1) =	vunique.msk.u32 vm11, v1;
	v1 =	vsel vm10, v1, v2;
	_ =	sdelay $0x4  }
0x2f5: {  	v3 =	vld.idx.msk [tilespmem:v1+s22+$0x0], $0xffff;
	_ =	sdelay $0x1  }
0x2f6: {  	_, v2, vm0 =	vpop (xrf1);
	_ =	sdelay $0x2  }
0x2f7: {  	v2 =	vadd.s32 v3, v2;
	_ =	sdelay $0x2  }
0x2f8: {  	[tilespmem:v1+s22+$0x0] =	vst.idx.msk vm0, v2  }
0x2f9: {  	_, v2, vm0 =	vpop (xrf1);
	v3 =	vld.idx.msk [tilespmem:v1+s22+$0x0], $0xffff;
	_ =	sdelay $0x3  }
0x2fa: {  	v2 =	vshll.u32 v2, $0x10  }
0x2fb: {  	v2 =	vadd.s32 v3, v2  }
0x2fc: {  	[tilespmem:v1+s22+$0x0] =	vst.idx.msk vm0, v2  }
0x2fd: {  	v1 =	vld [tilespmem:$0x720];
	_ =	sdelay $0x4  }
0x2fe: {  	vm12 =	vlt.s32 v1, $0x13C0  }
0x2ff: {  	(xrf1) =	vunique.msk.u32 vm12, v1;
	_ =	sdelay $0x5  }
0x300: {  	vm13 =	vge.s32 v1, $0x13C0;
	v2 =	vadd.s32 $0xFFFFEC40, v1  }
0x301: {  	(xrf1) =	vunique.msk.u32 vm13, v1;
	v1 =	vsel vm12, v1, v2;
	_ =	sdelay $0x4  }
0x302: {  	v3 =	vld.idx.msk [tilespmem:v1+s22+$0x0], $0xffff;
	_ =	sdelay $0x1  }
0x303: {  	_, v2, vm0 =	vpop (xrf1);
	_ =	sdelay $0x2  }
0x304: {  	v2 =	vadd.s32 v3, v2;
	_ =	sdelay $0x2  }
0x305: {  	[tilespmem:v1+s22+$0x0] =	vst.idx.msk vm0, v2  }
0x306: {  	_, v2, vm0 =	vpop (xrf1);
	v3 =	vld.idx.msk [tilespmem:v1+s22+$0x0], $0xffff;
	_ =	sdelay $0x3  }
0x307: {  	v2 =	vshll.u32 v2, $0x10  }
0x308: {  	v2 =	vadd.s32 v3, v2  }
0x309: {  	[tilespmem:v1+s22+$0x0] =	vst.idx.msk vm0, v2  }
0x30a: {  	v1 =	vld [tilespmem:$0x730];
	_ =	sdelay $0x4  }
0x30b: {  	vm14 =	vlt.s32 v1, $0x13C0  }
0x30c: {  	(xrf1) =	vunique.msk.u32 vm14, v1;
	_ =	sdelay $0x5  }
0x30d: {  	vm15 =	vge.s32 v1, $0x13C0;
	v2 =	vadd.s32 $0xFFFFEC40, v1  }
0x30e: {  	(xrf1) =	vunique.msk.u32 vm15, v1;
	v1 =	vsel vm14, v1, v2;
	_ =	sdelay $0x4  }
0x30f: {  	v3 =	vld.idx.msk [tilespmem:v1+s22+$0x0], $0xffff;
	_ =	sdelay $0x1  }
0x310: {  	_, v2, vm0 =	vpop (xrf1);
	_ =	sdelay $0x2  }
0x311: {  	v2 =	vadd.s32 v3, v2;
	_ =	sdelay $0x2  }
0x312: {  	[tilespmem:v1+s22+$0x0] =	vst.idx.msk vm0, v2  }
0x313: {  	_, v2, vm0 =	vpop (xrf1);
	v3 =	vld.idx.msk [tilespmem:v1+s22+$0x0], $0xffff;
	_ =	sdelay $0x3  }
0x314: {  	v2 =	vshll.u32 v2, $0x10  }
0x315: {  	v2 =	vadd.s32 v3, v2  }
0x316: {  	[tilespmem:v1+s22+$0x0] =	vst.idx.msk vm0, v2  }
0x317: {  	v1 =	vld [tilespmem:$0x740];
	_ =	sdelay $0x4  }
0x318: {  	vm4 =	vlt.s32 v1, $0x13C0  }
0x319: {  	(xrf1) =	vunique.msk.u32 vm4, v1;
	_ =	sdelay $0x5  }
0x31a: {  	vm5 =	vge.s32 v1, $0x13C0;
	v2 =	vadd.s32 $0xFFFFEC40, v1  }
0x31b: {  	(xrf1) =	vunique.msk.u32 vm5, v1;
	v1 =	vsel vm4, v1, v2;
	_ =	sdelay $0x4  }
0x31c: {  	v3 =	vld.idx.msk [tilespmem:v1+s22+$0x0], $0xffff;
	_ =	sdelay $0x1  }
0x31d: {  	_, v2, vm0 =	vpop (xrf1);
	_ =	sdelay $0x2  }
0x31e: {  	v2 =	vadd.s32 v3, v2;
	_ =	sdelay $0x2  }
0x31f: {  	[tilespmem:v1+s22+$0x0] =	vst.idx.msk vm0, v2  }
0x320: {  	_, v2, vm0 =	vpop (xrf1);
	v3 =	vld.idx.msk [tilespmem:v1+s22+$0x0], $0xffff;
	_ =	sdelay $0x3  }
0x321: {  	v2 =	vshll.u32 v2, $0x10  }
0x322: {  	v2 =	vadd.s32 v3, v2  }
0x323: {  	[tilespmem:v1+s22+$0x0] =	vst.idx.msk vm0, v2  }
0x324: {  	v1 =	vld [tilespmem:$0x750];
	_ =	sdelay $0x4  }
0x325: {  	vm6 =	vlt.s32 v1, $0x13C0  }
0x326: {  	(xrf1) =	vunique.msk.u32 vm6, v1;
	_ =	sdelay $0x5  }
0x327: {  	vm7 =	vge.s32 v1, $0x13C0;
	v2 =	vadd.s32 $0xFFFFEC40, v1  }
0x328: {  	(xrf1) =	vunique.msk.u32 vm7, v1;
	v1 =	vsel vm6, v1, v2;
	_ =	sdelay $0x4  }
0x329: {  	v3 =	vld.idx.msk [tilespmem:v1+s22+$0x0], $0xffff;
	_ =	sdelay $0x1  }
0x32a: {  	_, v2, vm0 =	vpop (xrf1);
	_ =	sdelay $0x2  }
0x32b: {  	v2 =	vadd.s32 v3, v2;
	_ =	sdelay $0x2  }
0x32c: {  	[tilespmem:v1+s22+$0x0] =	vst.idx.msk vm0, v2  }
0x32d: {  	_, v2, vm0 =	vpop (xrf1);
	v3 =	vld.idx.msk [tilespmem:v1+s22+$0x0], $0xffff;
	_ =	sdelay $0x3  }
0x32e: {  	v2 =	vshll.u32 v2, $0x10  }
0x32f: {  	v2 =	vadd.s32 v3, v2  }
0x330: {  	[tilespmem:v1+s22+$0x0] =	vst.idx.msk vm0, v2  }
0x331: {  	v1 =	vld [tilespmem:$0x760];
	_ =	sdelay $0x4  }
0x332: {  	vm8 =	vlt.s32 v1, $0x13C0  }
0x333: {  	(xrf1) =	vunique.msk.u32 vm8, v1;
	_ =	sdelay $0x5  }
0x334: {  	vm9 =	vge.s32 v1, $0x13C0;
	v2 =	vadd.s32 $0xFFFFEC40, v1  }
0x335: {  	(xrf1) =	vunique.msk.u32 vm9, v1;
	v1 =	vsel vm8, v1, v2;
	_ =	sdelay $0x4  }
0x336: {  	v3 =	vld.idx.msk [tilespmem:v1+s22+$0x0], $0xffff;
	_ =	sdelay $0x1  }
0x337: {  	_, v2, vm0 =	vpop (xrf1);
	_ =	sdelay $0x2  }
0x338: {  	v2 =	vadd.s32 v3, v2;
	_ =	sdelay $0x2  }
0x339: {  	[tilespmem:v1+s22+$0x0] =	vst.idx.msk vm0, v2  }
0x33a: {  	_, v2, vm0 =	vpop (xrf1);
	v3 =	vld.idx.msk [tilespmem:v1+s22+$0x0], $0xffff;
	_ =	sdelay $0x3  }
0x33b: {  	v2 =	vshll.u32 v2, $0x10  }
0x33c: {  	v2 =	vadd.s32 v3, v2  }
0x33d: {  	[tilespmem:v1+s22+$0x0] =	vst.idx.msk vm0, v2  }
0x33e: {  	v1 =	vld [tilespmem:$0x770];
	_ =	sdelay $0x4  }
0x33f: {  	vm10 =	vlt.s32 v1, $0x13C0  }
0x340: {  	(xrf1) =	vunique.msk.u32 vm10, v1;
	_ =	sdelay $0x5  }
0x341: {  	vm11 =	vge.s32 v1, $0x13C0;
	v2 =	vadd.s32 $0xFFFFEC40, v1  }
0x342: {  	(xrf1) =	vunique.msk.u32 vm11, v1;
	v1 =	vsel vm10, v1, v2;
	_ =	sdelay $0x4  }
0x343: {  	v3 =	vld.idx.msk [tilespmem:v1+s22+$0x0], $0xffff;
	_ =	sdelay $0x1  }
0x344: {  	_, v2, vm0 =	vpop (xrf1);
	_ =	sdelay $0x2  }
0x345: {  	v2 =	vadd.s32 v3, v2;
	_ =	sdelay $0x2  }
0x346: {  	[tilespmem:v1+s22+$0x0] =	vst.idx.msk vm0, v2  }
0x347: {  	_, v2, vm0 =	vpop (xrf1);
	v3 =	vld.idx.msk [tilespmem:v1+s22+$0x0], $0xffff;
	_ =	sdelay $0x3  }
0x348: {  	v2 =	vshll.u32 v2, $0x10  }
0x349: {  	v2 =	vadd.s32 v3, v2  }
0x34a: {  	[tilespmem:v1+s22+$0x0] =	vst.idx.msk vm0, v2  }
0x34b: {  	_ =	swait.ge [sflag:s20], $0x4000  }
0x34c: {  	[sflag:s20] =	ssyncset.done $0x0  }
0x34d: {  	[sflag:s20] =	ssyncadd.s32 $0xFFFFC000  }
0x34e: {  	_ =	swait.ge [sflag:s23], $0x4000  }
0x34f: {  	[sflag:s23] =	ssyncset.done $0x0  }
0x350: {  	s6 =	rddreg [dreg:$0x9];
	[sflag:s23] =	ssyncadd.s32 $0xFFFFC000  }
0x351: {  	[tilespmem:s12], [sflag:$0x3] =	stream.linear.gather [hbm4b:s6+s12], $0x400, $0x38;
	[tilespmem:$0x1D800] =	vst v63  }
0x352: {  	_ = 	snop  }
0x353: {  	[spmem:s3] =	stream.indirect.scatter.add.f32 [tilespmem:s21], [sflag:$0x2], $0x80, s10, s17, $0xb8;
	[tilespmem:$0x1D800] =	vst v63  }
0x354: {  	v1 =	vld [tilespmem:$0x780];
	_ =	sdelay $0x4  }
0x355: {  	vm12 =	vlt.s32 v1, $0x13C0  }
0x356: {  	(xrf1) =	vunique.msk.u32 vm12, v1;
	_ =	sdelay $0x5  }
0x357: {  	vm13 =	vge.s32 v1, $0x13C0;
	v2 =	vadd.s32 $0xFFFFEC40, v1  }
0x358: {  	(xrf1) =	vunique.msk.u32 vm13, v1;
	v1 =	vsel vm12, v1, v2;
	_ =	sdelay $0x4  }
0x359: {  	v3 =	vld.idx.msk [tilespmem:v1+s22+$0x0], $0xffff;
	_ =	sdelay $0x1  }
0x35a: {  	_, v2, vm0 =	vpop (xrf1);
	_ =	sdelay $0x2  }
0x35b: {  	v2 =	vadd.s32 v3, v2;
	_ =	sdelay $0x2  }
0x35c: {  	[tilespmem:v1+s22+$0x0] =	vst.idx.msk vm0, v2  }
0x35d: {  	_, v2, vm0 =	vpop (xrf1);
	v3 =	vld.idx.msk [tilespmem:v1+s22+$0x0], $0xffff;
	_ =	sdelay $0x3  }
0x35e: {  	v2 =	vshll.u32 v2, $0x10  }
0x35f: {  	v2 =	vadd.s32 v3, v2  }
0x360: {  	[tilespmem:v1+s22+$0x0] =	vst.idx.msk vm0, v2  }
0x361: {  	v1 =	vld [tilespmem:$0x790];
	_ =	sdelay $0x4  }
0x362: {  	vm14 =	vlt.s32 v1, $0x13C0  }
0x363: {  	(xrf1) =	vunique.msk.u32 vm14, v1;
	_ =	sdelay $0x5  }
0x364: {  	vm15 =	vge.s32 v1, $0x13C0;
	v2 =	vadd.s32 $0xFFFFEC40, v1  }
0x365: {  	(xrf1) =	vunique.msk.u32 vm15, v1;
	v1 =	vsel vm14, v1, v2;
	_ =	sdelay $0x4  }
0x366: {  	v3 =	vld.idx.msk [tilespmem:v1+s22+$0x0], $0xffff;
	_ =	sdelay $0x1  }
0x367: {  	_, v2, vm0 =	vpop (xrf1);
	_ =	sdelay $0x2  }
0x368: {  	v2 =	vadd.s32 v3, v2;
	_ =	sdelay $0x2  }
0x369: {  	[tilespmem:v1+s22+$0x0] =	vst.idx.msk vm0, v2  }
0x36a: {  	_, v2, vm0 =	vpop (xrf1);
	v3 =	vld.idx.msk [tilespmem:v1+s22+$0x0], $0xffff;
	_ =	sdelay $0x3  }
0x36b: {  	v2 =	vshll.u32 v2, $0x10  }
0x36c: {  	v2 =	vadd.s32 v3, v2  }
0x36d: {  	[tilespmem:v1+s22+$0x0] =	vst.idx.msk vm0, v2  }
0x36e: {  	v1 =	vld [tilespmem:$0x7A0];
	_ =	sdelay $0x4  }
0x36f: {  	vm4 =	vlt.s32 v1, $0x13C0  }
0x370: {  	(xrf1) =	vunique.msk.u32 vm4, v1;
	_ =	sdelay $0x5  }
0x371: {  	vm5 =	vge.s32 v1, $0x13C0;
	v2 =	vadd.s32 $0xFFFFEC40, v1  }
0x372: {  	(xrf1) =	vunique.msk.u32 vm5, v1;
	v1 =	vsel vm4, v1, v2;
	_ =	sdelay $0x4  }
0x373: {  	v3 =	vld.idx.msk [tilespmem:v1+s22+$0x0], $0xffff;
	_ =	sdelay $0x1  }
0x374: {  	_, v2, vm0 =	vpop (xrf1);
	_ =	sdelay $0x2  }
0x375: {  	v2 =	vadd.s32 v3, v2;
	_ =	sdelay $0x2  }
0x376: {  	[tilespmem:v1+s22+$0x0] =	vst.idx.msk vm0, v2  }
0x377: {  	_, v2, vm0 =	vpop (xrf1);
	v3 =	vld.idx.msk [tilespmem:v1+s22+$0x0], $0xffff;
	_ =	sdelay $0x3  }
0x378: {  	v2 =	vshll.u32 v2, $0x10  }
0x379: {  	v2 =	vadd.s32 v3, v2  }
0x37a: {  	[tilespmem:v1+s22+$0x0] =	vst.idx.msk vm0, v2  }
0x37b: {  	v1 =	vld [tilespmem:$0x7B0];
	_ =	sdelay $0x4  }
0x37c: {  	vm6 =	vlt.s32 v1, $0x13C0  }
0x37d: {  	(xrf1) =	vunique.msk.u32 vm6, v1;
	_ =	sdelay $0x5  }
0x37e: {  	vm7 =	vge.s32 v1, $0x13C0;
	v2 =	vadd.s32 $0xFFFFEC40, v1  }
0x37f: {  	(xrf1) =	vunique.msk.u32 vm7, v1;
	v1 =	vsel vm6, v1, v2;
	_ =	sdelay $0x4  }
0x380: {  	v3 =	vld.idx.msk [tilespmem:v1+s22+$0x0], $0xffff;
	_ =	sdelay $0x1  }
0x381: {  	_, v2, vm0 =	vpop (xrf1);
	_ =	sdelay $0x2  }
0x382: {  	v2 =	vadd.s32 v3, v2;
	_ =	sdelay $0x2  }
0x383: {  	[tilespmem:v1+s22+$0x0] =	vst.idx.msk vm0, v2  }
0x384: {  	_, v2, vm0 =	vpop (xrf1);
	v3 =	vld.idx.msk [tilespmem:v1+s22+$0x0], $0xffff;
	_ =	sdelay $0x3  }
0x385: {  	v2 =	vshll.u32 v2, $0x10  }
0x386: {  	v2 =	vadd.s32 v3, v2  }
0x387: {  	[tilespmem:v1+s22+$0x0] =	vst.idx.msk vm0, v2  }
0x388: {  	v1 =	vld [tilespmem:$0x7C0];
	_ =	sdelay $0x4  }
0x389: {  	vm8 =	vlt.s32 v1, $0x13C0  }
0x38a: {  	(xrf1) =	vunique.msk.u32 vm8, v1;
	_ =	sdelay $0x5  }
0x38b: {  	vm9 =	vge.s32 v1, $0x13C0;
	v2 =	vadd.s32 $0xFFFFEC40, v1  }
0x38c: {  	(xrf1) =	vunique.msk.u32 vm9, v1;
	v1 =	vsel vm8, v1, v2;
	_ =	sdelay $0x4  }
0x38d: {  	v3 =	vld.idx.msk [tilespmem:v1+s22+$0x0], $0xffff;
	_ =	sdelay $0x1  }
0x38e: {  	_, v2, vm0 =	vpop (xrf1);
	_ =	sdelay $0x2  }
0x38f: {  	v2 =	vadd.s32 v3, v2;
	_ =	sdelay $0x2  }
0x390: {  	[tilespmem:v1+s22+$0x0] =	vst.idx.msk vm0, v2  }
0x391: {  	_, v2, vm0 =	vpop (xrf1);
	v3 =	vld.idx.msk [tilespmem:v1+s22+$0x0], $0xffff;
	_ =	sdelay $0x3  }
0x392: {  	v2 =	vshll.u32 v2, $0x10  }
0x393: {  	v2 =	vadd.s32 v3, v2  }
0x394: {  	[tilespmem:v1+s22+$0x0] =	vst.idx.msk vm0, v2  }
0x395: {  	v1 =	vld [tilespmem:$0x7D0];
	_ =	sdelay $0x4  }
0x396: {  	vm10 =	vlt.s32 v1, $0x13C0  }
0x397: {  	(xrf1) =	vunique.msk.u32 vm10, v1;
	_ =	sdelay $0x5  }
0x398: {  	vm11 =	vge.s32 v1, $0x13C0;
	v2 =	vadd.s32 $0xFFFFEC40, v1  }
0x399: {  	(xrf1) =	vunique.msk.u32 vm11, v1;
	v1 =	vsel vm10, v1, v2;
	_ =	sdelay $0x4  }
0x39a: {  	v3 =	vld.idx.msk [tilespmem:v1+s22+$0x0], $0xffff;
	_ =	sdelay $0x1  }
0x39b: {  	_, v2, vm0 =	vpop (xrf1);
	_ =	sdelay $0x2  }
0x39c: {  	v2 =	vadd.s32 v3, v2;
	_ =	sdelay $0x2  }
0x39d: {  	[tilespmem:v1+s22+$0x0] =	vst.idx.msk vm0, v2  }
0x39e: {  	_, v2, vm0 =	vpop (xrf1);
	v3 =	vld.idx.msk [tilespmem:v1+s22+$0x0], $0xffff;
	_ =	sdelay $0x3  }
0x39f: {  	v2 =	vshll.u32 v2, $0x10  }
0x3a0: {  	v2 =	vadd.s32 v3, v2  }
0x3a1: {  	[tilespmem:v1+s22+$0x0] =	vst.idx.msk vm0, v2  }
0x3a2: {  	v1 =	vld [tilespmem:$0x7E0];
	_ =	sdelay $0x4  }
0x3a3: {  	vm12 =	vlt.s32 v1, $0x13C0  }
0x3a4: {  	(xrf1) =	vunique.msk.u32 vm12, v1;
	_ =	sdelay $0x5  }
0x3a5: {  	vm13 =	vge.s32 v1, $0x13C0;
	v2 =	vadd.s32 $0xFFFFEC40, v1  }
0x3a6: {  	(xrf1) =	vunique.msk.u32 vm13, v1;
	v1 =	vsel vm12, v1, v2;
	_ =	sdelay $0x4  }
0x3a7: {  	v3 =	vld.idx.msk [tilespmem:v1+s22+$0x0], $0xffff;
	_ =	sdelay $0x1  }
0x3a8: {  	_, v2, vm0 =	vpop (xrf1);
	_ =	sdelay $0x2  }
0x3a9: {  	v2 =	vadd.s32 v3, v2;
	_ =	sdelay $0x2  }
0x3aa: {  	[tilespmem:v1+s22+$0x0] =	vst.idx.msk vm0, v2  }
0x3ab: {  	_, v2, vm0 =	vpop (xrf1);
	v3 =	vld.idx.msk [tilespmem:v1+s22+$0x0], $0xffff;
	_ =	sdelay $0x3  }
0x3ac: {  	v2 =	vshll.u32 v2, $0x10  }
0x3ad: {  	v2 =	vadd.s32 v3, v2  }
0x3ae: {  	[tilespmem:v1+s22+$0x0] =	vst.idx.msk vm0, v2  }
0x3af: {  	v1 =	vld [tilespmem:$0x7F0];
	_ =	sdelay $0x4  }
0x3b0: {  	vm14 =	vlt.s32 v1, $0x13C0  }
0x3b1: {  	(xrf1) =	vunique.msk.u32 vm14, v1;
	_ =	sdelay $0x5  }
0x3b2: {  	vm15 =	vge.s32 v1, $0x13C0;
	v2 =	vadd.s32 $0xFFFFEC40, v1  }
0x3b3: {  	(xrf1) =	vunique.msk.u32 vm15, v1;
	v1 =	vsel vm14, v1, v2;
	_ =	sdelay $0x4  }
0x3b4: {  	v3 =	vld.idx.msk [tilespmem:v1+s22+$0x0], $0xffff;
	_ =	sdelay $0x1  }
0x3b5: {  	_, v2, vm0 =	vpop (xrf1);
	_ =	sdelay $0x2  }
0x3b6: {  	v2 =	vadd.s32 v3, v2;
	_ =	sdelay $0x2  }
0x3b7: {  	[tilespmem:v1+s22+$0x0] =	vst.idx.msk vm0, v2  }
0x3b8: {  	_, v2, vm0 =	vpop (xrf1);
	v3 =	vld.idx.msk [tilespmem:v1+s22+$0x0], $0xffff;
	_ =	sdelay $0x3  }
0x3b9: {  	v2 =	vshll.u32 v2, $0x10  }
0x3ba: {  	v2 =	vadd.s32 v3, v2  }
0x3bb: {  	[tilespmem:v1+s22+$0x0] =	vst.idx.msk vm0, v2  }
.LBB2_4:
0x3bc: {  	_ =	swait.ge [sflag:s16], $0x400  }
0x3bd: {  	[sflag:s16] =	ssyncset.done $0x0  }
0x3be: {  	[sflag:s16] =	ssyncadd.s32 $0xFFFFFC00  }
0x3bf: {  	[tilespmem:s18], [sflag:$0x1] =	stream.indirect.gather [hbm4b:s0+s17], $0x80, s4, s17, $0xb8;
	[tilespmem:$0x1D800] =	vst v63  }
0x3c0: {  	_ =	swait.ge [sflag:s23], $0x4000  }
0x3c1: {  	[sflag:s23] =	ssyncset.done $0x0  }
0x3c2: {  	s6 =	sadd.s32 s12, s13;
	[sflag:s23] =	ssyncadd.s32 $0xFFFFC000  }
0x3c3: {  	[tilespmem:s19], [sflag:$0x4] =	stream.linear.gather [hbm4b:s6+s4], $0x400, $0x38;
	[tilespmem:$0x1D800] =	vst v63  }
0x3c4: {  	_ =	swait.ge [sflag:s15], $0x400  }
0x3c5: {  	[sflag:s15] =	ssyncset.done $0x0  }
0x3c6: {  	[sflag:s15] =	ssyncadd.s32 $0xFFFFFC00  }
0x3c7: {  	_ =	swait.ge [sflag:s20], $0x4000  }
0x3c8: {  	[sflag:s20] =	ssyncset.done $0x0  }
0x3c9: {  	[sflag:s20] =	ssyncadd.s32 $0xFFFFC000  }
0x3ca: {  	[tilespmem:s21], [sflag:$0x1] =	stream.indirect.gather [hbm4b:s0+s17], $0x80, s17, s17, $0xb8;
	[tilespmem:$0x1D800] =	vst v63  }
0x3cb: {  	_ = 	snop  }
0x3cc: {  	[spmem:s3] =	stream.indirect.scatter.add.f32 [tilespmem:s18], [sflag:$0x2], $0x80, s19, s17, $0xb8;
	[tilespmem:$0x1D800] =	vst v63  }
0x3cd: {  	v1 =	vld [tilespmem:$0x400];
	_ =	sdelay $0x4  }
0x3ce: {  	vm0 =	vlt.s32 v1, $0x13C0  }
0x3cf: {  	(xrf1) =	vunique.msk.u32 vm0, v1;
	_ =	sdelay $0x5  }
0x3d0: {  	vm1 =	vge.s32 v1, $0x13C0;
	v2 =	vadd.s32 $0xFFFFEC40, v1  }
0x3d1: {  	(xrf1) =	vunique.msk.u32 vm1, v1;
	v1 =	vsel vm0, v1, v2;
	_ =	sdelay $0x4  }
0x3d2: {  	v3 =	vld.idx.msk [tilespmem:v1+s22+$0x0], $0xffff;
	_ =	sdelay $0x1  }
0x3d3: {  	_, v2, vm0 =	vpop (xrf1);
	_ =	sdelay $0x2  }
0x3d4: {  	v2 =	vadd.s32 v3, v2;
	_ =	sdelay $0x2  }
0x3d5: {  	[tilespmem:v1+s22+$0x0] =	vst.idx.msk vm0, v2  }
0x3d6: {  	_, v2, vm0 =	vpop (xrf1);
	v3 =	vld.idx.msk [tilespmem:v1+s22+$0x0], $0xffff;
	_ =	sdelay $0x3  }
0x3d7: {  	v2 =	vshll.u32 v2, $0x10  }
0x3d8: {  	v2 =	vadd.s32 v3, v2  }
0x3d9: {  	[tilespmem:v1+s22+$0x0] =	vst.idx.msk vm0, v2  }
0x3da: {  	v1 =	vld [tilespmem:$0x410];
	_ =	sdelay $0x4  }
0x3db: {  	vm8 =	vlt.s32 v1, $0x13C0  }
0x3dc: {  	(xrf1) =	vunique.msk.u32 vm8, v1;
	_ =	sdelay $0x5  }
0x3dd: {  	vm9 =	vge.s32 v1, $0x13C0;
	v2 =	vadd.s32 $0xFFFFEC40, v1  }
0x3de: {  	(xrf1) =	vunique.msk.u32 vm9, v1;
	v1 =	vsel vm8, v1, v2;
	_ =	sdelay $0x4  }
0x3df: {  	v3 =	vld.idx.msk [tilespmem:v1+s22+$0x0], $0xffff;
	_ =	sdelay $0x1  }
0x3e0: {  	_, v2, vm0 =	vpop (xrf1);
	_ =	sdelay $0x2  }
0x3e1: {  	v2 =	vadd.s32 v3, v2;
	_ =	sdelay $0x2  }
0x3e2: {  	[tilespmem:v1+s22+$0x0] =	vst.idx.msk vm0, v2  }
0x3e3: {  	_, v2, vm0 =	vpop (xrf1);
	v3 =	vld.idx.msk [tilespmem:v1+s22+$0x0], $0xffff;
	_ =	sdelay $0x3  }
0x3e4: {  	v2 =	vshll.u32 v2, $0x10  }
0x3e5: {  	v2 =	vadd.s32 v3, v2  }
0x3e6: {  	[tilespmem:v1+s22+$0x0] =	vst.idx.msk vm0, v2  }
0x3e7: {  	v1 =	vld [tilespmem:$0x420];
	_ =	sdelay $0x4  }
0x3e8: {  	vm10 =	vlt.s32 v1, $0x13C0  }
0x3e9: {  	(xrf1) =	vunique.msk.u32 vm10, v1;
	_ =	sdelay $0x5  }
0x3ea: {  	vm11 =	vge.s32 v1, $0x13C0;
	v2 =	vadd.s32 $0xFFFFEC40, v1  }
0x3eb: {  	(xrf1) =	vunique.msk.u32 vm11, v1;
	v1 =	vsel vm10, v1, v2;
	_ =	sdelay $0x4  }
0x3ec: {  	v3 =	vld.idx.msk [tilespmem:v1+s22+$0x0], $0xffff;
	_ =	sdelay $0x1  }
0x3ed: {  	_, v2, vm0 =	vpop (xrf1);
	_ =	sdelay $0x2  }
0x3ee: {  	v2 =	vadd.s32 v3, v2;
	_ =	sdelay $0x2  }
0x3ef: {  	[tilespmem:v1+s22+$0x0] =	vst.idx.msk vm0, v2  }
0x3f0: {  	_, v2, vm0 =	vpop (xrf1);
	v3 =	vld.idx.msk [tilespmem:v1+s22+$0x0], $0xffff;
	_ =	sdelay $0x3  }
0x3f1: {  	v2 =	vshll.u32 v2, $0x10  }
0x3f2: {  	v2 =	vadd.s32 v3, v2  }
0x3f3: {  	[tilespmem:v1+s22+$0x0] =	vst.idx.msk vm0, v2  }
0x3f4: {  	v1 =	vld [tilespmem:$0x430];
	_ =	sdelay $0x4  }
0x3f5: {  	vm12 =	vlt.s32 v1, $0x13C0  }
0x3f6: {  	(xrf1) =	vunique.msk.u32 vm12, v1;
	_ =	sdelay $0x5  }
0x3f7: {  	vm13 =	vge.s32 v1, $0x13C0;
	v2 =	vadd.s32 $0xFFFFEC40, v1  }
0x3f8: {  	(xrf1) =	vunique.msk.u32 vm13, v1;
	v1 =	vsel vm12, v1, v2;
	_ =	sdelay $0x4  }
0x3f9: {  	v3 =	vld.idx.msk [tilespmem:v1+s22+$0x0], $0xffff;
	_ =	sdelay $0x1  }
0x3fa: {  	_, v2, vm0 =	vpop (xrf1);
	_ =	sdelay $0x2  }
0x3fb: {  	v2 =	vadd.s32 v3, v2;
	_ =	sdelay $0x2  }
0x3fc: {  	[tilespmem:v1+s22+$0x0] =	vst.idx.msk vm0, v2  }
0x3fd: {  	_, v2, vm0 =	vpop (xrf1);
	v3 =	vld.idx.msk [tilespmem:v1+s22+$0x0], $0xffff;
	_ =	sdelay $0x3  }
0x3fe: {  	v2 =	vshll.u32 v2, $0x10  }
0x3ff: {  	v2 =	vadd.s32 v3, v2  }
0x400: {  	[tilespmem:v1+s22+$0x0] =	vst.idx.msk vm0, v2  }
0x401: {  	v1 =	vld [tilespmem:$0x440];
	_ =	sdelay $0x4  }
0x402: {  	vm14 =	vlt.s32 v1, $0x13C0  }
0x403: {  	(xrf1) =	vunique.msk.u32 vm14, v1;
	_ =	sdelay $0x5  }
0x404: {  	vm15 =	vge.s32 v1, $0x13C0;
	v2 =	vadd.s32 $0xFFFFEC40, v1  }
0x405: {  	(xrf1) =	vunique.msk.u32 vm15, v1;
	v1 =	vsel vm14, v1, v2;
	_ =	sdelay $0x4  }
0x406: {  	v3 =	vld.idx.msk [tilespmem:v1+s22+$0x0], $0xffff;
	_ =	sdelay $0x1  }
0x407: {  	_, v2, vm0 =	vpop (xrf1);
	_ =	sdelay $0x2  }
0x408: {  	v2 =	vadd.s32 v3, v2;
	_ =	sdelay $0x2  }
0x409: {  	[tilespmem:v1+s22+$0x0] =	vst.idx.msk vm0, v2  }
0x40a: {  	_, v2, vm0 =	vpop (xrf1);
	v3 =	vld.idx.msk [tilespmem:v1+s22+$0x0], $0xffff;
	_ =	sdelay $0x3  }
0x40b: {  	v2 =	vshll.u32 v2, $0x10  }
0x40c: {  	v2 =	vadd.s32 v3, v2  }
0x40d: {  	[tilespmem:v1+s22+$0x0] =	vst.idx.msk vm0, v2  }
0x40e: {  	v1 =	vld [tilespmem:$0x450];
	_ =	sdelay $0x4  }
0x40f: {  	vm4 =	vlt.s32 v1, $0x13C0  }
0x410: {  	(xrf1) =	vunique.msk.u32 vm4, v1;
	_ =	sdelay $0x5  }
0x411: {  	vm5 =	vge.s32 v1, $0x13C0;
	v2 =	vadd.s32 $0xFFFFEC40, v1  }
0x412: {  	(xrf1) =	vunique.msk.u32 vm5, v1;
	v1 =	vsel vm4, v1, v2;
	_ =	sdelay $0x4  }
0x413: {  	v3 =	vld.idx.msk [tilespmem:v1+s22+$0x0], $0xffff;
	_ =	sdelay $0x1  }
0x414: {  	_, v2, vm0 =	vpop (xrf1);
	_ =	sdelay $0x2  }
0x415: {  	v2 =	vadd.s32 v3, v2;
	_ =	sdelay $0x2  }
0x416: {  	[tilespmem:v1+s22+$0x0] =	vst.idx.msk vm0, v2  }
0x417: {  	_, v2, vm0 =	vpop (xrf1);
	v3 =	vld.idx.msk [tilespmem:v1+s22+$0x0], $0xffff;
	_ =	sdelay $0x3  }
0x418: {  	v2 =	vshll.u32 v2, $0x10  }
0x419: {  	v2 =	vadd.s32 v3, v2  }
0x41a: {  	[tilespmem:v1+s22+$0x0] =	vst.idx.msk vm0, v2  }
0x41b: {  	v1 =	vld [tilespmem:$0x460];
	_ =	sdelay $0x4  }
0x41c: {  	vm6 =	vlt.s32 v1, $0x13C0  }
0x41d: {  	(xrf1) =	vunique.msk.u32 vm6, v1;
	_ =	sdelay $0x5  }
0x41e: {  	vm7 =	vge.s32 v1, $0x13C0;
	v2 =	vadd.s32 $0xFFFFEC40, v1  }
0x41f: {  	(xrf1) =	vunique.msk.u32 vm7, v1;
	v1 =	vsel vm6, v1, v2;
	_ =	sdelay $0x4  }
0x420: {  	v3 =	vld.idx.msk [tilespmem:v1+s22+$0x0], $0xffff;
	_ =	sdelay $0x1  }
0x421: {  	_, v2, vm0 =	vpop (xrf1);
	_ =	sdelay $0x2  }
0x422: {  	v2 =	vadd.s32 v3, v2;
	_ =	sdelay $0x2  }
0x423: {  	[tilespmem:v1+s22+$0x0] =	vst.idx.msk vm0, v2  }
0x424: {  	_, v2, vm0 =	vpop (xrf1);
	v3 =	vld.idx.msk [tilespmem:v1+s22+$0x0], $0xffff;
	_ =	sdelay $0x3  }
0x425: {  	v2 =	vshll.u32 v2, $0x10  }
0x426: {  	v2 =	vadd.s32 v3, v2  }
0x427: {  	[tilespmem:v1+s22+$0x0] =	vst.idx.msk vm0, v2  }
0x428: {  	v1 =	vld [tilespmem:$0x470];
	_ =	sdelay $0x4  }
0x429: {  	vm8 =	vlt.s32 v1, $0x13C0  }
0x42a: {  	(xrf1) =	vunique.msk.u32 vm8, v1;
	_ =	sdelay $0x5  }
0x42b: {  	vm9 =	vge.s32 v1, $0x13C0;
	v2 =	vadd.s32 $0xFFFFEC40, v1  }
0x42c: {  	(xrf1) =	vunique.msk.u32 vm9, v1;
	v1 =	vsel vm8, v1, v2;
	_ =	sdelay $0x4  }
0x42d: {  	v3 =	vld.idx.msk [tilespmem:v1+s22+$0x0], $0xffff;
	_ =	sdelay $0x1  }
0x42e: {  	_, v2, vm0 =	vpop (xrf1);
	_ =	sdelay $0x2  }
0x42f: {  	v2 =	vadd.s32 v3, v2;
	_ =	sdelay $0x2  }
0x430: {  	[tilespmem:v1+s22+$0x0] =	vst.idx.msk vm0, v2  }
0x431: {  	_, v2, vm0 =	vpop (xrf1);
	v3 =	vld.idx.msk [tilespmem:v1+s22+$0x0], $0xffff;
	_ =	sdelay $0x3  }
0x432: {  	v2 =	vshll.u32 v2, $0x10  }
0x433: {  	v2 =	vadd.s32 v3, v2  }
0x434: {  	[tilespmem:v1+s22+$0x0] =	vst.idx.msk vm0, v2  }
0x435: {  	_ =	swait.ge [sflag:s20], $0x4000  }
0x436: {  	[sflag:s20] =	ssyncset.done $0x0  }
0x437: {  	[sflag:s20] =	ssyncadd.s32 $0xFFFFC000  }
0x438: {  	_ =	swait.ge [sflag:s23], $0x4000  }
0x439: {  	[sflag:s23] =	ssyncset.done $0x0  }
0x43a: {  	[sflag:s23] =	ssyncadd.s32 $0xFFFFC000  }
0x43b: {  	[tilespmem:s18], [sflag:$0x1] =	stream.indirect.gather [hbm4b:s0+s17], $0x80, s24, s17, $0xb8;
	[tilespmem:$0x1D800] =	vst v63  }
0x43c: {  	_ = 	snop  }
0x43d: {  	[spmem:s3] =	stream.indirect.scatter.add.f32 [tilespmem:s21], [sflag:$0x2], $0x80, s25, s17, $0xb8;
	[tilespmem:$0x1D800] =	vst v63  }
0x43e: {  	v1 =	vld [tilespmem:$0x480];
	_ =	sdelay $0x4  }
0x43f: {  	vm10 =	vlt.s32 v1, $0x13C0  }
0x440: {  	(xrf1) =	vunique.msk.u32 vm10, v1;
	_ =	sdelay $0x5  }
0x441: {  	vm11 =	vge.s32 v1, $0x13C0;
	v2 =	vadd.s32 $0xFFFFEC40, v1  }
0x442: {  	(xrf1) =	vunique.msk.u32 vm11, v1;
	v1 =	vsel vm10, v1, v2;
	_ =	sdelay $0x4  }
0x443: {  	v3 =	vld.idx.msk [tilespmem:v1+s22+$0x0], $0xffff;
	_ =	sdelay $0x1  }
0x444: {  	_, v2, vm0 =	vpop (xrf1);
	_ =	sdelay $0x2  }
0x445: {  	v2 =	vadd.s32 v3, v2;
	_ =	sdelay $0x2  }
0x446: {  	[tilespmem:v1+s22+$0x0] =	vst.idx.msk vm0, v2  }
0x447: {  	_, v2, vm0 =	vpop (xrf1);
	v3 =	vld.idx.msk [tilespmem:v1+s22+$0x0], $0xffff;
	_ =	sdelay $0x3  }
0x448: {  	v2 =	vshll.u32 v2, $0x10  }
0x449: {  	v2 =	vadd.s32 v3, v2  }
0x44a: {  	[tilespmem:v1+s22+$0x0] =	vst.idx.msk vm0, v2  }
0x44b: {  	v1 =	vld [tilespmem:$0x490];
	_ =	sdelay $0x4  }
0x44c: {  	vm12 =	vlt.s32 v1, $0x13C0  }
0x44d: {  	(xrf1) =	vunique.msk.u32 vm12, v1;
	_ =	sdelay $0x5  }
0x44e: {  	vm13 =	vge.s32 v1, $0x13C0;
	v2 =	vadd.s32 $0xFFFFEC40, v1  }
0x44f: {  	(xrf1) =	vunique.msk.u32 vm13, v1;
	v1 =	vsel vm12, v1, v2;
	_ =	sdelay $0x4  }
0x450: {  	v3 =	vld.idx.msk [tilespmem:v1+s22+$0x0], $0xffff;
	_ =	sdelay $0x1  }
0x451: {  	_, v2, vm0 =	vpop (xrf1);
	_ =	sdelay $0x2  }
0x452: {  	v2 =	vadd.s32 v3, v2;
	_ =	sdelay $0x2  }
0x453: {  	[tilespmem:v1+s22+$0x0] =	vst.idx.msk vm0, v2  }
0x454: {  	_, v2, vm0 =	vpop (xrf1);
	v3 =	vld.idx.msk [tilespmem:v1+s22+$0x0], $0xffff;
	_ =	sdelay $0x3  }
0x455: {  	v2 =	vshll.u32 v2, $0x10  }
0x456: {  	v2 =	vadd.s32 v3, v2  }
0x457: {  	[tilespmem:v1+s22+$0x0] =	vst.idx.msk vm0, v2  }
0x458: {  	v1 =	vld [tilespmem:$0x4A0];
	_ =	sdelay $0x4  }
0x459: {  	vm14 =	vlt.s32 v1, $0x13C0  }
0x45a: {  	(xrf1) =	vunique.msk.u32 vm14, v1;
	_ =	sdelay $0x5  }
0x45b: {  	vm15 =	vge.s32 v1, $0x13C0;
	v2 =	vadd.s32 $0xFFFFEC40, v1  }
0x45c: {  	(xrf1) =	vunique.msk.u32 vm15, v1;
	v1 =	vsel vm14, v1, v2;
	_ =	sdelay $0x4  }
0x45d: {  	v3 =	vld.idx.msk [tilespmem:v1+s22+$0x0], $0xffff;
	_ =	sdelay $0x1  }
0x45e: {  	_, v2, vm0 =	vpop (xrf1);
	_ =	sdelay $0x2  }
0x45f: {  	v2 =	vadd.s32 v3, v2;
	_ =	sdelay $0x2  }
0x460: {  	[tilespmem:v1+s22+$0x0] =	vst.idx.msk vm0, v2  }
0x461: {  	_, v2, vm0 =	vpop (xrf1);
	v3 =	vld.idx.msk [tilespmem:v1+s22+$0x0], $0xffff;
	_ =	sdelay $0x3  }
0x462: {  	v2 =	vshll.u32 v2, $0x10  }
0x463: {  	v2 =	vadd.s32 v3, v2  }
0x464: {  	[tilespmem:v1+s22+$0x0] =	vst.idx.msk vm0, v2  }
0x465: {  	v1 =	vld [tilespmem:$0x4B0];
	_ =	sdelay $0x4  }
0x466: {  	vm4 =	vlt.s32 v1, $0x13C0  }
0x467: {  	(xrf1) =	vunique.msk.u32 vm4, v1;
	_ =	sdelay $0x5  }
0x468: {  	vm5 =	vge.s32 v1, $0x13C0;
	v2 =	vadd.s32 $0xFFFFEC40, v1  }
0x469: {  	(xrf1) =	vunique.msk.u32 vm5, v1;
	v1 =	vsel vm4, v1, v2;
	_ =	sdelay $0x4  }
0x46a: {  	v3 =	vld.idx.msk [tilespmem:v1+s22+$0x0], $0xffff;
	_ =	sdelay $0x1  }
0x46b: {  	_, v2, vm0 =	vpop (xrf1);
	_ =	sdelay $0x2  }
0x46c: {  	v2 =	vadd.s32 v3, v2;
	_ =	sdelay $0x2  }
0x46d: {  	[tilespmem:v1+s22+$0x0] =	vst.idx.msk vm0, v2  }
0x46e: {  	_, v2, vm0 =	vpop (xrf1);
	v3 =	vld.idx.msk [tilespmem:v1+s22+$0x0], $0xffff;
	_ =	sdelay $0x3  }
0x46f: {  	v2 =	vshll.u32 v2, $0x10  }
0x470: {  	v2 =	vadd.s32 v3, v2  }
0x471: {  	[tilespmem:v1+s22+$0x0] =	vst.idx.msk vm0, v2  }
0x472: {  	v1 =	vld [tilespmem:$0x4C0];
	_ =	sdelay $0x4  }
0x473: {  	vm6 =	vlt.s32 v1, $0x13C0  }
0x474: {  	(xrf1) =	vunique.msk.u32 vm6, v1;
	_ =	sdelay $0x7  }
0x475: {  	v2 =	vadd.s32 $0xFFFFEC40, v1  }
0x476: {  	v2 =	vsel vm6, v1, v2;
	_ =	sdelay $0x4  }
0x477: {  	v4 =	vld.idx.msk [tilespmem:v2+s22+$0x0], $0xffff;
	_, v3, vm7 =	vpop (xrf1);
	_ =	sdelay $0x4  }
0x478: {  	v3 =	vadd.s32 v4, v3  }
0x479: {  	vm8 =	vge.s32 v1, $0x13C0;
	[tilespmem:v2+s22+$0x0] =	vst.idx.msk vm7, v3  }
0x47a: {  	(xrf1) =	vunique.msk.u32 vm8, v1;
	_ =	sdelay $0xd  }
0x47b: {  	v3 =	vld.idx.msk [tilespmem:v2+s22+$0x0], $0xffff;
	_, v1, vm9 =	vpop (xrf1);
	_ =	sdelay $0x3  }
0x47c: {  	v1 =	vshll.u32 v1, $0x10  }
0x47d: {  	v1 =	vadd.s32 v3, v1  }
0x47e: {  	[tilespmem:v2+s22+$0x0] =	vst.idx.msk vm9, v1  }
0x47f: {  	v1 =	vld [tilespmem:$0x4D0];
	_ =	sdelay $0x4  }
0x480: {  	vm10 =	vlt.s32 v1, $0x13C0  }
0x481: {  	(xrf1) =	vunique.msk.u32 vm10, v1;
	_ =	sdelay $0x5  }
0x482: {  	vm11 =	vge.s32 v1, $0x13C0;
	v2 =	vadd.s32 $0xFFFFEC40, v1  }
0x483: {  	(xrf1) =	vunique.msk.u32 vm11, v1;
	v1 =	vsel vm10, v1, v2;
	_ =	sdelay $0x4  }
0x484: {  	v3 =	vld.idx.msk [tilespmem:v1+s22+$0x0], $0xffff;
	_ =	sdelay $0x1  }
0x485: {  	_, v2, vm0 =	vpop (xrf1);
	_ =	sdelay $0x2  }
0x486: {  	v2 =	vadd.s32 v3, v2;
	_ =	sdelay $0x2  }
0x487: {  	[tilespmem:v1+s22+$0x0] =	vst.idx.msk vm0, v2  }
0x488: {  	_, v2, vm0 =	vpop (xrf1);
	v3 =	vld.idx.msk [tilespmem:v1+s22+$0x0], $0xffff;
	_ =	sdelay $0x3  }
0x489: {  	v2 =	vshll.u32 v2, $0x10  }
0x48a: {  	v2 =	vadd.s32 v3, v2  }
0x48b: {  	[tilespmem:v1+s22+$0x0] =	vst.idx.msk vm0, v2  }
0x48c: {  	v1 =	vld [tilespmem:$0x4E0];
	_ =	sdelay $0x4  }
0x48d: {  	vm12 =	vlt.s32 v1, $0x13C0  }
0x48e: {  	(xrf1) =	vunique.msk.u32 vm12, v1;
	_ =	sdelay $0x5  }
0x48f: {  	vm13 =	vge.s32 v1, $0x13C0;
	v2 =	vadd.s32 $0xFFFFEC40, v1  }
0x490: {  	(xrf1) =	vunique.msk.u32 vm13, v1;
	v1 =	vsel vm12, v1, v2;
	_ =	sdelay $0x4  }
0x491: {  	v3 =	vld.idx.msk [tilespmem:v1+s22+$0x0], $0xffff;
	_ =	sdelay $0x1  }
0x492: {  	_, v2, vm0 =	vpop (xrf1);
	_ =	sdelay $0x2  }
0x493: {  	v2 =	vadd.s32 v3, v2;
	_ =	sdelay $0x2  }
0x494: {  	[tilespmem:v1+s22+$0x0] =	vst.idx.msk vm0, v2  }
0x495: {  	_, v2, vm0 =	vpop (xrf1);
	v3 =	vld.idx.msk [tilespmem:v1+s22+$0x0], $0xffff;
	_ =	sdelay $0x3  }
0x496: {  	v2 =	vshll.u32 v2, $0x10  }
0x497: {  	v2 =	vadd.s32 v3, v2  }
0x498: {  	[tilespmem:v1+s22+$0x0] =	vst.idx.msk vm0, v2  }
0x499: {  	v1 =	vld [tilespmem:$0x4F0];
	_ =	sdelay $0x4  }
0x49a: {  	vm14 =	vlt.s32 v1, $0x13C0  }
0x49b: {  	(xrf1) =	vunique.msk.u32 vm14, v1;
	_ =	sdelay $0x5  }
0x49c: {  	vm15 =	vge.s32 v1, $0x13C0;
	v2 =	vadd.s32 $0xFFFFEC40, v1  }
0x49d: {  	(xrf1) =	vunique.msk.u32 vm15, v1;
	v1 =	vsel vm14, v1, v2;
	_ =	sdelay $0x4  }
0x49e: {  	v3 =	vld.idx.msk [tilespmem:v1+s22+$0x0], $0xffff;
	_ =	sdelay $0x1  }
0x49f: {  	_, v2, vm0 =	vpop (xrf1);
	_ =	sdelay $0x2  }
0x4a0: {  	v2 =	vadd.s32 v3, v2;
	_ =	sdelay $0x2  }
0x4a1: {  	[tilespmem:v1+s22+$0x0] =	vst.idx.msk vm0, v2  }
0x4a2: {  	_, v2, vm0 =	vpop (xrf1);
	v3 =	vld.idx.msk [tilespmem:v1+s22+$0x0], $0xffff;
	_ =	sdelay $0x3  }
0x4a3: {  	v2 =	vshll.u32 v2, $0x10  }
0x4a4: {  	v2 =	vadd.s32 v3, v2  }
0x4a5: {  	[tilespmem:v1+s22+$0x0] =	vst.idx.msk vm0, v2  }
0x4a6: {  	_ =	swait.ge [sflag:s20], $0x4000  }
0x4a7: {  	[sflag:s20] =	ssyncset.done $0x0  }
0x4a8: {  	[sflag:s20] =	ssyncadd.s32 $0xFFFFC000  }
0x4a9: {  	_ =	swait.ge [sflag:s23], $0x4000  }
0x4aa: {  	[sflag:s23] =	ssyncset.done $0x0  }
0x4ab: {  	[sflag:s23] =	ssyncadd.s32 $0xFFFFC000  }
0x4ac: {  	[tilespmem:s21], [sflag:$0x1] =	stream.indirect.gather [hbm4b:s0+s17], $0x80, s26, s17, $0xb8;
	[tilespmem:$0x1D800] =	vst v63  }
0x4ad: {  	_ = 	snop  }
0x4ae: {  	[spmem:s3] =	stream.indirect.scatter.add.f32 [tilespmem:s18], [sflag:$0x2], $0x80, s28, s17, $0xb8;
	[tilespmem:$0x1D800] =	vst v63  }
0x4af: {  	v1 =	vld [tilespmem:$0x500];
	_ =	sdelay $0x4  }
0x4b0: {  	vm4 =	vlt.s32 v1, $0x13C0  }
0x4b1: {  	(xrf1) =	vunique.msk.u32 vm4, v1;
	_ =	sdelay $0x5  }
0x4b2: {  	vm5 =	vge.s32 v1, $0x13C0;
	v2 =	vadd.s32 $0xFFFFEC40, v1  }
0x4b3: {  	(xrf1) =	vunique.msk.u32 vm5, v1;
	v1 =	vsel vm4, v1, v2;
	_ =	sdelay $0x4  }
0x4b4: {  	v3 =	vld.idx.msk [tilespmem:v1+s22+$0x0], $0xffff;
	_ =	sdelay $0x1  }
0x4b5: {  	_, v2, vm0 =	vpop (xrf1);
	_ =	sdelay $0x2  }
0x4b6: {  	v2 =	vadd.s32 v3, v2;
	_ =	sdelay $0x2  }
0x4b7: {  	[tilespmem:v1+s22+$0x0] =	vst.idx.msk vm0, v2  }
0x4b8: {  	_, v2, vm0 =	vpop (xrf1);
	v3 =	vld.idx.msk [tilespmem:v1+s22+$0x0], $0xffff;
	_ =	sdelay $0x3  }
0x4b9: {  	v2 =	vshll.u32 v2, $0x10  }
0x4ba: {  	v2 =	vadd.s32 v3, v2  }
0x4bb: {  	[tilespmem:v1+s22+$0x0] =	vst.idx.msk vm0, v2  }
0x4bc: {  	v1 =	vld [tilespmem:$0x510];
	_ =	sdelay $0x4  }
0x4bd: {  	vm6 =	vlt.s32 v1, $0x13C0  }
0x4be: {  	(xrf1) =	vunique.msk.u32 vm6, v1;
	_ =	sdelay $0x5  }
0x4bf: {  	vm7 =	vge.s32 v1, $0x13C0;
	v2 =	vadd.s32 $0xFFFFEC40, v1  }
0x4c0: {  	(xrf1) =	vunique.msk.u32 vm7, v1;
	v1 =	vsel vm6, v1, v2;
	_ =	sdelay $0x4  }
0x4c1: {  	v3 =	vld.idx.msk [tilespmem:v1+s22+$0x0], $0xffff;
	_ =	sdelay $0x1  }
0x4c2: {  	_, v2, vm0 =	vpop (xrf1);
	_ =	sdelay $0x2  }
0x4c3: {  	v2 =	vadd.s32 v3, v2;
	_ =	sdelay $0x2  }
0x4c4: {  	[tilespmem:v1+s22+$0x0] =	vst.idx.msk vm0, v2  }
0x4c5: {  	_, v2, vm0 =	vpop (xrf1);
	v3 =	vld.idx.msk [tilespmem:v1+s22+$0x0], $0xffff;
	_ =	sdelay $0x3  }
0x4c6: {  	v2 =	vshll.u32 v2, $0x10  }
0x4c7: {  	v2 =	vadd.s32 v3, v2  }
0x4c8: {  	[tilespmem:v1+s22+$0x0] =	vst.idx.msk vm0, v2  }
0x4c9: {  	v1 =	vld [tilespmem:$0x520];
	_ =	sdelay $0x4  }
0x4ca: {  	vm8 =	vlt.s32 v1, $0x13C0  }
0x4cb: {  	(xrf1) =	vunique.msk.u32 vm8, v1;
	_ =	sdelay $0x5  }
0x4cc: {  	vm9 =	vge.s32 v1, $0x13C0;
	v2 =	vadd.s32 $0xFFFFEC40, v1  }
0x4cd: {  	(xrf1) =	vunique.msk.u32 vm9, v1;
	v1 =	vsel vm8, v1, v2;
	_ =	sdelay $0x4  }
0x4ce: {  	v3 =	vld.idx.msk [tilespmem:v1+s22+$0x0], $0xffff;
	_ =	sdelay $0x1  }
0x4cf: {  	_, v2, vm0 =	vpop (xrf1);
	_ =	sdelay $0x2  }
0x4d0: {  	v2 =	vadd.s32 v3, v2;
	_ =	sdelay $0x2  }
0x4d1: {  	[tilespmem:v1+s22+$0x0] =	vst.idx.msk vm0, v2  }
0x4d2: {  	_, v2, vm0 =	vpop (xrf1);
	v3 =	vld.idx.msk [tilespmem:v1+s22+$0x0], $0xffff;
	_ =	sdelay $0x3  }
0x4d3: {  	v2 =	vshll.u32 v2, $0x10  }
0x4d4: {  	v2 =	vadd.s32 v3, v2  }
0x4d5: {  	[tilespmem:v1+s22+$0x0] =	vst.idx.msk vm0, v2  }
0x4d6: {  	v1 =	vld [tilespmem:$0x530];
	_ =	sdelay $0x4  }
0x4d7: {  	vm10 =	vlt.s32 v1, $0x13C0  }
0x4d8: {  	(xrf1) =	vunique.msk.u32 vm10, v1;
	_ =	sdelay $0x5  }
0x4d9: {  	vm11 =	vge.s32 v1, $0x13C0;
	v2 =	vadd.s32 $0xFFFFEC40, v1  }
0x4da: {  	(xrf1) =	vunique.msk.u32 vm11, v1;
	v1 =	vsel vm10, v1, v2;
	_ =	sdelay $0x4  }
0x4db: {  	v3 =	vld.idx.msk [tilespmem:v1+s22+$0x0], $0xffff;
	_ =	sdelay $0x1  }
0x4dc: {  	_, v2, vm0 =	vpop (xrf1);
	_ =	sdelay $0x2  }
0x4dd: {  	v2 =	vadd.s32 v3, v2;
	_ =	sdelay $0x2  }
0x4de: {  	[tilespmem:v1+s22+$0x0] =	vst.idx.msk vm0, v2  }
0x4df: {  	_, v2, vm0 =	vpop (xrf1);
	v3 =	vld.idx.msk [tilespmem:v1+s22+$0x0], $0xffff;
	_ =	sdelay $0x3  }
0x4e0: {  	v2 =	vshll.u32 v2, $0x10  }
0x4e1: {  	v2 =	vadd.s32 v3, v2  }
0x4e2: {  	[tilespmem:v1+s22+$0x0] =	vst.idx.msk vm0, v2  }
0x4e3: {  	v1 =	vld [tilespmem:$0x540];
	_ =	sdelay $0x4  }
0x4e4: {  	vm12 =	vlt.s32 v1, $0x13C0  }
0x4e5: {  	(xrf1) =	vunique.msk.u32 vm12, v1;
	_ =	sdelay $0x5  }
0x4e6: {  	vm13 =	vge.s32 v1, $0x13C0;
	v2 =	vadd.s32 $0xFFFFEC40, v1  }
0x4e7: {  	(xrf1) =	vunique.msk.u32 vm13, v1;
	v1 =	vsel vm12, v1, v2;
	_ =	sdelay $0x4  }
0x4e8: {  	v3 =	vld.idx.msk [tilespmem:v1+s22+$0x0], $0xffff;
	_ =	sdelay $0x1  }
0x4e9: {  	_, v2, vm0 =	vpop (xrf1);
	_ =	sdelay $0x2  }
0x4ea: {  	v2 =	vadd.s32 v3, v2;
	_ =	sdelay $0x2  }
0x4eb: {  	[tilespmem:v1+s22+$0x0] =	vst.idx.msk vm0, v2  }
0x4ec: {  	_, v2, vm0 =	vpop (xrf1);
	v3 =	vld.idx.msk [tilespmem:v1+s22+$0x0], $0xffff;
	_ =	sdelay $0x3  }
0x4ed: {  	v2 =	vshll.u32 v2, $0x10  }
0x4ee: {  	v2 =	vadd.s32 v3, v2  }
0x4ef: {  	[tilespmem:v1+s22+$0x0] =	vst.idx.msk vm0, v2  }
0x4f0: {  	v1 =	vld [tilespmem:$0x550];
	_ =	sdelay $0x4  }
0x4f1: {  	vm14 =	vlt.s32 v1, $0x13C0  }
0x4f2: {  	(xrf1) =	vunique.msk.u32 vm14, v1;
	_ =	sdelay $0x5  }
0x4f3: {  	vm15 =	vge.s32 v1, $0x13C0;
	v2 =	vadd.s32 $0xFFFFEC40, v1  }
0x4f4: {  	(xrf1) =	vunique.msk.u32 vm15, v1;
	v1 =	vsel vm14, v1, v2;
	_ =	sdelay $0x4  }
0x4f5: {  	v3 =	vld.idx.msk [tilespmem:v1+s22+$0x0], $0xffff;
	_ =	sdelay $0x1  }
0x4f6: {  	_, v2, vm0 =	vpop (xrf1);
	_ =	sdelay $0x2  }
0x4f7: {  	v2 =	vadd.s32 v3, v2;
	_ =	sdelay $0x2  }
0x4f8: {  	[tilespmem:v1+s22+$0x0] =	vst.idx.msk vm0, v2  }
0x4f9: {  	_, v2, vm0 =	vpop (xrf1);
	v3 =	vld.idx.msk [tilespmem:v1+s22+$0x0], $0xffff;
	_ =	sdelay $0x3  }
0x4fa: {  	v2 =	vshll.u32 v2, $0x10  }
0x4fb: {  	v2 =	vadd.s32 v3, v2  }
0x4fc: {  	[tilespmem:v1+s22+$0x0] =	vst.idx.msk vm0, v2  }
0x4fd: {  	v1 =	vld [tilespmem:$0x560];
	_ =	sdelay $0x4  }
0x4fe: {  	vm4 =	vlt.s32 v1, $0x13C0  }
0x4ff: {  	(xrf1) =	vunique.msk.u32 vm4, v1;
	_ =	sdelay $0x5  }
0x500: {  	vm5 =	vge.s32 v1, $0x13C0;
	v2 =	vadd.s32 $0xFFFFEC40, v1  }
0x501: {  	(xrf1) =	vunique.msk.u32 vm5, v1;
	v1 =	vsel vm4, v1, v2;
	_ =	sdelay $0x4  }
0x502: {  	v3 =	vld.idx.msk [tilespmem:v1+s22+$0x0], $0xffff;
	_ =	sdelay $0x1  }
0x503: {  	_, v2, vm0 =	vpop (xrf1);
	_ =	sdelay $0x2  }
0x504: {  	v2 =	vadd.s32 v3, v2;
	_ =	sdelay $0x2  }
0x505: {  	[tilespmem:v1+s22+$0x0] =	vst.idx.msk vm0, v2  }
0x506: {  	_, v2, vm0 =	vpop (xrf1);
	v3 =	vld.idx.msk [tilespmem:v1+s22+$0x0], $0xffff;
	_ =	sdelay $0x3  }
0x507: {  	v2 =	vshll.u32 v2, $0x10  }
0x508: {  	v2 =	vadd.s32 v3, v2  }
0x509: {  	[tilespmem:v1+s22+$0x0] =	vst.idx.msk vm0, v2  }
0x50a: {  	v1 =	vld [tilespmem:$0x570];
	_ =	sdelay $0x4  }
0x50b: {  	vm6 =	vlt.s32 v1, $0x13C0  }
0x50c: {  	(xrf1) =	vunique.msk.u32 vm6, v1;
	_ =	sdelay $0x5  }
0x50d: {  	vm7 =	vge.s32 v1, $0x13C0;
	v2 =	vadd.s32 $0xFFFFEC40, v1  }
0x50e: {  	(xrf1) =	vunique.msk.u32 vm7, v1;
	v1 =	vsel vm6, v1, v2;
	_ =	sdelay $0x4  }
0x50f: {  	v3 =	vld.idx.msk [tilespmem:v1+s22+$0x0], $0xffff;
	_ =	sdelay $0x1  }
0x510: {  	_, v2, vm0 =	vpop (xrf1);
	_ =	sdelay $0x2  }
0x511: {  	v2 =	vadd.s32 v3, v2;
	_ =	sdelay $0x2  }
0x512: {  	[tilespmem:v1+s22+$0x0] =	vst.idx.msk vm0, v2  }
0x513: {  	_, v2, vm0 =	vpop (xrf1);
	v3 =	vld.idx.msk [tilespmem:v1+s22+$0x0], $0xffff;
	_ =	sdelay $0x3  }
0x514: {  	v2 =	vshll.u32 v2, $0x10  }
0x515: {  	v2 =	vadd.s32 v3, v2  }
0x516: {  	[tilespmem:v1+s22+$0x0] =	vst.idx.msk vm0, v2  }
0x517: {  	_ =	swait.ge [sflag:s20], $0x4000  }
0x518: {  	[sflag:s20] =	ssyncset.done $0x0  }
0x519: {  	[sflag:s20] =	ssyncadd.s32 $0xFFFFC000  }
0x51a: {  	_ =	swait.ge [sflag:s23], $0x4000  }
0x51b: {  	[sflag:s23] =	ssyncset.done $0x0  }
0x51c: {  	[sflag:s23] =	ssyncadd.s32 $0xFFFFC000  }
0x51d: {  	[tilespmem:s18], [sflag:$0x1] =	stream.indirect.gather [hbm4b:s0+s17], $0x80, s29, s17, $0xb8;
	[tilespmem:$0x1D800] =	vst v63  }
0x51e: {  	_ = 	snop  }
0x51f: {  	[spmem:s3] =	stream.indirect.scatter.add.f32 [tilespmem:s21], [sflag:$0x2], $0x80, s30, s17, $0xb8;
	[tilespmem:$0x1D800] =	vst v63  }
0x520: {  	v1 =	vld [tilespmem:$0x580];
	_ =	sdelay $0x4  }
0x521: {  	vm8 =	vlt.s32 v1, $0x13C0  }
0x522: {  	(xrf1) =	vunique.msk.u32 vm8, v1;
	_ =	sdelay $0x5  }
0x523: {  	vm9 =	vge.s32 v1, $0x13C0;
	v2 =	vadd.s32 $0xFFFFEC40, v1  }
0x524: {  	(xrf1) =	vunique.msk.u32 vm9, v1;
	v1 =	vsel vm8, v1, v2;
	_ =	sdelay $0x4  }
0x525: {  	v3 =	vld.idx.msk [tilespmem:v1+s22+$0x0], $0xffff;
	_ =	sdelay $0x1  }
0x526: {  	_, v2, vm0 =	vpop (xrf1);
	_ =	sdelay $0x2  }
0x527: {  	v2 =	vadd.s32 v3, v2;
	_ =	sdelay $0x2  }
0x528: {  	[tilespmem:v1+s22+$0x0] =	vst.idx.msk vm0, v2  }
0x529: {  	_, v2, vm0 =	vpop (xrf1);
	v3 =	vld.idx.msk [tilespmem:v1+s22+$0x0], $0xffff;
	_ =	sdelay $0x3  }
0x52a: {  	v2 =	vshll.u32 v2, $0x10  }
0x52b: {  	v2 =	vadd.s32 v3, v2  }
0x52c: {  	[tilespmem:v1+s22+$0x0] =	vst.idx.msk vm0, v2  }
0x52d: {  	v1 =	vld [tilespmem:$0x590];
	_ =	sdelay $0x4  }
0x52e: {  	vm10 =	vlt.s32 v1, $0x13C0  }
0x52f: {  	(xrf1) =	vunique.msk.u32 vm10, v1;
	_ =	sdelay $0x5  }
0x530: {  	vm11 =	vge.s32 v1, $0x13C0;
	v2 =	vadd.s32 $0xFFFFEC40, v1  }
0x531: {  	(xrf1) =	vunique.msk.u32 vm11, v1;
	v1 =	vsel vm10, v1, v2;
	_ =	sdelay $0x4  }
0x532: {  	v3 =	vld.idx.msk [tilespmem:v1+s22+$0x0], $0xffff;
	_ =	sdelay $0x1  }
0x533: {  	_, v2, vm0 =	vpop (xrf1);
	_ =	sdelay $0x2  }
0x534: {  	v2 =	vadd.s32 v3, v2;
	_ =	sdelay $0x2  }
0x535: {  	[tilespmem:v1+s22+$0x0] =	vst.idx.msk vm0, v2  }
0x536: {  	_, v2, vm0 =	vpop (xrf1);
	v3 =	vld.idx.msk [tilespmem:v1+s22+$0x0], $0xffff;
	_ =	sdelay $0x3  }
0x537: {  	v2 =	vshll.u32 v2, $0x10  }
0x538: {  	v2 =	vadd.s32 v3, v2  }
0x539: {  	[tilespmem:v1+s22+$0x0] =	vst.idx.msk vm0, v2  }
0x53a: {  	v1 =	vld [tilespmem:$0x5A0];
	_ =	sdelay $0x4  }
0x53b: {  	vm12 =	vlt.s32 v1, $0x13C0  }
0x53c: {  	(xrf1) =	vunique.msk.u32 vm12, v1;
	_ =	sdelay $0x5  }
0x53d: {  	vm13 =	vge.s32 v1, $0x13C0;
	v2 =	vadd.s32 $0xFFFFEC40, v1  }
0x53e: {  	(xrf1) =	vunique.msk.u32 vm13, v1;
	v1 =	vsel vm12, v1, v2;
	_ =	sdelay $0x4  }
0x53f: {  	v3 =	vld.idx.msk [tilespmem:v1+s22+$0x0], $0xffff;
	_ =	sdelay $0x1  }
0x540: {  	_, v2, vm0 =	vpop (xrf1);
	_ =	sdelay $0x2  }
0x541: {  	v2 =	vadd.s32 v3, v2;
	_ =	sdelay $0x2  }
0x542: {  	[tilespmem:v1+s22+$0x0] =	vst.idx.msk vm0, v2  }
0x543: {  	_, v2, vm0 =	vpop (xrf1);
	v3 =	vld.idx.msk [tilespmem:v1+s22+$0x0], $0xffff;
	_ =	sdelay $0x3  }
0x544: {  	v2 =	vshll.u32 v2, $0x10  }
0x545: {  	v2 =	vadd.s32 v3, v2  }
0x546: {  	[tilespmem:v1+s22+$0x0] =	vst.idx.msk vm0, v2  }
0x547: {  	v1 =	vld [tilespmem:$0x5B0];
	_ =	sdelay $0x4  }
0x548: {  	vm14 =	vlt.s32 v1, $0x13C0  }
0x549: {  	(xrf1) =	vunique.msk.u32 vm14, v1;
	_ =	sdelay $0x5  }
0x54a: {  	vm15 =	vge.s32 v1, $0x13C0;
	v2 =	vadd.s32 $0xFFFFEC40, v1  }
0x54b: {  	(xrf1) =	vunique.msk.u32 vm15, v1;
	v1 =	vsel vm14, v1, v2;
	_ =	sdelay $0x4  }
0x54c: {  	v3 =	vld.idx.msk [tilespmem:v1+s22+$0x0], $0xffff;
	_ =	sdelay $0x1  }
0x54d: {  	_, v2, vm0 =	vpop (xrf1);
	_ =	sdelay $0x2  }
0x54e: {  	v2 =	vadd.s32 v3, v2;
	_ =	sdelay $0x2  }
0x54f: {  	[tilespmem:v1+s22+$0x0] =	vst.idx.msk vm0, v2  }
0x550: {  	_, v2, vm0 =	vpop (xrf1);
	v3 =	vld.idx.msk [tilespmem:v1+s22+$0x0], $0xffff;
	_ =	sdelay $0x3  }
0x551: {  	v2 =	vshll.u32 v2, $0x10  }
0x552: {  	v2 =	vadd.s32 v3, v2  }
0x553: {  	[tilespmem:v1+s22+$0x0] =	vst.idx.msk vm0, v2  }
0x554: {  	v1 =	vld [tilespmem:$0x5C0];
	_ =	sdelay $0x4  }
0x555: {  	vm4 =	vlt.s32 v1, $0x13C0  }
0x556: {  	(xrf1) =	vunique.msk.u32 vm4, v1;
	_ =	sdelay $0x5  }
0x557: {  	vm5 =	vge.s32 v1, $0x13C0;
	v2 =	vadd.s32 $0xFFFFEC40, v1  }
0x558: {  	(xrf1) =	vunique.msk.u32 vm5, v1;
	v1 =	vsel vm4, v1, v2;
	_ =	sdelay $0x4  }
0x559: {  	v3 =	vld.idx.msk [tilespmem:v1+s22+$0x0], $0xffff;
	_ =	sdelay $0x1  }
0x55a: {  	_, v2, vm0 =	vpop (xrf1);
	_ =	sdelay $0x2  }
0x55b: {  	v2 =	vadd.s32 v3, v2;
	_ =	sdelay $0x2  }
0x55c: {  	[tilespmem:v1+s22+$0x0] =	vst.idx.msk vm0, v2  }
0x55d: {  	_, v2, vm0 =	vpop (xrf1);
	v3 =	vld.idx.msk [tilespmem:v1+s22+$0x0], $0xffff;
	_ =	sdelay $0x3  }
0x55e: {  	v2 =	vshll.u32 v2, $0x10  }
0x55f: {  	v2 =	vadd.s32 v3, v2  }
0x560: {  	[tilespmem:v1+s22+$0x0] =	vst.idx.msk vm0, v2  }
0x561: {  	v1 =	vld [tilespmem:$0x5D0];
	_ =	sdelay $0x4  }
0x562: {  	vm6 =	vlt.s32 v1, $0x13C0  }
0x563: {  	(xrf1) =	vunique.msk.u32 vm6, v1;
	_ =	sdelay $0x5  }
0x564: {  	vm7 =	vge.s32 v1, $0x13C0;
	v2 =	vadd.s32 $0xFFFFEC40, v1  }
0x565: {  	(xrf1) =	vunique.msk.u32 vm7, v1;
	v1 =	vsel vm6, v1, v2;
	_ =	sdelay $0x4  }
0x566: {  	v3 =	vld.idx.msk [tilespmem:v1+s22+$0x0], $0xffff;
	_ =	sdelay $0x1  }
0x567: {  	_, v2, vm0 =	vpop (xrf1);
	_ =	sdelay $0x2  }
0x568: {  	v2 =	vadd.s32 v3, v2;
	_ =	sdelay $0x2  }
0x569: {  	[tilespmem:v1+s22+$0x0] =	vst.idx.msk vm0, v2  }
0x56a: {  	_, v2, vm0 =	vpop (xrf1);
	v3 =	vld.idx.msk [tilespmem:v1+s22+$0x0], $0xffff;
	_ =	sdelay $0x3  }
0x56b: {  	v2 =	vshll.u32 v2, $0x10  }
0x56c: {  	v2 =	vadd.s32 v3, v2  }
0x56d: {  	[tilespmem:v1+s22+$0x0] =	vst.idx.msk vm0, v2  }
0x56e: {  	v1 =	vld [tilespmem:$0x5E0];
	_ =	sdelay $0x4  }
0x56f: {  	vm8 =	vlt.s32 v1, $0x13C0  }
0x570: {  	(xrf1) =	vunique.msk.u32 vm8, v1;
	_ =	sdelay $0x5  }
0x571: {  	vm9 =	vge.s32 v1, $0x13C0;
	v2 =	vadd.s32 $0xFFFFEC40, v1  }
0x572: {  	(xrf1) =	vunique.msk.u32 vm9, v1;
	v1 =	vsel vm8, v1, v2;
	_ =	sdelay $0x4  }
0x573: {  	v3 =	vld.idx.msk [tilespmem:v1+s22+$0x0], $0xffff;
	_ =	sdelay $0x1  }
0x574: {  	_, v2, vm0 =	vpop (xrf1);
	_ =	sdelay $0x2  }
0x575: {  	v2 =	vadd.s32 v3, v2;
	_ =	sdelay $0x2  }
0x576: {  	[tilespmem:v1+s22+$0x0] =	vst.idx.msk vm0, v2  }
0x577: {  	_, v2, vm0 =	vpop (xrf1);
	v3 =	vld.idx.msk [tilespmem:v1+s22+$0x0], $0xffff;
	_ =	sdelay $0x3  }
0x578: {  	v2 =	vshll.u32 v2, $0x10  }
0x579: {  	v2 =	vadd.s32 v3, v2  }
0x57a: {  	[tilespmem:v1+s22+$0x0] =	vst.idx.msk vm0, v2  }
0x57b: {  	v1 =	vld [tilespmem:$0x5F0];
	_ =	sdelay $0x4  }
0x57c: {  	vm10 =	vlt.s32 v1, $0x13C0  }
0x57d: {  	(xrf1) =	vunique.msk.u32 vm10, v1;
	_ =	sdelay $0x5  }
0x57e: {  	vm11 =	vge.s32 v1, $0x13C0;
	v2 =	vadd.s32 $0xFFFFEC40, v1  }
0x57f: {  	(xrf1) =	vunique.msk.u32 vm11, v1;
	v1 =	vsel vm10, v1, v2;
	_ =	sdelay $0x4  }
0x580: {  	v3 =	vld.idx.msk [tilespmem:v1+s22+$0x0], $0xffff;
	_ =	sdelay $0x1  }
0x581: {  	_, v2, vm0 =	vpop (xrf1);
	_ =	sdelay $0x2  }
0x582: {  	v2 =	vadd.s32 v3, v2;
	_ =	sdelay $0x2  }
0x583: {  	[tilespmem:v1+s22+$0x0] =	vst.idx.msk vm0, v2  }
0x584: {  	_, v2, vm0 =	vpop (xrf1);
	v3 =	vld.idx.msk [tilespmem:v1+s22+$0x0], $0xffff;
	_ =	sdelay $0x3  }
0x585: {  	v2 =	vshll.u32 v2, $0x10  }
0x586: {  	v2 =	vadd.s32 v3, v2  }
0x587: {  	[tilespmem:v1+s22+$0x0] =	vst.idx.msk vm0, v2  }
0x588: {  	_ =	swait.ge [sflag:s20], $0x4000  }
0x589: {  	[sflag:s20] =	ssyncset.done $0x0  }
0x58a: {  	[sflag:s20] =	ssyncadd.s32 $0xFFFFC000  }
0x58b: {  	_ =	swait.ge [sflag:s23], $0x4000  }
0x58c: {  	[sflag:s23] =	ssyncset.done $0x0  }
0x58d: {  	[sflag:s23] =	ssyncadd.s32 $0xFFFFC000  }
0x58e: {  	[tilespmem:s21], [sflag:$0x1] =	stream.indirect.gather [hbm4b:s0+s17], $0x80, s31, s17, $0xb8;
	[tilespmem:$0x1D800] =	vst v63  }
0x58f: {  	_ = 	snop  }
0x590: {  	[spmem:s3] =	stream.indirect.scatter.add.f32 [tilespmem:s18], [sflag:$0x2], $0x80, s1, s17, $0xb8;
	[tilespmem:$0x1D800] =	vst v63  }
0x591: {  	v1 =	vld [tilespmem:$0x600];
	_ =	sdelay $0x4  }
0x592: {  	vm12 =	vlt.s32 v1, $0x13C0  }
0x593: {  	(xrf1) =	vunique.msk.u32 vm12, v1;
	_ =	sdelay $0x5  }
0x594: {  	vm13 =	vge.s32 v1, $0x13C0;
	v2 =	vadd.s32 $0xFFFFEC40, v1  }
0x595: {  	(xrf1) =	vunique.msk.u32 vm13, v1;
	v1 =	vsel vm12, v1, v2;
	_ =	sdelay $0x4  }
0x596: {  	v3 =	vld.idx.msk [tilespmem:v1+s22+$0x0], $0xffff;
	_ =	sdelay $0x1  }
0x597: {  	_, v2, vm0 =	vpop (xrf1);
	_ =	sdelay $0x2  }
0x598: {  	v2 =	vadd.s32 v3, v2;
	_ =	sdelay $0x2  }
0x599: {  	[tilespmem:v1+s22+$0x0] =	vst.idx.msk vm0, v2  }
0x59a: {  	_, v2, vm0 =	vpop (xrf1);
	v3 =	vld.idx.msk [tilespmem:v1+s22+$0x0], $0xffff;
	_ =	sdelay $0x3  }
0x59b: {  	v2 =	vshll.u32 v2, $0x10  }
0x59c: {  	v2 =	vadd.s32 v3, v2  }
0x59d: {  	[tilespmem:v1+s22+$0x0] =	vst.idx.msk vm0, v2  }
0x59e: {  	v1 =	vld [tilespmem:$0x610];
	_ =	sdelay $0x4  }
0x59f: {  	vm14 =	vlt.s32 v1, $0x13C0  }
0x5a0: {  	(xrf1) =	vunique.msk.u32 vm14, v1;
	_ =	sdelay $0x5  }
0x5a1: {  	vm15 =	vge.s32 v1, $0x13C0;
	v2 =	vadd.s32 $0xFFFFEC40, v1  }
0x5a2: {  	(xrf1) =	vunique.msk.u32 vm15, v1;
	v1 =	vsel vm14, v1, v2;
	_ =	sdelay $0x4  }
0x5a3: {  	v3 =	vld.idx.msk [tilespmem:v1+s22+$0x0], $0xffff;
	_ =	sdelay $0x1  }
0x5a4: {  	_, v2, vm0 =	vpop (xrf1);
	_ =	sdelay $0x2  }
0x5a5: {  	v2 =	vadd.s32 v3, v2;
	_ =	sdelay $0x2  }
0x5a6: {  	[tilespmem:v1+s22+$0x0] =	vst.idx.msk vm0, v2  }
0x5a7: {  	_, v2, vm0 =	vpop (xrf1);
	v3 =	vld.idx.msk [tilespmem:v1+s22+$0x0], $0xffff;
	_ =	sdelay $0x3  }
0x5a8: {  	v2 =	vshll.u32 v2, $0x10  }
0x5a9: {  	v2 =	vadd.s32 v3, v2  }
0x5aa: {  	[tilespmem:v1+s22+$0x0] =	vst.idx.msk vm0, v2  }
0x5ab: {  	v1 =	vld [tilespmem:$0x620];
	_ =	sdelay $0x4  }
0x5ac: {  	vm4 =	vlt.s32 v1, $0x13C0  }
0x5ad: {  	(xrf1) =	vunique.msk.u32 vm4, v1;
	_ =	sdelay $0x5  }
0x5ae: {  	vm5 =	vge.s32 v1, $0x13C0;
	v2 =	vadd.s32 $0xFFFFEC40, v1  }
0x5af: {  	(xrf1) =	vunique.msk.u32 vm5, v1;
	v1 =	vsel vm4, v1, v2;
	_ =	sdelay $0x4  }
0x5b0: {  	v3 =	vld.idx.msk [tilespmem:v1+s22+$0x0], $0xffff;
	_ =	sdelay $0x1  }
0x5b1: {  	_, v2, vm0 =	vpop (xrf1);
	_ =	sdelay $0x2  }
0x5b2: {  	v2 =	vadd.s32 v3, v2;
	_ =	sdelay $0x2  }
0x5b3: {  	[tilespmem:v1+s22+$0x0] =	vst.idx.msk vm0, v2  }
0x5b4: {  	_, v2, vm0 =	vpop (xrf1);
	v3 =	vld.idx.msk [tilespmem:v1+s22+$0x0], $0xffff;
	_ =	sdelay $0x3  }
0x5b5: {  	v2 =	vshll.u32 v2, $0x10  }
0x5b6: {  	v2 =	vadd.s32 v3, v2  }
0x5b7: {  	[tilespmem:v1+s22+$0x0] =	vst.idx.msk vm0, v2  }
0x5b8: {  	v1 =	vld [tilespmem:$0x630];
	_ =	sdelay $0x4  }
0x5b9: {  	vm6 =	vlt.s32 v1, $0x13C0  }
0x5ba: {  	(xrf1) =	vunique.msk.u32 vm6, v1;
	_ =	sdelay $0x5  }
0x5bb: {  	vm7 =	vge.s32 v1, $0x13C0;
	v2 =	vadd.s32 $0xFFFFEC40, v1  }
0x5bc: {  	(xrf1) =	vunique.msk.u32 vm7, v1;
	v1 =	vsel vm6, v1, v2;
	_ =	sdelay $0x4  }
0x5bd: {  	v3 =	vld.idx.msk [tilespmem:v1+s22+$0x0], $0xffff;
	_ =	sdelay $0x1  }
0x5be: {  	_, v2, vm0 =	vpop (xrf1);
	_ =	sdelay $0x2  }
0x5bf: {  	v2 =	vadd.s32 v3, v2;
	_ =	sdelay $0x2  }
0x5c0: {  	[tilespmem:v1+s22+$0x0] =	vst.idx.msk vm0, v2  }
0x5c1: {  	_, v2, vm0 =	vpop (xrf1);
	v3 =	vld.idx.msk [tilespmem:v1+s22+$0x0], $0xffff;
	_ =	sdelay $0x3  }
0x5c2: {  	v2 =	vshll.u32 v2, $0x10  }
0x5c3: {  	v2 =	vadd.s32 v3, v2  }
0x5c4: {  	[tilespmem:v1+s22+$0x0] =	vst.idx.msk vm0, v2  }
0x5c5: {  	v1 =	vld [tilespmem:$0x640];
	_ =	sdelay $0x4  }
0x5c6: {  	vm8 =	vlt.s32 v1, $0x13C0  }
0x5c7: {  	(xrf1) =	vunique.msk.u32 vm8, v1;
	_ =	sdelay $0x5  }
0x5c8: {  	vm9 =	vge.s32 v1, $0x13C0;
	v2 =	vadd.s32 $0xFFFFEC40, v1  }
0x5c9: {  	(xrf1) =	vunique.msk.u32 vm9, v1;
	v1 =	vsel vm8, v1, v2;
	_ =	sdelay $0x4  }
0x5ca: {  	v3 =	vld.idx.msk [tilespmem:v1+s22+$0x0], $0xffff;
	_ =	sdelay $0x1  }
0x5cb: {  	_, v2, vm0 =	vpop (xrf1);
	_ =	sdelay $0x2  }
0x5cc: {  	v2 =	vadd.s32 v3, v2;
	_ =	sdelay $0x2  }
0x5cd: {  	[tilespmem:v1+s22+$0x0] =	vst.idx.msk vm0, v2  }
0x5ce: {  	_, v2, vm0 =	vpop (xrf1);
	v3 =	vld.idx.msk [tilespmem:v1+s22+$0x0], $0xffff;
	_ =	sdelay $0x3  }
0x5cf: {  	v2 =	vshll.u32 v2, $0x10  }
0x5d0: {  	v2 =	vadd.s32 v3, v2  }
0x5d1: {  	[tilespmem:v1+s22+$0x0] =	vst.idx.msk vm0, v2  }
0x5d2: {  	v1 =	vld [tilespmem:$0x650];
	_ =	sdelay $0x4  }
0x5d3: {  	vm10 =	vlt.s32 v1, $0x13C0  }
0x5d4: {  	(xrf1) =	vunique.msk.u32 vm10, v1;
	_ =	sdelay $0x5  }
0x5d5: {  	vm11 =	vge.s32 v1, $0x13C0;
	v2 =	vadd.s32 $0xFFFFEC40, v1  }
0x5d6: {  	(xrf1) =	vunique.msk.u32 vm11, v1;
	v1 =	vsel vm10, v1, v2;
	_ =	sdelay $0x4  }
0x5d7: {  	v3 =	vld.idx.msk [tilespmem:v1+s22+$0x0], $0xffff;
	_ =	sdelay $0x1  }
0x5d8: {  	_, v2, vm0 =	vpop (xrf1);
	_ =	sdelay $0x2  }
0x5d9: {  	v2 =	vadd.s32 v3, v2;
	_ =	sdelay $0x2  }
0x5da: {  	[tilespmem:v1+s22+$0x0] =	vst.idx.msk vm0, v2  }
0x5db: {  	_, v2, vm0 =	vpop (xrf1);
	v3 =	vld.idx.msk [tilespmem:v1+s22+$0x0], $0xffff;
	_ =	sdelay $0x3  }
0x5dc: {  	v2 =	vshll.u32 v2, $0x10  }
0x5dd: {  	v2 =	vadd.s32 v3, v2  }
0x5de: {  	[tilespmem:v1+s22+$0x0] =	vst.idx.msk vm0, v2  }
0x5df: {  	v1 =	vld [tilespmem:$0x660];
	_ =	sdelay $0x4  }
0x5e0: {  	vm12 =	vlt.s32 v1, $0x13C0  }
0x5e1: {  	(xrf1) =	vunique.msk.u32 vm12, v1;
	_ =	sdelay $0x5  }
0x5e2: {  	vm13 =	vge.s32 v1, $0x13C0;
	v2 =	vadd.s32 $0xFFFFEC40, v1  }
0x5e3: {  	(xrf1) =	vunique.msk.u32 vm13, v1;
	v1 =	vsel vm12, v1, v2;
	_ =	sdelay $0x4  }
0x5e4: {  	v3 =	vld.idx.msk [tilespmem:v1+s22+$0x0], $0xffff;
	_ =	sdelay $0x1  }
0x5e5: {  	_, v2, vm0 =	vpop (xrf1);
	_ =	sdelay $0x2  }
0x5e6: {  	v2 =	vadd.s32 v3, v2;
	_ =	sdelay $0x2  }
0x5e7: {  	[tilespmem:v1+s22+$0x0] =	vst.idx.msk vm0, v2  }
0x5e8: {  	_, v2, vm0 =	vpop (xrf1);
	v3 =	vld.idx.msk [tilespmem:v1+s22+$0x0], $0xffff;
	_ =	sdelay $0x3  }
0x5e9: {  	v2 =	vshll.u32 v2, $0x10  }
0x5ea: {  	v2 =	vadd.s32 v3, v2  }
0x5eb: {  	[tilespmem:v1+s22+$0x0] =	vst.idx.msk vm0, v2  }
0x5ec: {  	v1 =	vld [tilespmem:$0x670];
	_ =	sdelay $0x4  }
0x5ed: {  	vm14 =	vlt.s32 v1, $0x13C0  }
0x5ee: {  	(xrf1) =	vunique.msk.u32 vm14, v1;
	_ =	sdelay $0x5  }
0x5ef: {  	vm15 =	vge.s32 v1, $0x13C0;
	v2 =	vadd.s32 $0xFFFFEC40, v1  }
0x5f0: {  	(xrf1) =	vunique.msk.u32 vm15, v1;
	v1 =	vsel vm14, v1, v2;
	_ =	sdelay $0x4  }
0x5f1: {  	v3 =	vld.idx.msk [tilespmem:v1+s22+$0x0], $0xffff;
	_ =	sdelay $0x1  }
0x5f2: {  	_, v2, vm0 =	vpop (xrf1);
	_ =	sdelay $0x2  }
0x5f3: {  	v2 =	vadd.s32 v3, v2;
	_ =	sdelay $0x2  }
0x5f4: {  	[tilespmem:v1+s22+$0x0] =	vst.idx.msk vm0, v2  }
0x5f5: {  	_, v2, vm0 =	vpop (xrf1);
	v3 =	vld.idx.msk [tilespmem:v1+s22+$0x0], $0xffff;
	_ =	sdelay $0x3  }
0x5f6: {  	v2 =	vshll.u32 v2, $0x10  }
0x5f7: {  	v2 =	vadd.s32 v3, v2  }
0x5f8: {  	[tilespmem:v1+s22+$0x0] =	vst.idx.msk vm0, v2  }
0x5f9: {  	_ =	swait.ge [sflag:s20], $0x4000  }
0x5fa: {  	[sflag:s20] =	ssyncset.done $0x0  }
0x5fb: {  	[sflag:s20] =	ssyncadd.s32 $0xFFFFC000  }
0x5fc: {  	_ =	swait.ge [sflag:s23], $0x4000  }
0x5fd: {  	[sflag:s23] =	ssyncset.done $0x0  }
0x5fe: {  	[sflag:s23] =	ssyncadd.s32 $0xFFFFC000  }
0x5ff: {  	[tilespmem:s18], [sflag:$0x1] =	stream.indirect.gather [hbm4b:s0+s17], $0x80, s2, s17, $0xb8;
	[tilespmem:$0x1D800] =	vst v63  }
0x600: {  	_ = 	snop  }
0x601: {  	[spmem:s3] =	stream.indirect.scatter.add.f32 [tilespmem:s21], [sflag:$0x2], $0x80, s5, s17, $0xb8;
	[tilespmem:$0x1D800] =	vst v63  }
0x602: {  	v1 =	vld [tilespmem:$0x680];
	_ =	sdelay $0x4  }
0x603: {  	vm4 =	vlt.s32 v1, $0x13C0  }
0x604: {  	(xrf1) =	vunique.msk.u32 vm4, v1;
	_ =	sdelay $0x5  }
0x605: {  	vm5 =	vge.s32 v1, $0x13C0;
	v2 =	vadd.s32 $0xFFFFEC40, v1  }
0x606: {  	(xrf1) =	vunique.msk.u32 vm5, v1;
	v1 =	vsel vm4, v1, v2;
	_ =	sdelay $0x4  }
0x607: {  	v3 =	vld.idx.msk [tilespmem:v1+s22+$0x0], $0xffff;
	_ =	sdelay $0x1  }
0x608: {  	_, v2, vm0 =	vpop (xrf1);
	_ =	sdelay $0x2  }
0x609: {  	v2 =	vadd.s32 v3, v2;
	_ =	sdelay $0x2  }
0x60a: {  	[tilespmem:v1+s22+$0x0] =	vst.idx.msk vm0, v2  }
0x60b: {  	_, v2, vm0 =	vpop (xrf1);
	v3 =	vld.idx.msk [tilespmem:v1+s22+$0x0], $0xffff;
	_ =	sdelay $0x3  }
0x60c: {  	v2 =	vshll.u32 v2, $0x10  }
0x60d: {  	v2 =	vadd.s32 v3, v2  }
0x60e: {  	[tilespmem:v1+s22+$0x0] =	vst.idx.msk vm0, v2  }
0x60f: {  	v1 =	vld [tilespmem:$0x690];
	_ =	sdelay $0x4  }
0x610: {  	vm6 =	vlt.s32 v1, $0x13C0  }
0x611: {  	(xrf1) =	vunique.msk.u32 vm6, v1;
	_ =	sdelay $0x5  }
0x612: {  	vm7 =	vge.s32 v1, $0x13C0;
	v2 =	vadd.s32 $0xFFFFEC40, v1  }
0x613: {  	(xrf1) =	vunique.msk.u32 vm7, v1;
	v1 =	vsel vm6, v1, v2;
	_ =	sdelay $0x4  }
0x614: {  	v3 =	vld.idx.msk [tilespmem:v1+s22+$0x0], $0xffff;
	_ =	sdelay $0x1  }
0x615: {  	_, v2, vm0 =	vpop (xrf1);
	_ =	sdelay $0x2  }
0x616: {  	v2 =	vadd.s32 v3, v2;
	_ =	sdelay $0x2  }
0x617: {  	[tilespmem:v1+s22+$0x0] =	vst.idx.msk vm0, v2  }
0x618: {  	_, v2, vm0 =	vpop (xrf1);
	v3 =	vld.idx.msk [tilespmem:v1+s22+$0x0], $0xffff;
	_ =	sdelay $0x3  }
0x619: {  	v2 =	vshll.u32 v2, $0x10  }
0x61a: {  	v2 =	vadd.s32 v3, v2  }
0x61b: {  	[tilespmem:v1+s22+$0x0] =	vst.idx.msk vm0, v2  }
0x61c: {  	v1 =	vld [tilespmem:$0x6A0];
	_ =	sdelay $0x4  }
0x61d: {  	vm8 =	vlt.s32 v1, $0x13C0  }
0x61e: {  	(xrf1) =	vunique.msk.u32 vm8, v1;
	_ =	sdelay $0x5  }
0x61f: {  	vm9 =	vge.s32 v1, $0x13C0;
	v2 =	vadd.s32 $0xFFFFEC40, v1  }
0x620: {  	(xrf1) =	vunique.msk.u32 vm9, v1;
	v1 =	vsel vm8, v1, v2;
	_ =	sdelay $0x4  }
0x621: {  	v3 =	vld.idx.msk [tilespmem:v1+s22+$0x0], $0xffff;
	_ =	sdelay $0x1  }
0x622: {  	_, v2, vm0 =	vpop (xrf1);
	_ =	sdelay $0x2  }
0x623: {  	v2 =	vadd.s32 v3, v2;
	_ =	sdelay $0x2  }
0x624: {  	[tilespmem:v1+s22+$0x0] =	vst.idx.msk vm0, v2  }
0x625: {  	_, v2, vm0 =	vpop (xrf1);
	v3 =	vld.idx.msk [tilespmem:v1+s22+$0x0], $0xffff;
	_ =	sdelay $0x3  }
0x626: {  	v2 =	vshll.u32 v2, $0x10  }
0x627: {  	v2 =	vadd.s32 v3, v2  }
0x628: {  	[tilespmem:v1+s22+$0x0] =	vst.idx.msk vm0, v2  }
0x629: {  	v1 =	vld [tilespmem:$0x6B0];
	_ =	sdelay $0x4  }
0x62a: {  	vm10 =	vlt.s32 v1, $0x13C0  }
0x62b: {  	(xrf1) =	vunique.msk.u32 vm10, v1;
	_ =	sdelay $0x5  }
0x62c: {  	vm11 =	vge.s32 v1, $0x13C0;
	v2 =	vadd.s32 $0xFFFFEC40, v1  }
0x62d: {  	(xrf1) =	vunique.msk.u32 vm11, v1;
	v1 =	vsel vm10, v1, v2;
	_ =	sdelay $0x4  }
0x62e: {  	v3 =	vld.idx.msk [tilespmem:v1+s22+$0x0], $0xffff;
	_ =	sdelay $0x1  }
0x62f: {  	_, v2, vm0 =	vpop (xrf1);
	_ =	sdelay $0x2  }
0x630: {  	v2 =	vadd.s32 v3, v2;
	_ =	sdelay $0x2  }
0x631: {  	[tilespmem:v1+s22+$0x0] =	vst.idx.msk vm0, v2  }
0x632: {  	_, v2, vm0 =	vpop (xrf1);
	v3 =	vld.idx.msk [tilespmem:v1+s22+$0x0], $0xffff;
	_ =	sdelay $0x3  }
0x633: {  	v2 =	vshll.u32 v2, $0x10  }
0x634: {  	v2 =	vadd.s32 v3, v2  }
0x635: {  	[tilespmem:v1+s22+$0x0] =	vst.idx.msk vm0, v2  }
0x636: {  	v1 =	vld [tilespmem:$0x6C0];
	_ =	sdelay $0x4  }
0x637: {  	vm12 =	vlt.s32 v1, $0x13C0  }
0x638: {  	(xrf1) =	vunique.msk.u32 vm12, v1;
	_ =	sdelay $0x5  }
0x639: {  	vm13 =	vge.s32 v1, $0x13C0;
	v2 =	vadd.s32 $0xFFFFEC40, v1  }
0x63a: {  	(xrf1) =	vunique.msk.u32 vm13, v1;
	v1 =	vsel vm12, v1, v2;
	_ =	sdelay $0x4  }
0x63b: {  	v3 =	vld.idx.msk [tilespmem:v1+s22+$0x0], $0xffff;
	_ =	sdelay $0x1  }
0x63c: {  	_, v2, vm0 =	vpop (xrf1);
	_ =	sdelay $0x2  }
0x63d: {  	v2 =	vadd.s32 v3, v2;
	_ =	sdelay $0x2  }
0x63e: {  	[tilespmem:v1+s22+$0x0] =	vst.idx.msk vm0, v2  }
0x63f: {  	_, v2, vm0 =	vpop (xrf1);
	v3 =	vld.idx.msk [tilespmem:v1+s22+$0x0], $0xffff;
	_ =	sdelay $0x3  }
0x640: {  	v2 =	vshll.u32 v2, $0x10  }
0x641: {  	v2 =	vadd.s32 v3, v2  }
0x642: {  	[tilespmem:v1+s22+$0x0] =	vst.idx.msk vm0, v2  }
0x643: {  	v1 =	vld [tilespmem:$0x6D0];
	_ =	sdelay $0x4  }
0x644: {  	vm14 =	vlt.s32 v1, $0x13C0  }
0x645: {  	(xrf1) =	vunique.msk.u32 vm14, v1;
	_ =	sdelay $0x5  }
0x646: {  	vm15 =	vge.s32 v1, $0x13C0;
	v2 =	vadd.s32 $0xFFFFEC40, v1  }
0x647: {  	(xrf1) =	vunique.msk.u32 vm15, v1;
	v1 =	vsel vm14, v1, v2;
	_ =	sdelay $0x4  }
0x648: {  	v3 =	vld.idx.msk [tilespmem:v1+s22+$0x0], $0xffff;
	_ =	sdelay $0x1  }
0x649: {  	_, v2, vm0 =	vpop (xrf1);
	_ =	sdelay $0x2  }
0x64a: {  	v2 =	vadd.s32 v3, v2;
	_ =	sdelay $0x2  }
0x64b: {  	[tilespmem:v1+s22+$0x0] =	vst.idx.msk vm0, v2  }
0x64c: {  	_, v2, vm0 =	vpop (xrf1);
	v3 =	vld.idx.msk [tilespmem:v1+s22+$0x0], $0xffff;
	_ =	sdelay $0x3  }
0x64d: {  	v2 =	vshll.u32 v2, $0x10  }
0x64e: {  	v2 =	vadd.s32 v3, v2  }
0x64f: {  	[tilespmem:v1+s22+$0x0] =	vst.idx.msk vm0, v2  }
0x650: {  	v1 =	vld [tilespmem:$0x6E0];
	_ =	sdelay $0x4  }
0x651: {  	vm4 =	vlt.s32 v1, $0x13C0  }
0x652: {  	(xrf1) =	vunique.msk.u32 vm4, v1;
	_ =	sdelay $0x5  }
0x653: {  	vm5 =	vge.s32 v1, $0x13C0;
	v2 =	vadd.s32 $0xFFFFEC40, v1  }
0x654: {  	(xrf1) =	vunique.msk.u32 vm5, v1;
	v1 =	vsel vm4, v1, v2;
	_ =	sdelay $0x4  }
0x655: {  	v3 =	vld.idx.msk [tilespmem:v1+s22+$0x0], $0xffff;
	_ =	sdelay $0x1  }
0x656: {  	_, v2, vm0 =	vpop (xrf1);
	_ =	sdelay $0x2  }
0x657: {  	v2 =	vadd.s32 v3, v2;
	_ =	sdelay $0x2  }
0x658: {  	[tilespmem:v1+s22+$0x0] =	vst.idx.msk vm0, v2  }
0x659: {  	_, v2, vm0 =	vpop (xrf1);
	v3 =	vld.idx.msk [tilespmem:v1+s22+$0x0], $0xffff;
	_ =	sdelay $0x3  }
0x65a: {  	v2 =	vshll.u32 v2, $0x10  }
0x65b: {  	v2 =	vadd.s32 v3, v2  }
0x65c: {  	[tilespmem:v1+s22+$0x0] =	vst.idx.msk vm0, v2  }
0x65d: {  	v1 =	vld [tilespmem:$0x6F0];
	_ =	sdelay $0x4  }
0x65e: {  	vm6 =	vlt.s32 v1, $0x13C0  }
0x65f: {  	(xrf1) =	vunique.msk.u32 vm6, v1;
	_ =	sdelay $0x5  }
0x660: {  	vm7 =	vge.s32 v1, $0x13C0;
	v2 =	vadd.s32 $0xFFFFEC40, v1  }
0x661: {  	(xrf1) =	vunique.msk.u32 vm7, v1;
	v1 =	vsel vm6, v1, v2;
	_ =	sdelay $0x4  }
0x662: {  	v3 =	vld.idx.msk [tilespmem:v1+s22+$0x0], $0xffff;
	_ =	sdelay $0x1  }
0x663: {  	_, v2, vm0 =	vpop (xrf1);
	_ =	sdelay $0x2  }
0x664: {  	v2 =	vadd.s32 v3, v2;
	_ =	sdelay $0x2  }
0x665: {  	[tilespmem:v1+s22+$0x0] =	vst.idx.msk vm0, v2  }
0x666: {  	_, v2, vm0 =	vpop (xrf1);
	v3 =	vld.idx.msk [tilespmem:v1+s22+$0x0], $0xffff;
	_ =	sdelay $0x3  }
0x667: {  	v2 =	vshll.u32 v2, $0x10  }
0x668: {  	v2 =	vadd.s32 v3, v2  }
0x669: {  	[tilespmem:v1+s22+$0x0] =	vst.idx.msk vm0, v2  }
0x66a: {  	_ =	swait.ge [sflag:s20], $0x4000  }
0x66b: {  	[sflag:s20] =	ssyncset.done $0x0  }
0x66c: {  	[sflag:s20] =	ssyncadd.s32 $0xFFFFC000  }
0x66d: {  	_ =	swait.ge [sflag:s23], $0x4000  }
0x66e: {  	[sflag:s23] =	ssyncset.done $0x0  }
0x66f: {  	[sflag:s23] =	ssyncadd.s32 $0xFFFFC000  }
0x670: {  	[tilespmem:s21], [sflag:$0x1] =	stream.indirect.gather [hbm4b:s0+s17], $0x80, s8, s17, $0xb8;
	[tilespmem:$0x1D800] =	vst v63  }
0x671: {  	_ = 	snop  }
0x672: {  	[spmem:s3] =	stream.indirect.scatter.add.f32 [tilespmem:s18], [sflag:$0x2], $0x80, s9, s17, $0xb8;
	[tilespmem:$0x1D800] =	vst v63  }
0x673: {  	v1 =	vld [tilespmem:$0x700];
	_ =	sdelay $0x4  }
0x674: {  	vm8 =	vlt.s32 v1, $0x13C0  }
0x675: {  	(xrf1) =	vunique.msk.u32 vm8, v1;
	_ =	sdelay $0x5  }
0x676: {  	vm9 =	vge.s32 v1, $0x13C0;
	v2 =	vadd.s32 $0xFFFFEC40, v1  }
0x677: {  	(xrf1) =	vunique.msk.u32 vm9, v1;
	v1 =	vsel vm8, v1, v2;
	_ =	sdelay $0x4  }
0x678: {  	v3 =	vld.idx.msk [tilespmem:v1+s22+$0x0], $0xffff;
	_ =	sdelay $0x1  }
0x679: {  	_, v2, vm0 =	vpop (xrf1);
	_ =	sdelay $0x2  }
0x67a: {  	v2 =	vadd.s32 v3, v2;
	_ =	sdelay $0x2  }
0x67b: {  	[tilespmem:v1+s22+$0x0] =	vst.idx.msk vm0, v2  }
0x67c: {  	_, v2, vm0 =	vpop (xrf1);
	v3 =	vld.idx.msk [tilespmem:v1+s22+$0x0], $0xffff;
	_ =	sdelay $0x3  }
0x67d: {  	v2 =	vshll.u32 v2, $0x10  }
0x67e: {  	v2 =	vadd.s32 v3, v2  }
0x67f: {  	[tilespmem:v1+s22+$0x0] =	vst.idx.msk vm0, v2  }
0x680: {  	v1 =	vld [tilespmem:$0x710];
	_ =	sdelay $0x4  }
0x681: {  	vm10 =	vlt.s32 v1, $0x13C0  }
0x682: {  	(xrf1) =	vunique.msk.u32 vm10, v1;
	_ =	sdelay $0x5  }
0x683: {  	vm11 =	vge.s32 v1, $0x13C0;
	v2 =	vadd.s32 $0xFFFFEC40, v1  }
0x684: {  	(xrf1) =	vunique.msk.u32 vm11, v1;
	v1 =	vsel vm10, v1, v2;
	_ =	sdelay $0x4  }
0x685: {  	v3 =	vld.idx.msk [tilespmem:v1+s22+$0x0], $0xffff;
	_ =	sdelay $0x1  }
0x686: {  	_, v2, vm0 =	vpop (xrf1);
	_ =	sdelay $0x2  }
0x687: {  	v2 =	vadd.s32 v3, v2;
	_ =	sdelay $0x2  }
0x688: {  	[tilespmem:v1+s22+$0x0] =	vst.idx.msk vm0, v2  }
0x689: {  	_, v2, vm0 =	vpop (xrf1);
	v3 =	vld.idx.msk [tilespmem:v1+s22+$0x0], $0xffff;
	_ =	sdelay $0x3  }
0x68a: {  	v2 =	vshll.u32 v2, $0x10  }
0x68b: {  	v2 =	vadd.s32 v3, v2  }
0x68c: {  	[tilespmem:v1+s22+$0x0] =	vst.idx.msk vm0, v2  }
0x68d: {  	v1 =	vld [tilespmem:$0x720];
	_ =	sdelay $0x4  }
0x68e: {  	vm12 =	vlt.s32 v1, $0x13C0  }
0x68f: {  	(xrf1) =	vunique.msk.u32 vm12, v1;
	_ =	sdelay $0x5  }
0x690: {  	vm13 =	vge.s32 v1, $0x13C0;
	v2 =	vadd.s32 $0xFFFFEC40, v1  }
0x691: {  	(xrf1) =	vunique.msk.u32 vm13, v1;
	v1 =	vsel vm12, v1, v2;
	_ =	sdelay $0x4  }
0x692: {  	v3 =	vld.idx.msk [tilespmem:v1+s22+$0x0], $0xffff;
	_ =	sdelay $0x1  }
0x693: {  	_, v2, vm0 =	vpop (xrf1);
	_ =	sdelay $0x2  }
0x694: {  	v2 =	vadd.s32 v3, v2;
	_ =	sdelay $0x2  }
0x695: {  	[tilespmem:v1+s22+$0x0] =	vst.idx.msk vm0, v2  }
0x696: {  	_, v2, vm0 =	vpop (xrf1);
	v3 =	vld.idx.msk [tilespmem:v1+s22+$0x0], $0xffff;
	_ =	sdelay $0x3  }
0x697: {  	v2 =	vshll.u32 v2, $0x10  }
0x698: {  	v2 =	vadd.s32 v3, v2  }
0x699: {  	[tilespmem:v1+s22+$0x0] =	vst.idx.msk vm0, v2  }
0x69a: {  	v1 =	vld [tilespmem:$0x730];
	_ =	sdelay $0x4  }
0x69b: {  	vm14 =	vlt.s32 v1, $0x13C0  }
0x69c: {  	(xrf1) =	vunique.msk.u32 vm14, v1;
	_ =	sdelay $0x5  }
0x69d: {  	vm15 =	vge.s32 v1, $0x13C0;
	v2 =	vadd.s32 $0xFFFFEC40, v1  }
0x69e: {  	(xrf1) =	vunique.msk.u32 vm15, v1;
	v1 =	vsel vm14, v1, v2;
	_ =	sdelay $0x4  }
0x69f: {  	v3 =	vld.idx.msk [tilespmem:v1+s22+$0x0], $0xffff;
	_ =	sdelay $0x1  }
0x6a0: {  	_, v2, vm0 =	vpop (xrf1);
	_ =	sdelay $0x2  }
0x6a1: {  	v2 =	vadd.s32 v3, v2;
	_ =	sdelay $0x2  }
0x6a2: {  	[tilespmem:v1+s22+$0x0] =	vst.idx.msk vm0, v2  }
0x6a3: {  	_, v2, vm0 =	vpop (xrf1);
	v3 =	vld.idx.msk [tilespmem:v1+s22+$0x0], $0xffff;
	_ =	sdelay $0x3  }
0x6a4: {  	v2 =	vshll.u32 v2, $0x10  }
0x6a5: {  	v2 =	vadd.s32 v3, v2  }
0x6a6: {  	[tilespmem:v1+s22+$0x0] =	vst.idx.msk vm0, v2  }
0x6a7: {  	v1 =	vld [tilespmem:$0x740];
	_ =	sdelay $0x4  }
0x6a8: {  	vm4 =	vlt.s32 v1, $0x13C0  }
0x6a9: {  	(xrf1) =	vunique.msk.u32 vm4, v1;
	_ =	sdelay $0x5  }
0x6aa: {  	vm5 =	vge.s32 v1, $0x13C0;
	v2 =	vadd.s32 $0xFFFFEC40, v1  }
0x6ab: {  	(xrf1) =	vunique.msk.u32 vm5, v1;
	v1 =	vsel vm4, v1, v2;
	_ =	sdelay $0x4  }
0x6ac: {  	v3 =	vld.idx.msk [tilespmem:v1+s22+$0x0], $0xffff;
	_ =	sdelay $0x1  }
0x6ad: {  	_, v2, vm0 =	vpop (xrf1);
	_ =	sdelay $0x2  }
0x6ae: {  	v2 =	vadd.s32 v3, v2;
	_ =	sdelay $0x2  }
0x6af: {  	[tilespmem:v1+s22+$0x0] =	vst.idx.msk vm0, v2  }
0x6b0: {  	_, v2, vm0 =	vpop (xrf1);
	v3 =	vld.idx.msk [tilespmem:v1+s22+$0x0], $0xffff;
	_ =	sdelay $0x3  }
0x6b1: {  	v2 =	vshll.u32 v2, $0x10  }
0x6b2: {  	v2 =	vadd.s32 v3, v2  }
0x6b3: {  	[tilespmem:v1+s22+$0x0] =	vst.idx.msk vm0, v2  }
0x6b4: {  	v1 =	vld [tilespmem:$0x750];
	_ =	sdelay $0x4  }
0x6b5: {  	vm6 =	vlt.s32 v1, $0x13C0  }
0x6b6: {  	(xrf1) =	vunique.msk.u32 vm6, v1;
	_ =	sdelay $0x5  }
0x6b7: {  	vm7 =	vge.s32 v1, $0x13C0;
	v2 =	vadd.s32 $0xFFFFEC40, v1  }
0x6b8: {  	(xrf1) =	vunique.msk.u32 vm7, v1;
	v1 =	vsel vm6, v1, v2;
	_ =	sdelay $0x4  }
0x6b9: {  	v3 =	vld.idx.msk [tilespmem:v1+s22+$0x0], $0xffff;
	_ =	sdelay $0x1  }
0x6ba: {  	_, v2, vm0 =	vpop (xrf1);
	_ =	sdelay $0x2  }
0x6bb: {  	v2 =	vadd.s32 v3, v2;
	_ =	sdelay $0x2  }
0x6bc: {  	[tilespmem:v1+s22+$0x0] =	vst.idx.msk vm0, v2  }
0x6bd: {  	_, v2, vm0 =	vpop (xrf1);
	v3 =	vld.idx.msk [tilespmem:v1+s22+$0x0], $0xffff;
	_ =	sdelay $0x3  }
0x6be: {  	v2 =	vshll.u32 v2, $0x10  }
0x6bf: {  	v2 =	vadd.s32 v3, v2  }
0x6c0: {  	[tilespmem:v1+s22+$0x0] =	vst.idx.msk vm0, v2  }
0x6c1: {  	v1 =	vld [tilespmem:$0x760];
	_ =	sdelay $0x4  }
0x6c2: {  	vm8 =	vlt.s32 v1, $0x13C0  }
0x6c3: {  	(xrf1) =	vunique.msk.u32 vm8, v1;
	_ =	sdelay $0x5  }
0x6c4: {  	vm9 =	vge.s32 v1, $0x13C0;
	v2 =	vadd.s32 $0xFFFFEC40, v1  }
0x6c5: {  	(xrf1) =	vunique.msk.u32 vm9, v1;
	v1 =	vsel vm8, v1, v2;
	_ =	sdelay $0x4  }
0x6c6: {  	v3 =	vld.idx.msk [tilespmem:v1+s22+$0x0], $0xffff;
	_ =	sdelay $0x1  }
0x6c7: {  	_, v2, vm0 =	vpop (xrf1);
	_ =	sdelay $0x2  }
0x6c8: {  	v2 =	vadd.s32 v3, v2;
	_ =	sdelay $0x2  }
0x6c9: {  	[tilespmem:v1+s22+$0x0] =	vst.idx.msk vm0, v2  }
0x6ca: {  	_, v2, vm0 =	vpop (xrf1);
	v3 =	vld.idx.msk [tilespmem:v1+s22+$0x0], $0xffff;
	_ =	sdelay $0x3  }
0x6cb: {  	v2 =	vshll.u32 v2, $0x10  }
0x6cc: {  	v2 =	vadd.s32 v3, v2  }
0x6cd: {  	[tilespmem:v1+s22+$0x0] =	vst.idx.msk vm0, v2  }
0x6ce: {  	v1 =	vld [tilespmem:$0x770];
	_ =	sdelay $0x4  }
0x6cf: {  	vm10 =	vlt.s32 v1, $0x13C0  }
0x6d0: {  	(xrf1) =	vunique.msk.u32 vm10, v1;
	_ =	sdelay $0x5  }
0x6d1: {  	vm11 =	vge.s32 v1, $0x13C0;
	v2 =	vadd.s32 $0xFFFFEC40, v1  }
0x6d2: {  	(xrf1) =	vunique.msk.u32 vm11, v1;
	v1 =	vsel vm10, v1, v2;
	_ =	sdelay $0x4  }
0x6d3: {  	v3 =	vld.idx.msk [tilespmem:v1+s22+$0x0], $0xffff;
	_ =	sdelay $0x1  }
0x6d4: {  	_, v2, vm0 =	vpop (xrf1);
	_ =	sdelay $0x2  }
0x6d5: {  	v2 =	vadd.s32 v3, v2;
	_ =	sdelay $0x2  }
0x6d6: {  	[tilespmem:v1+s22+$0x0] =	vst.idx.msk vm0, v2  }
0x6d7: {  	_, v2, vm0 =	vpop (xrf1);
	v3 =	vld.idx.msk [tilespmem:v1+s22+$0x0], $0xffff;
	_ =	sdelay $0x3  }
0x6d8: {  	v2 =	vshll.u32 v2, $0x10  }
0x6d9: {  	v2 =	vadd.s32 v3, v2  }
0x6da: {  	[tilespmem:v1+s22+$0x0] =	vst.idx.msk vm0, v2  }
0x6db: {  	_ =	swait.ge [sflag:s20], $0x4000  }
0x6dc: {  	[sflag:s20] =	ssyncset.done $0x0  }
0x6dd: {  	[sflag:s20] =	ssyncadd.s32 $0xFFFFC000  }
0x6de: {  	_ =	swait.ge [sflag:s23], $0x4000  }
0x6df: {  	s6 =	rddreg [dreg:$0x5];
	[sflag:s23] =	ssyncset.done $0x0  }
0x6e0: {  	[sflag:s23] =	ssyncadd.s32 $0xFFFFC000;
	s6 =	sadd.s32 s12, s6  }
0x6e1: {  	[tilespmem:s4], [sflag:$0x3] =	stream.linear.gather [hbm4b:s6+s4], $0x400, $0x38;
	[tilespmem:$0x1D800] =	vst v63  }
0x6e2: {  	_ = 	snop  }
0x6e3: {  	[spmem:s3] =	stream.indirect.scatter.add.f32 [tilespmem:s21], [sflag:$0x2], $0x80, s10, s17, $0xb8;
	[tilespmem:$0x1D800] =	vst v63  }
0x6e4: {  	v1 =	vld [tilespmem:$0x780];
	_ =	sdelay $0x4  }
0x6e5: {  	vm12 =	vlt.s32 v1, $0x13C0  }
0x6e6: {  	(xrf1) =	vunique.msk.u32 vm12, v1;
	_ =	sdelay $0x5  }
0x6e7: {  	vm13 =	vge.s32 v1, $0x13C0;
	v2 =	vadd.s32 $0xFFFFEC40, v1  }
0x6e8: {  	(xrf1) =	vunique.msk.u32 vm13, v1;
	v1 =	vsel vm12, v1, v2;
	_ =	sdelay $0x4  }
0x6e9: {  	v3 =	vld.idx.msk [tilespmem:v1+s22+$0x0], $0xffff;
	_ =	sdelay $0x1  }
0x6ea: {  	_, v2, vm0 =	vpop (xrf1);
	_ =	sdelay $0x2  }
0x6eb: {  	v2 =	vadd.s32 v3, v2;
	_ =	sdelay $0x2  }
0x6ec: {  	[tilespmem:v1+s22+$0x0] =	vst.idx.msk vm0, v2  }
0x6ed: {  	_, v2, vm0 =	vpop (xrf1);
	v3 =	vld.idx.msk [tilespmem:v1+s22+$0x0], $0xffff;
	_ =	sdelay $0x3  }
0x6ee: {  	v2 =	vshll.u32 v2, $0x10  }
0x6ef: {  	v2 =	vadd.s32 v3, v2  }
0x6f0: {  	[tilespmem:v1+s22+$0x0] =	vst.idx.msk vm0, v2  }
0x6f1: {  	v1 =	vld [tilespmem:$0x790];
	_ =	sdelay $0x4  }
0x6f2: {  	vm14 =	vlt.s32 v1, $0x13C0  }
0x6f3: {  	(xrf1) =	vunique.msk.u32 vm14, v1;
	_ =	sdelay $0x5  }
0x6f4: {  	vm15 =	vge.s32 v1, $0x13C0;
	v2 =	vadd.s32 $0xFFFFEC40, v1  }
0x6f5: {  	(xrf1) =	vunique.msk.u32 vm15, v1;
	v1 =	vsel vm14, v1, v2;
	_ =	sdelay $0x4  }
0x6f6: {  	v3 =	vld.idx.msk [tilespmem:v1+s22+$0x0], $0xffff;
	_ =	sdelay $0x1  }
0x6f7: {  	_, v2, vm0 =	vpop (xrf1);
	_ =	sdelay $0x2  }
0x6f8: {  	v2 =	vadd.s32 v3, v2;
	_ =	sdelay $0x2  }
0x6f9: {  	[tilespmem:v1+s22+$0x0] =	vst.idx.msk vm0, v2  }
0x6fa: {  	_, v2, vm0 =	vpop (xrf1);
	v3 =	vld.idx.msk [tilespmem:v1+s22+$0x0], $0xffff;
	_ =	sdelay $0x3  }
0x6fb: {  	v2 =	vshll.u32 v2, $0x10  }
0x6fc: {  	v2 =	vadd.s32 v3, v2  }
0x6fd: {  	[tilespmem:v1+s22+$0x0] =	vst.idx.msk vm0, v2  }
0x6fe: {  	v1 =	vld [tilespmem:$0x7A0];
	_ =	sdelay $0x4  }
0x6ff: {  	vm4 =	vlt.s32 v1, $0x13C0  }
0x700: {  	(xrf1) =	vunique.msk.u32 vm4, v1;
	_ =	sdelay $0x5  }
0x701: {  	vm5 =	vge.s32 v1, $0x13C0;
	v2 =	vadd.s32 $0xFFFFEC40, v1  }
0x702: {  	(xrf1) =	vunique.msk.u32 vm5, v1;
	v1 =	vsel vm4, v1, v2;
	_ =	sdelay $0x4  }
0x703: {  	v3 =	vld.idx.msk [tilespmem:v1+s22+$0x0], $0xffff;
	_ =	sdelay $0x1  }
0x704: {  	_, v2, vm0 =	vpop (xrf1);
	_ =	sdelay $0x2  }
0x705: {  	v2 =	vadd.s32 v3, v2;
	_ =	sdelay $0x2  }
0x706: {  	[tilespmem:v1+s22+$0x0] =	vst.idx.msk vm0, v2  }
0x707: {  	_, v2, vm0 =	vpop (xrf1);
	v3 =	vld.idx.msk [tilespmem:v1+s22+$0x0], $0xffff;
	_ =	sdelay $0x3  }
0x708: {  	v2 =	vshll.u32 v2, $0x10  }
0x709: {  	v2 =	vadd.s32 v3, v2  }
0x70a: {  	[tilespmem:v1+s22+$0x0] =	vst.idx.msk vm0, v2  }
0x70b: {  	v1 =	vld [tilespmem:$0x7B0];
	_ =	sdelay $0x4  }
0x70c: {  	vm6 =	vlt.s32 v1, $0x13C0  }
0x70d: {  	(xrf1) =	vunique.msk.u32 vm6, v1;
	_ =	sdelay $0x5  }
0x70e: {  	vm7 =	vge.s32 v1, $0x13C0;
	v2 =	vadd.s32 $0xFFFFEC40, v1  }
0x70f: {  	(xrf1) =	vunique.msk.u32 vm7, v1;
	v1 =	vsel vm6, v1, v2;
	_ =	sdelay $0x4  }
0x710: {  	v3 =	vld.idx.msk [tilespmem:v1+s22+$0x0], $0xffff;
	_ =	sdelay $0x1  }
0x711: {  	_, v2, vm0 =	vpop (xrf1);
	_ =	sdelay $0x2  }
0x712: {  	v2 =	vadd.s32 v3, v2;
	_ =	sdelay $0x2  }
0x713: {  	[tilespmem:v1+s22+$0x0] =	vst.idx.msk vm0, v2  }
0x714: {  	_, v2, vm0 =	vpop (xrf1);
	v3 =	vld.idx.msk [tilespmem:v1+s22+$0x0], $0xffff;
	_ =	sdelay $0x3  }
0x715: {  	v2 =	vshll.u32 v2, $0x10  }
0x716: {  	v2 =	vadd.s32 v3, v2  }
0x717: {  	[tilespmem:v1+s22+$0x0] =	vst.idx.msk vm0, v2  }
0x718: {  	v1 =	vld [tilespmem:$0x7C0];
	_ =	sdelay $0x4  }
0x719: {  	vm8 =	vlt.s32 v1, $0x13C0  }
0x71a: {  	(xrf1) =	vunique.msk.u32 vm8, v1;
	_ =	sdelay $0x5  }
0x71b: {  	vm9 =	vge.s32 v1, $0x13C0;
	v2 =	vadd.s32 $0xFFFFEC40, v1  }
0x71c: {  	(xrf1) =	vunique.msk.u32 vm9, v1;
	v1 =	vsel vm8, v1, v2;
	_ =	sdelay $0x4  }
0x71d: {  	v3 =	vld.idx.msk [tilespmem:v1+s22+$0x0], $0xffff;
	_ =	sdelay $0x1  }
0x71e: {  	_, v2, vm0 =	vpop (xrf1);
	_ =	sdelay $0x2  }
0x71f: {  	v2 =	vadd.s32 v3, v2;
	_ =	sdelay $0x2  }
0x720: {  	[tilespmem:v1+s22+$0x0] =	vst.idx.msk vm0, v2  }
0x721: {  	_, v2, vm0 =	vpop (xrf1);
	v3 =	vld.idx.msk [tilespmem:v1+s22+$0x0], $0xffff;
	_ =	sdelay $0x3  }
0x722: {  	v2 =	vshll.u32 v2, $0x10  }
0x723: {  	v2 =	vadd.s32 v3, v2  }
0x724: {  	[tilespmem:v1+s22+$0x0] =	vst.idx.msk vm0, v2  }
0x725: {  	v1 =	vld [tilespmem:$0x7D0];
	_ =	sdelay $0x4  }
0x726: {  	vm10 =	vlt.s32 v1, $0x13C0  }
0x727: {  	(xrf1) =	vunique.msk.u32 vm10, v1;
	_ =	sdelay $0x5  }
0x728: {  	vm11 =	vge.s32 v1, $0x13C0;
	v2 =	vadd.s32 $0xFFFFEC40, v1  }
0x729: {  	(xrf1) =	vunique.msk.u32 vm11, v1;
	v1 =	vsel vm10, v1, v2;
	_ =	sdelay $0x4  }
0x72a: {  	v3 =	vld.idx.msk [tilespmem:v1+s22+$0x0], $0xffff;
	_ =	sdelay $0x1  }
0x72b: {  	_, v2, vm0 =	vpop (xrf1);
	_ =	sdelay $0x2  }
0x72c: {  	v2 =	vadd.s32 v3, v2;
	_ =	sdelay $0x2  }
0x72d: {  	[tilespmem:v1+s22+$0x0] =	vst.idx.msk vm0, v2  }
0x72e: {  	_, v2, vm0 =	vpop (xrf1);
	v3 =	vld.idx.msk [tilespmem:v1+s22+$0x0], $0xffff;
	_ =	sdelay $0x3  }
0x72f: {  	v2 =	vshll.u32 v2, $0x10  }
0x730: {  	v2 =	vadd.s32 v3, v2  }
0x731: {  	[tilespmem:v1+s22+$0x0] =	vst.idx.msk vm0, v2  }
0x732: {  	v1 =	vld [tilespmem:$0x7E0];
	_ =	sdelay $0x4  }
0x733: {  	vm12 =	vlt.s32 v1, $0x13C0  }
0x734: {  	(xrf1) =	vunique.msk.u32 vm12, v1;
	_ =	sdelay $0x5  }
0x735: {  	vm13 =	vge.s32 v1, $0x13C0;
	v2 =	vadd.s32 $0xFFFFEC40, v1  }
0x736: {  	(xrf1) =	vunique.msk.u32 vm13, v1;
	v1 =	vsel vm12, v1, v2;
	_ =	sdelay $0x4  }
0x737: {  	v3 =	vld.idx.msk [tilespmem:v1+s22+$0x0], $0xffff;
	_ =	sdelay $0x1  }
0x738: {  	_, v2, vm0 =	vpop (xrf1);
	_ =	sdelay $0x2  }
0x739: {  	v2 =	vadd.s32 v3, v2;
	_ =	sdelay $0x2  }
0x73a: {  	[tilespmem:v1+s22+$0x0] =	vst.idx.msk vm0, v2  }
0x73b: {  	_, v2, vm0 =	vpop (xrf1);
	v3 =	vld.idx.msk [tilespmem:v1+s22+$0x0], $0xffff;
	_ =	sdelay $0x3  }
0x73c: {  	v2 =	vshll.u32 v2, $0x10  }
0x73d: {  	v2 =	vadd.s32 v3, v2  }
0x73e: {  	[tilespmem:v1+s22+$0x0] =	vst.idx.msk vm0, v2  }
0x73f: {  	v1 =	vld [tilespmem:$0x7F0];
	_ =	sdelay $0x4  }
0x740: {  	vm14 =	vlt.s32 v1, $0x13C0  }
0x741: {  	(xrf1) =	vunique.msk.u32 vm14, v1;
	_ =	sdelay $0x5  }
0x742: {  	vm15 =	vge.s32 v1, $0x13C0;
	v2 =	vadd.s32 $0xFFFFEC40, v1  }
0x743: {  	(xrf1) =	vunique.msk.u32 vm15, v1;
	v1 =	vsel vm14, v1, v2;
	_ =	sdelay $0x4  }
0x744: {  	v3 =	vld.idx.msk [tilespmem:v1+s22+$0x0], $0xffff;
	_ =	sdelay $0x1  }
0x745: {  	_, v2, vm0 =	vpop (xrf1);
	_ =	sdelay $0x2  }
0x746: {  	v2 =	vadd.s32 v3, v2;
	_ =	sdelay $0x2  }
0x747: {  	[tilespmem:v1+s22+$0x0] =	vst.idx.msk vm0, v2  }
0x748: {  	_, v2, vm0 =	vpop (xrf1);
	v3 =	vld.idx.msk [tilespmem:v1+s22+$0x0], $0xffff  }
0x749: {  	p0 =	sne.s32 s12, $0x400  }
.Ltmp1:
0x74a: {  	_ = 	snop;
	(pc) =	sbr.rel @p0 .LBB2_4-.Ltmp1, $4  }
0x74b: {  	_ = 	snop  }
0x74c: {  	v2 =	vshll.u32 v2, $0x10  }
0x74d: {  	v2 =	vadd.s32 v3, v2  }
0x74e: {  	s12 =	sadd.s32 $0x80, s12;
	[tilespmem:v1+s22+$0x0] =	vst.idx.msk vm0, v2  }
0x74f: {  	_ =	swait.ge [sflag:s23], $0x4000  }
0x750: {  	[sflag:s23] =	ssyncset.done $0x0  }
0x751: {  	[sflag:s23] =	ssyncadd.s32 $0xFFFFC000  }
0x752: {  	_ =	swait.ge [sflag:s16], $0x400  }
0x753: {  	[sflag:s16] =	ssyncset.done $0x0  }
0x754: {  	[sflag:s16] =	ssyncadd.s32 $0xFFFFFC00  }
0x755: {  	[bflag:$0x0] =	sbarrier.arrive $0xFFFF  }
0x756: {  	s6 =	rddreg [dreg:$0xa]  }
0x757: {  	[hbm:s6], [sflag:s7] =	dma.local [spmem:s14], $0x2780  }
0x758: {  	_ =	swait.ge [sflag:s15], $0x2780  }
0x759: {  	[sflag:s15] =	ssyncset.done $0x0  }
0x75a: {  	s12 =	rddreg [dreg:$0xb];
	[sflag:s15] =	ssyncadd.s32 $0xFFFFD880  }
0x75b: {  	[hbm4b:s12+s17] =	stream.strided.scatter [tilespmem:s22], [sflag:$0x4], $0x1400, s19, s17, $0x38;
	[tilespmem:$0x1D800] =	vst v63  }
0x75c: {  	_ =	swait.ge [sflag:s15], $0x1400  }
0x75d: {  	s11 =	sadd.s32 $0x1, s11;
	s12 =	rddreg [dreg:$0xc]  }
0x75e: {  	p0 =	sne.s32 s11, s12  }
.Ltmp2:
0x75f: {  	_ = 	snop;
	(pc) =	sbr.rel @p0 .LBB2_1-.Ltmp2, $3  }
0x760: {  	_ =	sdelay $0x1  }
0x761: {  	[sflag:s15] =	ssyncset.done $0x0  }
0x762: {  	[sflag:s15] =	ssyncadd.s32 $0xFFFFEC00  }
0x763: {  	_ =	sfence.sel $0x180000  }
0x764: {  	[bflag:$0x0] =	sbarrier.arrive $0xFFFF  }
0x765: {  	_ =	strace $0x90000047  }
0x766: {  	s0 =	stileid.u32;
	[bflag:$0x2] =	sbarrier.arrive $0xFFFF  }
0x767: {  	p0 =	sne.s32 s0, $0x0;
	s0 =	rddreg [dreg:$0x4]  }
0x768: {  	s0 =	sadd.s32 @!p0 $0x100000, s0  }
0x769: {  	[sflag:s0] =	ssyncadd.tile.s32 @!p0 $0x1;
	_ =	shalt  }
.Lfunc_end2:
_tile_overlayer_lowered:
.L_overlay_start_2:
0x76a: {  	(tag) =	ssettag $0x2  }
0x76b: {  	s0 =	rddreg [dreg:$0x0];
	s2 =	stileid.u32  }
0x76c: {  	s1 =	rddreg [dreg:$0x1];
	p0 =	sne.s32 s2, $0x0  }
0x76d: {  	s3 =	rddreg [dreg:$0x2];
	[bflag:$0x3] =	sbarrier.arrive $0xFFFF;
	s2 =	simm.s32 @!p0 $0x1C04  }
0x76e: {  	[timem:s3], [sflag:s2] =	dma.local @!p0 [hbm:s0], s1  }
0x76f: {  	s0 =	simm.s32 @!p0 $0x4  }
0x770: {  	_ =	swait.ge @!p0 [sflag:s0], s1  }
0x771: {  	s1 =	ssub.s32 @!p0 $0x0, s1;
	[sflag:s0] =	ssyncset.done @!p0 $0x0  }
0x772: {  	[sflag:s0] =	ssyncadd.s32 @!p0 s1  }
0x773: {  	[bflag:$0x3] =	sbarrier.arrive $0xFFFF  }
0x774: {  	_ =	shalt  }

</sc_bundles>
